<compile_context>
chip_gen: v7x
topology: tpu7x:2x2x1
jax: 0.10.2.dev20260603
libtpu: 0.0.44.dev20260713+nightly
codegen_flags: <defaults>
</compile_context>

<pallas_src>
import functools

import jax
import jax.numpy as jnp
from jax import lax
from jax.experimental import pallas as pl
from jax.experimental.pallas import tpu as pltpu
from jax.experimental.pallas import tpu_sc as plsc

_F32 = jnp.float32
_I32 = jnp.int32


def _tc1_body(stk_ref, nf_hbm, wq_hbm, wn_hbm,
              aux_ref, rmean_ref,
              nf_v, wq_v, wn_v, sems):
    H = stk_ref.shape[1]
    B = stk_ref.shape[0] - 7
    N = nf_v.shape[0]
    MAX_PATHS = 4.0

    CH = 4
    R = H // CH

    def _start(hbm, vmem, base, row_splits):
        cps = []
        r0 = 0
        for i, nrows in enumerate(row_splits):
            cp = pltpu.make_async_copy(hbm.at[pl.ds(r0, nrows), :],
                                       vmem.at[pl.ds(r0, nrows), :],
                                       sems.at[base + i])
            cp.start()
            cps.append(cp)
            r0 += nrows
        return cps

    cp_wq = _start(wq_hbm, wq_v, 0, [R] * CH)
    cp_nf = _start(nf_hbm, nf_v, CH, [104, 96])
    cp_wn = _start(wn_hbm, wn_v, CH + 2, [R] * CH)

    q = stk_ref[0:B, :]
    bq = stk_ref[B:B + 1, :]
    bn = stk_ref[B + 1:B + 2, :]
    bidx_f = stk_ref[B + 6:B + 7, :N]

    iota_bf = jax.lax.broadcasted_iota(_I32, (B, N), 0).astype(_F32)
    Mb = bidx_f == iota_bf
    Mf = Mb.astype(_F32)
    cnt = jnp.sum(Mf, axis=1, keepdims=True)
    iota_n = jax.lax.broadcasted_iota(_I32, (B, N), 1)
    k = jnp.minimum(cnt, 3.0)
    per = jnp.floor(MAX_PATHS / jnp.maximum(k, 1.0))

    def _dot_t(x, w):
        return jax.lax.dot_general(x, w, (((1,), (1,)), ((), ())),
                                   preferred_element_type=_F32)

    for cp in cp_wq:
        cp.wait()
    qp = _dot_t(q, wq_v[...]) + bq
    an = jnp.maximum(jnp.sqrt(jnp.sum(qp * qp, axis=1, keepdims=True)), 1e-8)

    for cp in cp_nf + cp_wn:
        cp.wait()
    npj = _dot_t(nf_v[...], wn_v[...]) + bn
    Bn = jnp.maximum(jnp.sqrt(jnp.sum(npj * npj, axis=1, keepdims=True)), 1e-8)

    S = jax.lax.dot_general(qp, npj, (((1,), (1,)), ((), ())),
                            preferred_element_type=_F32)
    S = S / (an * Bn.reshape(1, N))

    NEG = jnp.float32(-2.0)
    Ssel = jnp.where(Mb, S, NEG)
    gs = []
    for _ in range(3):
        m = jnp.max(Ssel, axis=1, keepdims=True)
        g = jnp.min(jnp.where(Ssel == m, iota_n, N), axis=1, keepdims=True)
        gs.append(g)
        Ssel = jnp.where(iota_n == g, NEG, Ssel)

    rmean_ref[...] = jnp.dot(Mf, npj, preferred_element_type=_F32) / jnp.maximum(cnt, 1.0)

    aux = jnp.concatenate(
        [k.astype(_I32), per.astype(_I32), gs[0], gs[1], gs[2],
         cnt.astype(_I32), jnp.zeros((B, 10), _I32)], axis=1)
    aux_ref[...] = aux


def _sc_body(ei_hbm, bidx_hbm, aux_hbm, out_hbm,
             src_v, dst_v, bidx_v, aux_v, out_v):
    cid = lax.axis_index("c")
    sid = lax.axis_index("s")

    @pl.when((cid == 0) & (sid == 0))
    def _work():
        pltpu.sync_copy(ei_hbm.at[0], src_v)
        pltpu.sync_copy(ei_hbm.at[1], dst_v)
        pltpu.sync_copy(bidx_hbm, bidx_v)
        pltpu.sync_copy(aux_hbm, aux_v)

        iota16 = lax.iota(_I32, 16)
        zeros_i = jnp.zeros((16,), _I32)
        row16 = iota16 * 16

        def _zbody(i, carry):
            out_v[pl.ds(i * 16, 16)] = zeros_i
            return carry

        lax.fori_loop(0, out_v.shape[0] // 16, _zbody, 0)

        k_v = plsc.load_gather(aux_v, [row16])
        per_v = plsc.load_gather(aux_v, [row16 + 1])
        g0 = plsc.load_gather(aux_v, [row16 + 2])
        g1 = plsc.load_gather(aux_v, [row16 + 3])
        g2 = plsc.load_gather(aux_v, [row16 + 4])

        def _body(ci, carry):
            c0, c1, c2, pos = carry
            src16 = src_v[pl.ds(ci * 16, 16)]
            dst16 = dst_v[pl.ds(ci * 16, 16)]
            bd16 = plsc.load_gather(bidx_v, [dst16])
            for j in range(16):
                s_e = src16[j]
                d_e = dst16[j]
                in_b = iota16 == bd16[j]
                m0 = (g0 == s_e) & in_b & (k_v > 0) & (c0 < per_v)
                m1 = (g1 == s_e) & in_b & (k_v > 1) & (c1 < per_v)
                m2 = (g2 == s_e) & in_b & (k_v > 2) & (c2 < per_v)
                take = m0 | m1 | m2

                @pl.when(jnp.any(take))
                def _record():
                    plsc.store_scatter(out_v, [row16 + pos], zeros_i + d_e,
                                       mask=take)

                c0 = c0 + jnp.where(m0, 1, 0)
                c1 = c1 + jnp.where(m1, 1, 0)
                c2 = c2 + jnp.where(m2, 1, 0)
                pos = pos + jnp.where(take, 1, 0)
            return c0, c1, c2, pos

        c0, c1, c2, pos = lax.fori_loop(
            0, src_v.shape[0] // 16, _body,
            (zeros_i, zeros_i, zeros_i, zeros_i))

        plsc.store_scatter(out_v, [row16 + 4], pos)
        plsc.store_scatter(out_v, [row16 + 5], c0)
        plsc.store_scatter(out_v, [row16 + 6], c1)
        plsc.store_scatter(out_v, [row16 + 7], c2)
        plsc.store_scatter(out_v, [row16 + 8], g0)
        plsc.store_scatter(out_v, [row16 + 9], g1)
        plsc.store_scatter(out_v, [row16 + 10], g2)
        pltpu.sync_copy(out_v, out_hbm)


def _tc2_body(stk_ref, nf_hbm, w1_hbm, w2_hbm, sel_ref,
              rmean_ref, out_ref, nf_v, w1_v, w2_v, sems):
    H = stk_ref.shape[1]
    B = stk_ref.shape[0] - 7
    N = nf_v.shape[0]

    CH = 4
    R = H // CH

    def _start(hbm, vmem, base, row_splits):
        cps = []
        r0 = 0
        for i, nrows in enumerate(row_splits):
            cp = pltpu.make_async_copy(hbm.at[pl.ds(r0, nrows), :],
                                       vmem.at[pl.ds(r0, nrows), :],
                                       sems.at[base + i])
            cp.start()
            cps.append(cp)
            r0 += nrows
        return cps

    cp_nf = _start(nf_hbm, nf_v, 0, [104, 96])
    cp_w1 = _start(w1_hbm, w1_v, 2, [R] * CH)
    cp_w2 = _start(w2_hbm, w2_v, 2 + CH, [R] * CH)

    b1 = stk_ref[B + 2:B + 3, :]
    b2 = stk_ref[B + 3:B + 4, :]
    gamma = stk_ref[B + 4:B + 5, :]
    beta = stk_ref[B + 5:B + 6, :]

    npaths_i = sel_ref[:, 4:5]
    npaths = npaths_i.astype(_F32)
    iota_n = jax.lax.broadcasted_iota(_I32, (B, N), 1)
    u = jnp.zeros((B, N), _F32)
    for s in range(4):
        d_s = sel_ref[:, s:s + 1]
        u = u + ((iota_n == d_s) & (s < npaths_i)).astype(_F32)
    for j in range(3):
        c_j = sel_ref[:, 5 + j:6 + j].astype(_F32)
        g_j = sel_ref[:, 8 + j:9 + j]
        u = u + c_j * (iota_n == g_j).astype(_F32)

    def _dot_t(x, w):
        return jax.lax.dot_general(x, w, (((1,), (1,)), ((), ())),
                                   preferred_element_type=_F32)

    for cp in cp_nf:
        cp.wait()
    aggsum = jnp.dot(u, nf_v[...], preferred_element_type=_F32)
    agg = aggsum / (2.0 * jnp.maximum(npaths, 1.0))

    for cp in cp_w1:
        cp.wait()
    h = jnp.maximum(_dot_t(agg, w1_v[...]) + b1, 0.0)
    for cp in cp_w2:
        cp.wait()
    rep_paths = _dot_t(h, w2_v[...]) + b2

    rep = jnp.where(npaths > 0.0, rep_paths, rmean_ref[...])

    mu = jnp.mean(rep, axis=1, keepdims=True)
    d = rep - mu
    var = jnp.mean(d * d, axis=1, keepdims=True)
    out_ref[...] = d * jax.lax.rsqrt(var + 1e-5) * gamma + beta


@jax.jit
def _run(query, node_features, edge_index, batch_indices, Wq, bq, Wn, bn,
         W1, b1, W2, b2, gamma, beta):
    B, H = query.shape
    N = node_features.shape[0]
    E = edge_index.shape[1]
    bidx_pad = jnp.pad(batch_indices.astype(_F32), (0, H - N),
                       constant_values=B)
    stk = jnp.concatenate(
        [query, jnp.stack([bq, bn, b1, b2, gamma, beta]),
         bidx_pad.reshape(1, H)], axis=0)
    ei = edge_index.astype(_I32)
    hbm = pl.BlockSpec(memory_space=pl.ANY)
    auto = pl.BlockSpec()

    aux, rmean = pl.pallas_call(
        _tc1_body,
        out_shape=(jax.ShapeDtypeStruct((B, 16), _I32),
                   jax.ShapeDtypeStruct((B, H), _F32)),
        in_specs=[auto, hbm, hbm, hbm],
        scratch_shapes=[
            pltpu.VMEM((N, H), _F32), pltpu.VMEM((H, H), _F32),
            pltpu.VMEM((H, H), _F32),
            pltpu.SemaphoreType.DMA((10,)),
        ],
    )(stk, node_features, Wq, Wn)

    mesh = plsc.VectorSubcoreMesh(core_axis_name="c", subcore_axis_name="s")
    sc = functools.partial(
        pl.kernel, mesh=mesh,
        compiler_params=pltpu.CompilerParams(needs_layout_passes=False),
        out_type=jax.ShapeDtypeStruct((B * 16,), _I32),
        scratch_types=[
            pltpu.VMEM((E,), _I32), pltpu.VMEM((E,), _I32),
            pltpu.VMEM((N,), _I32), pltpu.VMEM((B * 16,), _I32),
            pltpu.VMEM((B * 16,), _I32),
        ],
    )(_sc_body)
    sel = sc(ei, batch_indices.astype(_I32), aux.reshape(B * 16))

    out = pl.pallas_call(
        _tc2_body,
        out_shape=jax.ShapeDtypeStruct((B, H), _F32),
        in_specs=[auto, hbm, hbm, hbm, auto, auto],
        scratch_shapes=[
            pltpu.VMEM((N, H), _F32), pltpu.VMEM((H, H), _F32),
            pltpu.VMEM((H, H), _F32),
            pltpu.SemaphoreType.DMA((10,)),
        ],
    )(stk, node_features, W1, W2, sel.reshape(B, 16), rmean)
    return out


def kernel(query, node_features, edge_index, batch_indices, Wq, bq, Wn, bn,
           W1, b1, W2, b2, gamma, beta):
    return _run(query, node_features, edge_index, batch_indices,
                Wq, bq, Wn, bn, W1, b1, W2, b2, gamma, beta)

# --- scband reference (transcript-rebuilt; emitter-appended) ---
"""Pipeline reference for scband-path-finder-2336462209714 (READ-ONLY COPY).

The authoritative reference and input builder live on the scoring server;
editing this copy changes nothing except your own understanding.
"""

import jax, jax.numpy as jnp
import numpy as np

HID = 768
MAX_HOPS = 2   # min(max_hops=4, 2)
MAX_PATHS = 4  # min(max_paths=8, 4)
N_NODES = 200
N_EDGES = 400
BATCH = 16


def setup_inputs(seed: int = 0):
    key = jax.random.key(seed)
    ks = jax.random.split(key, 10)
    query = jax.random.normal(ks[0], (BATCH, HID), dtype=jnp.float32)
    node_features = jax.random.normal(ks[1], (N_NODES, HID), dtype=jnp.float32)
    edge_index = jax.random.randint(ks[2], (2, N_EDGES), 0, N_NODES)
    batch_indices = jnp.sort(jax.random.randint(ks[3], (N_NODES,), 0, BATCH))
    Wq = jax.random.normal(ks[4], (HID, HID), dtype=jnp.float32) * 0.02
    bq = jnp.zeros((HID,), jnp.float32)
    Wn = jax.random.normal(ks[5], (HID, HID), dtype=jnp.float32) * 0.02
    bn = jnp.zeros((HID,), jnp.float32)
    W1 = jax.random.normal(ks[6], (HID, HID), dtype=jnp.float32) * 0.02
    b1 = jnp.zeros((HID,), jnp.float32)
    W2 = jax.random.normal(ks[7], (HID, HID), dtype=jnp.float32) * 0.02
    b2 = jnp.zeros((HID,), jnp.float32)
    gamma = jnp.ones((HID,), jnp.float32)
    beta = jnp.zeros((HID,), jnp.float32)
    return {"query": query, "node_features": node_features, "edge_index": edge_index,
            "batch_indices": batch_indices, "Wq": Wq, "bq": bq, "Wn": Wn, "bn": bn,
            "W1": W1, "b1": b1, "W2": W2, "b2": b2, "gamma": gamma, "beta": beta}


def reference(query, node_features, edge_index, batch_indices, Wq, bq, Wn, bn, W1, b1, W2, b2, gamma, beta):
    qp = query @ Wq.T + bq
    node_proj = node_features @ Wn.T + bn
    an = jnp.maximum(jnp.linalg.norm(qp, axis=1), 1e-8)
    Bn = jnp.maximum(jnp.linalg.norm(node_proj, axis=1), 1e-8)
    src = edge_index[0]
    dst = edge_index[1]
    reps = []
    for b in range(query.shape[0]):
        mask = batch_indices == b
        cnt = mask.sum()
        sim = (node_proj @ qp[b]) / (an[b] * Bn)
        order = jnp.argsort(jnp.where(mask, -sim, jnp.inf), stable=True)
        k = jnp.minimum(3, cnt)
        per = MAX_PATHS // jnp.maximum(k, 1)
        edge_in_batch = mask[src] & mask[dst]
        takes = []
        for j in range(3):
            g = order[j]
            match = edge_in_batch & (src == g) & (j < k)
            take = match & (jnp.cumsum(match) <= per)
            takes.append(take)
        flat = jnp.stack(takes).reshape(-1)
        keys = jnp.where(flat, jnp.arange(3 * N_EDGES), 3 * N_EDGES)
        slots = jnp.sort(keys)[:MAX_PATHS]
        valid = slots < 3 * N_EDGES
        j_idx = jnp.where(valid, slots // N_EDGES, 0)
        e_idx = jnp.where(valid, slots % N_EDGES, 0)
        p_src = order[j_idx]
        p_dst = dst[e_idx]
        prs = (node_features[p_src] + node_features[p_dst]) / 2
        npaths = valid.sum()
        agg = (prs * valid[:, None]).sum(axis=0) / jnp.maximum(npaths, 1)
        h = jnp.maximum(agg @ W1.T + b1, 0.0)
        rep_paths = h @ W2.T + b2
        rep_mean = (node_proj * mask[:, None]).sum(axis=0) / jnp.maximum(cnt, 1)
        rep = jnp.where(npaths > 0, rep_paths, rep_mean)
        rep = jnp.where(cnt > 0, rep, jnp.zeros((HID,), jnp.float32))
        reps.append(rep)
    out = jnp.stack(reps)
    mu = out.mean(axis=-1, keepdims=True)
    var = out.var(axis=-1, keepdims=True)
    out = (out - mu) / jnp.sqrt(var + 1e-5) * gamma + beta
    return out

if __name__ == "__main__":
    import jax
    _d = setup_inputs()
    print(jax.jit(kernel)(*tuple(_d.values())))

</pallas_src>

<mosaic_0001>
#map = affine_map<(d0, d1) -> (0, 0)>
#map1 = affine_map<(d0, d1) -> (0)>
module attributes {stable_mosaic.version = 14 : i64} {
  func.func @_sc_body(%arg0: i32, %arg1: i32, %arg2: memref<2x400xi32, #tpu.memory_space<hbm>>, %arg3: memref<200xi32, #tpu.memory_space<hbm>>, %arg4: memref<256xi32, #tpu.memory_space<hbm>>, %arg5: memref<256xi32, #tpu.memory_space<hbm>>, %arg6: memref<400xi32, #tpu.memory_space<vmem>>, %arg7: memref<400xi32, #tpu.memory_space<vmem>>, %arg8: memref<200xi32, #tpu.memory_space<vmem>>, %arg9: memref<256xi32, #tpu.memory_space<vmem>>, %arg10: memref<256xi32, #tpu.memory_space<vmem>>) attributes {dimension_semantics = [#tpu.dimension_semantics<core_parallel>, #tpu.dimension_semantics<subcore_parallel>], iteration_bounds = array<i64: 2, 16>, scalar_prefetch = 0 : i64, scratch_operands = 5 : i64, tpu.core_type = #tpu.core_type<sc_vector_subcore>, window_params = [{transform_indices = #map}, {transform_indices = #map1}, {transform_indices = #map1}, {transform_indices = #map1}]} {
    %eq3A = arith.constant 0 : i32
    %eq3A_0 = arith.cmpi eq, %arg0, %eq3A : i32
    %eq3A_1 = arith.constant 0 : i32
    %eq3A_2 = arith.cmpi eq, %arg1, %eq3A_1 : i32
    %and3A = arith.andi %eq3A_0, %eq3A_2 : i1
    %convert_element_type3A = arith.extui %and3A : i1 to i32
    %cond3A = arith.constant 0 : i32
    %cond3A_3 = arith.cmpi ne, %convert_element_type3A, %cond3A : i32
    scf.if %cond3A_3 {
      %run_scoped3A = arith.constant 0 : i32
      "tpu.region"() ({
        %run_scoped3A_55 = tpu.sem_alloc : memref<!tpu.dma_semaphore, #tpu.memory_space<semaphore_mem>>
        %dma_start3A = arith.constant 0 : i32
        %dma_start3A_56 = tpu.memref_slice %arg2[%run_scoped3A, %dma_start3A] : memref<2x400xi32, #tpu.memory_space<hbm>> -> memref<1x400xi32, #tpu.memory_space<hbm>>
        %dma_start3A_57 = tpu.memref_squeeze %dma_start3A_56 : memref<1x400xi32, #tpu.memory_space<hbm>> -> memref<400xi32, #tpu.memory_space<hbm>>
        %dma_start3A_58 = arith.constant 0 : i32
        %dma_start3A_59 = tpu.memref_slice %arg2[%run_scoped3A, %dma_start3A_58] : memref<2x400xi32, #tpu.memory_space<hbm>> -> memref<1x400xi32, #tpu.memory_space<hbm>>
        %dma_start3A_60 = tpu.memref_squeeze %dma_start3A_59 : memref<1x400xi32, #tpu.memory_space<hbm>> -> memref<400xi32, #tpu.memory_space<hbm>>
        tpu.enqueue_dma source(%dma_start3A_60 : memref<400xi32, #tpu.memory_space<hbm>>) target(%arg6 : memref<400xi32, #tpu.memory_space<vmem>>) target_semaphore(%run_scoped3A_55 : memref<!tpu.dma_semaphore, #tpu.memory_space<semaphore_mem>>)
        %dma_wait3A = arith.constant 0 : i32
        %dma_wait3A_61 = tpu.memref_slice %arg2[%run_scoped3A, %dma_wait3A] : memref<2x400xi32, #tpu.memory_space<hbm>> -> memref<1x400xi32, #tpu.memory_space<hbm>>
        %dma_wait3A_62 = tpu.memref_squeeze %dma_wait3A_61 : memref<1x400xi32, #tpu.memory_space<hbm>> -> memref<400xi32, #tpu.memory_space<hbm>>
        %dma_wait3A_63 = arith.constant 0 : i32
        %dma_wait3A_64 = tpu.memref_slice %arg2[%run_scoped3A, %dma_wait3A_63] : memref<2x400xi32, #tpu.memory_space<hbm>> -> memref<1x400xi32, #tpu.memory_space<hbm>>
        %dma_wait3A_65 = tpu.memref_squeeze %dma_wait3A_64 : memref<1x400xi32, #tpu.memory_space<hbm>> -> memref<400xi32, #tpu.memory_space<hbm>>
        tpu.wait_dma2 semaphore(%run_scoped3A_55 : memref<!tpu.dma_semaphore, #tpu.memory_space<semaphore_mem>>) src(%dma_wait3A_65 : memref<400xi32, #tpu.memory_space<hbm>>) dst(%arg6 : memref<400xi32, #tpu.memory_space<vmem>>)
        tpu.yield
      }) : () -> ()
      %run_scoped3A_4 = arith.constant 1 : i32
      "tpu.region"() ({
        %run_scoped3A_55 = tpu.sem_alloc : memref<!tpu.dma_semaphore, #tpu.memory_space<semaphore_mem>>
        %dma_start3A = arith.constant 0 : i32
        %dma_start3A_56 = tpu.memref_slice %arg2[%run_scoped3A_4, %dma_start3A] : memref<2x400xi32, #tpu.memory_space<hbm>> -> memref<1x400xi32, #tpu.memory_space<hbm>>
        %dma_start3A_57 = tpu.memref_squeeze %dma_start3A_56 : memref<1x400xi32, #tpu.memory_space<hbm>> -> memref<400xi32, #tpu.memory_space<hbm>>
        %dma_start3A_58 = arith.constant 0 : i32
        %dma_start3A_59 = tpu.memref_slice %arg2[%run_scoped3A_4, %dma_start3A_58] : memref<2x400xi32, #tpu.memory_space<hbm>> -> memref<1x400xi32, #tpu.memory_space<hbm>>
        %dma_start3A_60 = tpu.memref_squeeze %dma_start3A_59 : memref<1x400xi32, #tpu.memory_space<hbm>> -> memref<400xi32, #tpu.memory_space<hbm>>
        tpu.enqueue_dma source(%dma_start3A_60 : memref<400xi32, #tpu.memory_space<hbm>>) target(%arg7 : memref<400xi32, #tpu.memory_space<vmem>>) target_semaphore(%run_scoped3A_55 : memref<!tpu.dma_semaphore, #tpu.memory_space<semaphore_mem>>)
        %dma_wait3A = arith.constant 0 : i32
        %dma_wait3A_61 = tpu.memref_slice %arg2[%run_scoped3A_4, %dma_wait3A] : memref<2x400xi32, #tpu.memory_space<hbm>> -> memref<1x400xi32, #tpu.memory_space<hbm>>
        %dma_wait3A_62 = tpu.memref_squeeze %dma_wait3A_61 : memref<1x400xi32, #tpu.memory_space<hbm>> -> memref<400xi32, #tpu.memory_space<hbm>>
        %dma_wait3A_63 = arith.constant 0 : i32
        %dma_wait3A_64 = tpu.memref_slice %arg2[%run_scoped3A_4, %dma_wait3A_63] : memref<2x400xi32, #tpu.memory_space<hbm>> -> memref<1x400xi32, #tpu.memory_space<hbm>>
        %dma_wait3A_65 = tpu.memref_squeeze %dma_wait3A_64 : memref<1x400xi32, #tpu.memory_space<hbm>> -> memref<400xi32, #tpu.memory_space<hbm>>
        tpu.wait_dma2 semaphore(%run_scoped3A_55 : memref<!tpu.dma_semaphore, #tpu.memory_space<semaphore_mem>>) src(%dma_wait3A_65 : memref<400xi32, #tpu.memory_space<hbm>>) dst(%arg7 : memref<400xi32, #tpu.memory_space<vmem>>)
        tpu.yield
      }) : () -> ()
      "tpu.region"() ({
        %run_scoped3A_55 = tpu.sem_alloc : memref<!tpu.dma_semaphore, #tpu.memory_space<semaphore_mem>>
        tpu.enqueue_dma source(%arg3 : memref<200xi32, #tpu.memory_space<hbm>>) target(%arg8 : memref<200xi32, #tpu.memory_space<vmem>>) target_semaphore(%run_scoped3A_55 : memref<!tpu.dma_semaphore, #tpu.memory_space<semaphore_mem>>)
        tpu.wait_dma2 semaphore(%run_scoped3A_55 : memref<!tpu.dma_semaphore, #tpu.memory_space<semaphore_mem>>) src(%arg3 : memref<200xi32, #tpu.memory_space<hbm>>) dst(%arg8 : memref<200xi32, #tpu.memory_space<vmem>>)
        tpu.yield
      }) : () -> ()
      "tpu.region"() ({
        %run_scoped3A_55 = tpu.sem_alloc : memref<!tpu.dma_semaphore, #tpu.memory_space<semaphore_mem>>
        tpu.enqueue_dma source(%arg4 : memref<256xi32, #tpu.memory_space<hbm>>) target(%arg9 : memref<256xi32, #tpu.memory_space<vmem>>) target_semaphore(%run_scoped3A_55 : memref<!tpu.dma_semaphore, #tpu.memory_space<semaphore_mem>>)
        tpu.wait_dma2 semaphore(%run_scoped3A_55 : memref<!tpu.dma_semaphore, #tpu.memory_space<semaphore_mem>>) src(%arg4 : memref<256xi32, #tpu.memory_space<hbm>>) dst(%arg9 : memref<256xi32, #tpu.memory_space<vmem>>)
        tpu.yield
      }) : () -> ()
      %iota3A = tpu.iota {dimensions = array<i32: 0>} : vector<16xi32>
      %broadcast_in_dim3A = arith.constant 0 : i32
      %broadcast_in_dim3A_5 = vector.broadcast %broadcast_in_dim3A : i32 to vector<16xi32>
      %mul3A = arith.constant 16 : i32
      %mul3A_6 = vector.broadcast %mul3A : i32 to vector<16xi32>
      %mul3A_7 = arith.muli %iota3A, %mul3A_6 : vector<16xi32>
      %scan3A = arith.constant 0 : i32
      %scan3A_8 = arith.constant 0 : i32
      %scan3A_9 = arith.constant 16 : i32
      %scan3A_10 = arith.addi %scan3A_8, %scan3A_9 : i32
      %scan3A_11 = arith.constant 1 : i32
      scf.for %scan3A_55 = %scan3A_8 to %scan3A_10 step %scan3A_11  : i32 {
        %mul3A_56 = arith.constant 16 : i32
        %mul3A_57 = arith.muli %scan3A_55, %mul3A_56 : i32
        %swap3A = arith.index_cast %mul3A_57 : i32 to index
        %swap3A_58 = tpu.vector_load %arg10[%swap3A] {strides = array<i32>} : memref<256xi32, #tpu.memory_space<vmem>>, vector<16xi32>,
        tpu.vector_store %arg10[%swap3A], %broadcast_in_dim3A_5 {strides = array<i32>} : memref<256xi32, #tpu.memory_space<vmem>>, vector<16xi32>,
      }
      %scan3A_12 = arith.constant 16 : i32
      %gather3A = tpu.vector_load_idx %arg9[%mul3A_7] : memref<256xi32, #tpu.memory_space<vmem>>[vector<16xi32>], vector<16xi32>,
      %add3A = arith.constant 1 : i32
      %add3A_13 = vector.broadcast %add3A : i32 to vector<16xi32>
      %add3A_14 = arith.addi %mul3A_7, %add3A_13 : vector<16xi32>
      %gather3A_15 = tpu.vector_load_idx %arg9[%add3A_14] : memref<256xi32, #tpu.memory_space<vmem>>[vector<16xi32>], vector<16xi32>,
      %add3A_16 = arith.constant 2 : i32
      %add3A_17 = vector.broadcast %add3A_16 : i32 to vector<16xi32>
      %add3A_18 = arith.addi %mul3A_7, %add3A_17 : vector<16xi32>
      %gather3A_19 = tpu.vector_load_idx %arg9[%add3A_18] : memref<256xi32, #tpu.memory_space<vmem>>[vector<16xi32>], vector<16xi32>,
      %add3A_20 = arith.constant 3 : i32
      %add3A_21 = vector.broadcast %add3A_20 : i32 to vector<16xi32>
      %add3A_22 = arith.addi %mul3A_7, %add3A_21 : vector<16xi32>
      %gather3A_23 = tpu.vector_load_idx %arg9[%add3A_22] : memref<256xi32, #tpu.memory_space<vmem>>[vector<16xi32>], vector<16xi32>,
      %add3A_24 = arith.constant 4 : i32
      %add3A_25 = vector.broadcast %add3A_24 : i32 to vector<16xi32>
      %add3A_26 = arith.addi %mul3A_7, %add3A_25 : vector<16xi32>
      %gather3A_27 = tpu.vector_load_idx %arg9[%add3A_26] : memref<256xi32, #tpu.memory_space<vmem>>[vector<16xi32>], vector<16xi32>,
      %scan3A_28 = arith.constant 0 : i32
      %scan3A_29 = arith.constant 25 : i32
      %scan3A_30 = arith.addi %scan3A_28, %scan3A_29 : i32
      %scan3A_31 = arith.constant 1 : i32
      %scan3A_32:4 = scf.for %scan3A_55 = %scan3A_28 to %scan3A_30 step %scan3A_31 iter_args(%scan3A_56 = %broadcast_in_dim3A_5, %scan3A_57 = %broadcast_in_dim3A_5, %scan3A_58 = %broadcast_in_dim3A_5, %scan3A_59 = %broadcast_in_dim3A_5) -> (vector<16xi32>, vector<16xi32>, vector<16xi32>, vector<16xi32>)  : i32 {
        %mul3A_60 = arith.constant 16 : i32
        %mul3A_61 = arith.muli %scan3A_55, %mul3A_60 : i32
        %get3A = arith.index_cast %mul3A_61 : i32 to index
        %get3A_62 = tpu.vector_load %arg6[%get3A] {strides = array<i32>} : memref<400xi32, #tpu.memory_space<vmem>>, vector<16xi32>,
        %mul3A_63 = arith.constant 16 : i32
        %mul3A_64 = arith.muli %scan3A_55, %mul3A_63 : i32
        %get3A_65 = arith.index_cast %mul3A_64 : i32 to index
        %get3A_66 = tpu.vector_load %arg7[%get3A_65] {strides = array<i32>} : memref<400xi32, #tpu.memory_space<vmem>>, vector<16xi32>,
        %gather3A_67 = tpu.vector_load_idx %arg8[%get3A_66] : memref<200xi32, #tpu.memory_space<vmem>>[vector<16xi32>], vector<16xi32>,
        %slice3A = vector.extract_strided_slice %get3A_62 {offsets = [0], sizes = [1], strides = [1]} : vector<16xi32> to vector<1xi32>
        %squeeze3A = vector.extract %slice3A[0] : i32 from vector<1xi32>
        %slice3A_68 = vector.extract_strided_slice %get3A_66 {offsets = [0], sizes = [1], strides = [1]} : vector<16xi32> to vector<1xi32>
        %squeeze3A_69 = vector.extract %slice3A_68[0] : i32 from vector<1xi32>
        %slice3A_70 = vector.extract_strided_slice %gather3A_67 {offsets = [0], sizes = [1], strides = [1]} : vector<16xi32> to vector<1xi32>
        %squeeze3A_71 = vector.extract %slice3A_70[0] : i32 from vector<1xi32>
        %eq3A_72 = vector.broadcast %squeeze3A_71 : i32 to vector<16xi32>
        %eq3A_73 = arith.cmpi eq, %iota3A, %eq3A_72 : vector<16xi32>
        %eq3A_74 = vector.broadcast %squeeze3A : i32 to vector<16xi32>
        %eq3A_75 = arith.cmpi eq, %gather3A_19, %eq3A_74 : vector<16xi32>
        %and3A_76 = arith.andi %eq3A_75, %eq3A_73 : vector<16xi1>
        %gt3A = arith.constant 0 : i32
        %gt3A_77 = vector.broadcast %gt3A : i32 to vector<16xi32>
        %gt3A_78 = arith.cmpi sgt, %gather3A, %gt3A_77 : vector<16xi32>
        %and3A_79 = arith.andi %and3A_76, %gt3A_78 : vector<16xi1>
        %lt3A = arith.cmpi slt, %scan3A_56, %gather3A_15 : vector<16xi32>
        %and3A_80 = arith.andi %and3A_79, %lt3A : vector<16xi1>
        %eq3A_81 = vector.broadcast %squeeze3A : i32 to vector<16xi32>
        %eq3A_82 = arith.cmpi eq, %gather3A_23, %eq3A_81 : vector<16xi32>
        %and3A_83 = arith.andi %eq3A_82, %eq3A_73 : vector<16xi1>
        %gt3A_84 = arith.constant 1 : i32
        %gt3A_85 = vector.broadcast %gt3A_84 : i32 to vector<16xi32>
        %gt3A_86 = arith.cmpi sgt, %gather3A, %gt3A_85 : vector<16xi32>
        %and3A_87 = arith.andi %and3A_83, %gt3A_86 : vector<16xi1>
        %lt3A_88 = arith.cmpi slt, %scan3A_57, %gather3A_15 : vector<16xi32>
        %and3A_89 = arith.andi %and3A_87, %lt3A_88 : vector<16xi1>
        %eq3A_90 = vector.broadcast %squeeze3A : i32 to vector<16xi32>
        %eq3A_91 = arith.cmpi eq, %gather3A_27, %eq3A_90 : vector<16xi32>
        %and3A_92 = arith.andi %eq3A_91, %eq3A_73 : vector<16xi1>
        %gt3A_93 = arith.constant 2 : i32
        %gt3A_94 = vector.broadcast %gt3A_93 : i32 to vector<16xi32>
        %gt3A_95 = arith.cmpi sgt, %gather3A, %gt3A_94 : vector<16xi32>
        %and3A_96 = arith.andi %and3A_92, %gt3A_95 : vector<16xi1>
        %lt3A_97 = arith.cmpi slt, %scan3A_58, %gather3A_15 : vector<16xi32>
        %and3A_98 = arith.andi %and3A_96, %lt3A_97 : vector<16xi1>
        %or3A = arith.ori %and3A_80, %and3A_89 : vector<16xi1>
        %or3A_99 = arith.ori %or3A, %and3A_98 : vector<16xi1>
        %reduce_or3A = arith.constant 1.000000e+00 : f32
        %reduce_or3A_100 = arith.constant 0.000000e+00 : f32
        %reduce_or3A_101 = vector.broadcast %reduce_or3A : f32 to vector<16xf32>
        %reduce_or3A_102 = vector.broadcast %reduce_or3A_100 : f32 to vector<16xf32>
        %reduce_or3A_103 = arith.select %or3A_99, %reduce_or3A_101, %reduce_or3A_102 : vector<16xi1>, vector<16xf32>
        %reduce_or3A_104 = arith.constant true
        %reduce_or3A_105 = vector.broadcast %reduce_or3A_104 : i1 to vector<16xi1>
        %reduce_or3A_106 = tpu.scan <max>, %reduce_or3A_103 masked %reduce_or3A_105 : vector<16xf32>, vector<16xi1> -> vector<16xf32>
        %reduce_or3A_107 = vector.extract %reduce_or3A_106[15] : f32 from vector<16xf32>
        %reduce_or3A_108 = arith.constant 0.000000e+00 : f32
        %reduce_or3A_109 = arith.cmpf ogt, %reduce_or3A_107, %reduce_or3A_108 : f32
        %convert_element_type3A_110 = arith.extui %reduce_or3A_109 : i1 to i32
        %cond3A_111 = arith.constant 0 : i32
        %cond3A_112 = arith.cmpi ne, %convert_element_type3A_110, %cond3A_111 : i32
        scf.if %cond3A_112 {
          %add3A_1260 = arith.addi %mul3A_7, %scan3A_59 : vector<16xi32>
          %add3A_1261 = vector.broadcast %squeeze3A_69 : i32 to vector<16xi32>
          %add3A_1262 = arith.addi %broadcast_in_dim3A_5, %add3A_1261 : vector<16xi32>
          tpu.vector_store_idx %arg10[%add3A_1260], %add3A_1262 masked %or3A_99 : memref<256xi32, #tpu.memory_space<vmem>>[vector<16xi32>], vector<16xi32>, vector<16xi1>
        } else {
        }
        %jit3A = arith.constant 1 : i32
        %jit3A_113 = arith.constant 0 : i32
        %broadcast_in_dim3A_114 = vector.broadcast %jit3A : i32 to vector<16xi32>
        %broadcast_in_dim3A_115 = vector.broadcast %jit3A_113 : i32 to vector<16xi32>
        %select_n3A = arith.select %and3A_80, %broadcast_in_dim3A_114, %broadcast_in_dim3A_115 : vector<16xi1>, vector<16xi32>
        %add3A_116 = arith.addi %scan3A_56, %select_n3A : vector<16xi32>
        %jit3A_117 = arith.constant 1 : i32
        %jit3A_118 = arith.constant 0 : i32
        %broadcast_in_dim3A_119 = vector.broadcast %jit3A_117 : i32 to vector<16xi32>
        %broadcast_in_dim3A_120 = vector.broadcast %jit3A_118 : i32 to vector<16xi32>
        %select_n3A_121 = arith.select %and3A_89, %broadcast_in_dim3A_119, %broadcast_in_dim3A_120 : vector<16xi1>, vector<16xi32>
        %add3A_122 = arith.addi %scan3A_57, %select_n3A_121 : vector<16xi32>
        %jit3A_123 = arith.constant 1 : i32
        %jit3A_124 = arith.constant 0 : i32
        %broadcast_in_dim3A_125 = vector.broadcast %jit3A_123 : i32 to vector<16xi32>
        %broadcast_in_dim3A_126 = vector.broadcast %jit3A_124 : i32 to vector<16xi32>
        %select_n3A_127 = arith.select %and3A_98, %broadcast_in_dim3A_125, %broadcast_in_dim3A_126 : vector<16xi1>, vector<16xi32>
        %add3A_128 = arith.addi %scan3A_58, %select_n3A_127 : vector<16xi32>
        %jit3A_129 = arith.constant 1 : i32
        %jit3A_130 = arith.constant 0 : i32
        %broadcast_in_dim3A_131 = vector.broadcast %jit3A_129 : i32 to vector<16xi32>
        %broadcast_in_dim3A_132 = vector.broadcast %jit3A_130 : i32 to vector<16xi32>
        %select_n3A_133 = arith.select %or3A_99, %broadcast_in_dim3A_131, %broadcast_in_dim3A_132 : vector<16xi1>, vector<16xi32>
        %add3A_134 = arith.addi %scan3A_59, %select_n3A_133 : vector<16xi32>
        %slice3A_135 = vector.extract_strided_slice %get3A_62 {offsets = [1], sizes = [1], strides = [1]} : vector<16xi32> to vector<1xi32>
        %squeeze3A_136 = vector.extract %slice3A_135[0] : i32 from vector<1xi32>
        %slice3A_137 = vector.extract_strided_slice %get3A_66 {offsets = [1], sizes = [1], strides = [1]} : vector<16xi32> to vector<1xi32>
        %squeeze3A_138 = vector.extract %slice3A_137[0] : i32 from vector<1xi32>
        %slice3A_139 = vector.extract_strided_slice %gather3A_67 {offsets = [1], sizes = [1], strides = [1]} : vector<16xi32> to vector<1xi32>
        %squeeze3A_140 = vector.extract %slice3A_139[0] : i32 from vector<1xi32>
        %eq3A_141 = vector.broadcast %squeeze3A_140 : i32 to vector<16xi32>
        %eq3A_142 = arith.cmpi eq, %iota3A, %eq3A_141 : vector<16xi32>
        %eq3A_143 = vector.broadcast %squeeze3A_136 : i32 to vector<16xi32>
        %eq3A_144 = arith.cmpi eq, %gather3A_19, %eq3A_143 : vector<16xi32>
        %and3A_145 = arith.andi %eq3A_144, %eq3A_142 : vector<16xi1>
        %gt3A_146 = arith.constant 0 : i32
        %gt3A_147 = vector.broadcast %gt3A_146 : i32 to vector<16xi32>
        %gt3A_148 = arith.cmpi sgt, %gather3A, %gt3A_147 : vector<16xi32>
        %and3A_149 = arith.andi %and3A_145, %gt3A_148 : vector<16xi1>
        %lt3A_150 = arith.cmpi slt, %add3A_116, %gather3A_15 : vector<16xi32>
        %and3A_151 = arith.andi %and3A_149, %lt3A_150 : vector<16xi1>
        %eq3A_152 = vector.broadcast %squeeze3A_136 : i32 to vector<16xi32>
        %eq3A_153 = arith.cmpi eq, %gather3A_23, %eq3A_152 : vector<16xi32>
        %and3A_154 = arith.andi %eq3A_153, %eq3A_142 : vector<16xi1>
        %gt3A_155 = arith.constant 1 : i32
        %gt3A_156 = vector.broadcast %gt3A_155 : i32 to vector<16xi32>
        %gt3A_157 = arith.cmpi sgt, %gather3A, %gt3A_156 : vector<16xi32>
        %and3A_158 = arith.andi %and3A_154, %gt3A_157 : vector<16xi1>
        %lt3A_159 = arith.cmpi slt, %add3A_122, %gather3A_15 : vector<16xi32>
        %and3A_160 = arith.andi %and3A_158, %lt3A_159 : vector<16xi1>
        %eq3A_161 = vector.broadcast %squeeze3A_136 : i32 to vector<16xi32>
        %eq3A_162 = arith.cmpi eq, %gather3A_27, %eq3A_161 : vector<16xi32>
        %and3A_163 = arith.andi %eq3A_162, %eq3A_142 : vector<16xi1>
        %gt3A_164 = arith.constant 2 : i32
        %gt3A_165 = vector.broadcast %gt3A_164 : i32 to vector<16xi32>
        %gt3A_166 = arith.cmpi sgt, %gather3A, %gt3A_165 : vector<16xi32>
        %and3A_167 = arith.andi %and3A_163, %gt3A_166 : vector<16xi1>
        %lt3A_168 = arith.cmpi slt, %add3A_128, %gather3A_15 : vector<16xi32>
        %and3A_169 = arith.andi %and3A_167, %lt3A_168 : vector<16xi1>
        %or3A_170 = arith.ori %and3A_151, %and3A_160 : vector<16xi1>
        %or3A_171 = arith.ori %or3A_170, %and3A_169 : vector<16xi1>
        %reduce_or3A_172 = arith.constant 1.000000e+00 : f32
        %reduce_or3A_173 = arith.constant 0.000000e+00 : f32
        %reduce_or3A_174 = vector.broadcast %reduce_or3A_172 : f32 to vector<16xf32>
        %reduce_or3A_175 = vector.broadcast %reduce_or3A_173 : f32 to vector<16xf32>
        %reduce_or3A_176 = arith.select %or3A_171, %reduce_or3A_174, %reduce_or3A_175 : vector<16xi1>, vector<16xf32>
        %reduce_or3A_177 = arith.constant true
        %reduce_or3A_178 = vector.broadcast %reduce_or3A_177 : i1 to vector<16xi1>
        %reduce_or3A_179 = tpu.scan <max>, %reduce_or3A_176 masked %reduce_or3A_178 : vector<16xf32>, vector<16xi1> -> vector<16xf32>
        %reduce_or3A_180 = vector.extract %reduce_or3A_179[15] : f32 from vector<16xf32>
        %reduce_or3A_181 = arith.constant 0.000000e+00 : f32
        %reduce_or3A_182 = arith.cmpf ogt, %reduce_or3A_180, %reduce_or3A_181 : f32
        %convert_element_type3A_183 = arith.extui %reduce_or3A_182 : i1 to i32
        %cond3A_184 = arith.constant 0 : i32
        %cond3A_185 = arith.cmpi ne, %convert_element_type3A_183, %cond3A_184 : i32
        scf.if %cond3A_185 {
          %add3A_1260 = arith.addi %mul3A_7, %add3A_134 : vector<16xi32>
          %add3A_1261 = vector.broadcast %squeeze3A_138 : i32 to vector<16xi32>
          %add3A_1262 = arith.addi %broadcast_in_dim3A_5, %add3A_1261 : vector<16xi32>
          tpu.vector_store_idx %arg10[%add3A_1260], %add3A_1262 masked %or3A_171 : memref<256xi32, #tpu.memory_space<vmem>>[vector<16xi32>], vector<16xi32>, vector<16xi1>
        } else {
        }
        %jit3A_186 = arith.constant 1 : i32
        %jit3A_187 = arith.constant 0 : i32
        %broadcast_in_dim3A_188 = vector.broadcast %jit3A_186 : i32 to vector<16xi32>
        %broadcast_in_dim3A_189 = vector.broadcast %jit3A_187 : i32 to vector<16xi32>
        %select_n3A_190 = arith.select %and3A_151, %broadcast_in_dim3A_188, %broadcast_in_dim3A_189 : vector<16xi1>, vector<16xi32>
        %add3A_191 = arith.addi %add3A_116, %select_n3A_190 : vector<16xi32>
        %jit3A_192 = arith.constant 1 : i32
        %jit3A_193 = arith.constant 0 : i32
        %broadcast_in_dim3A_194 = vector.broadcast %jit3A_192 : i32 to vector<16xi32>
        %broadcast_in_dim3A_195 = vector.broadcast %jit3A_193 : i32 to vector<16xi32>
        %select_n3A_196 = arith.select %and3A_160, %broadcast_in_dim3A_194, %broadcast_in_dim3A_195 : vector<16xi1>, vector<16xi32>
        %add3A_197 = arith.addi %add3A_122, %select_n3A_196 : vector<16xi32>
        %jit3A_198 = arith.constant 1 : i32
        %jit3A_199 = arith.constant 0 : i32
        %broadcast_in_dim3A_200 = vector.broadcast %jit3A_198 : i32 to vector<16xi32>
        %broadcast_in_dim3A_201 = vector.broadcast %jit3A_199 : i32 to vector<16xi32>
        %select_n3A_202 = arith.select %and3A_169, %broadcast_in_dim3A_200, %broadcast_in_dim3A_201 : vector<16xi1>, vector<16xi32>
        %add3A_203 = arith.addi %add3A_128, %select_n3A_202 : vector<16xi32>
        %jit3A_204 = arith.constant 1 : i32
        %jit3A_205 = arith.constant 0 : i32
        %broadcast_in_dim3A_206 = vector.broadcast %jit3A_204 : i32 to vector<16xi32>
        %broadcast_in_dim3A_207 = vector.broadcast %jit3A_205 : i32 to vector<16xi32>
        %select_n3A_208 = arith.select %or3A_171, %broadcast_in_dim3A_206, %broadcast_in_dim3A_207 : vector<16xi1>, vector<16xi32>
        %add3A_209 = arith.addi %add3A_134, %select_n3A_208 : vector<16xi32>
        %slice3A_210 = vector.extract_strided_slice %get3A_62 {offsets = [2], sizes = [1], strides = [1]} : vector<16xi32> to vector<1xi32>
        %squeeze3A_211 = vector.extract %slice3A_210[0] : i32 from vector<1xi32>
        %slice3A_212 = vector.extract_strided_slice %get3A_66 {offsets = [2], sizes = [1], strides = [1]} : vector<16xi32> to vector<1xi32>
        %squeeze3A_213 = vector.extract %slice3A_212[0] : i32 from vector<1xi32>
        %slice3A_214 = vector.extract_strided_slice %gather3A_67 {offsets = [2], sizes = [1], strides = [1]} : vector<16xi32> to vector<1xi32>
        %squeeze3A_215 = vector.extract %slice3A_214[0] : i32 from vector<1xi32>
        %eq3A_216 = vector.broadcast %squeeze3A_215 : i32 to vector<16xi32>
        %eq3A_217 = arith.cmpi eq, %iota3A, %eq3A_216 : vector<16xi32>
        %eq3A_218 = vector.broadcast %squeeze3A_211 : i32 to vector<16xi32>
        %eq3A_219 = arith.cmpi eq, %gather3A_19, %eq3A_218 : vector<16xi32>
        %and3A_220 = arith.andi %eq3A_219, %eq3A_217 : vector<16xi1>
        %gt3A_221 = arith.constant 0 : i32
        %gt3A_222 = vector.broadcast %gt3A_221 : i32 to vector<16xi32>
        %gt3A_223 = arith.cmpi sgt, %gather3A, %gt3A_222 : vector<16xi32>
        %and3A_224 = arith.andi %and3A_220, %gt3A_223 : vector<16xi1>
        %lt3A_225 = arith.cmpi slt, %add3A_191, %gather3A_15 : vector<16xi32>
        %and3A_226 = arith.andi %and3A_224, %lt3A_225 : vector<16xi1>
        %eq3A_227 = vector.broadcast %squeeze3A_211 : i32 to vector<16xi32>
        %eq3A_228 = arith.cmpi eq, %gather3A_23, %eq3A_227 : vector<16xi32>
        %and3A_229 = arith.andi %eq3A_228, %eq3A_217 : vector<16xi1>
        %gt3A_230 = arith.constant 1 : i32
        %gt3A_231 = vector.broadcast %gt3A_230 : i32 to vector<16xi32>
        %gt3A_232 = arith.cmpi sgt, %gather3A, %gt3A_231 : vector<16xi32>
        %and3A_233 = arith.andi %and3A_229, %gt3A_232 : vector<16xi1>
        %lt3A_234 = arith.cmpi slt, %add3A_197, %gather3A_15 : vector<16xi32>
        %and3A_235 = arith.andi %and3A_233, %lt3A_234 : vector<16xi1>
        %eq3A_236 = vector.broadcast %squeeze3A_211 : i32 to vector<16xi32>
        %eq3A_237 = arith.cmpi eq, %gather3A_27, %eq3A_236 : vector<16xi32>
        %and3A_238 = arith.andi %eq3A_237, %eq3A_217 : vector<16xi1>
        %gt3A_239 = arith.constant 2 : i32
        %gt3A_240 = vector.broadcast %gt3A_239 : i32 to vector<16xi32>
        %gt3A_241 = arith.cmpi sgt, %gather3A, %gt3A_240 : vector<16xi32>
        %and3A_242 = arith.andi %and3A_238, %gt3A_241 : vector<16xi1>
        %lt3A_243 = arith.cmpi slt, %add3A_203, %gather3A_15 : vector<16xi32>
        %and3A_244 = arith.andi %and3A_242, %lt3A_243 : vector<16xi1>
        %or3A_245 = arith.ori %and3A_226, %and3A_235 : vector<16xi1>
        %or3A_246 = arith.ori %or3A_245, %and3A_244 : vector<16xi1>
        %reduce_or3A_247 = arith.constant 1.000000e+00 : f32
        %reduce_or3A_248 = arith.constant 0.000000e+00 : f32
        %reduce_or3A_249 = vector.broadcast %reduce_or3A_247 : f32 to vector<16xf32>
        %reduce_or3A_250 = vector.broadcast %reduce_or3A_248 : f32 to vector<16xf32>
        %reduce_or3A_251 = arith.select %or3A_246, %reduce_or3A_249, %reduce_or3A_250 : vector<16xi1>, vector<16xf32>
        %reduce_or3A_252 = arith.constant true
        %reduce_or3A_253 = vector.broadcast %reduce_or3A_252 : i1 to vector<16xi1>
        %reduce_or3A_254 = tpu.scan <max>, %reduce_or3A_251 masked %reduce_or3A_253 : vector<16xf32>, vector<16xi1> -> vector<16xf32>
        %reduce_or3A_255 = vector.extract %reduce_or3A_254[15] : f32 from vector<16xf32>
        %reduce_or3A_256 = arith.constant 0.000000e+00 : f32
        %reduce_or3A_257 = arith.cmpf ogt, %reduce_or3A_255, %reduce_or3A_256 : f32
        %convert_element_type3A_258 = arith.extui %reduce_or3A_257 : i1 to i32
        %cond3A_259 = arith.constant 0 : i32
        %cond3A_260 = arith.cmpi ne, %convert_element_type3A_258, %cond3A_259 : i32
        scf.if %cond3A_260 {
          %add3A_1260 = arith.addi %mul3A_7, %add3A_209 : vector<16xi32>
          %add3A_1261 = vector.broadcast %squeeze3A_213 : i32 to vector<16xi32>
          %add3A_1262 = arith.addi %broadcast_in_dim3A_5, %add3A_1261 : vector<16xi32>
          tpu.vector_store_idx %arg10[%add3A_1260], %add3A_1262 masked %or3A_246 : memref<256xi32, #tpu.memory_space<vmem>>[vector<16xi32>], vector<16xi32>, vector<16xi1>
        } else {
        }
        %jit3A_261 = arith.constant 1 : i32
        %jit3A_262 = arith.constant 0 : i32
        %broadcast_in_dim3A_263 = vector.broadcast %jit3A_261 : i32 to vector<16xi32>
        %broadcast_in_dim3A_264 = vector.broadcast %jit3A_262 : i32 to vector<16xi32>
        %select_n3A_265 = arith.select %and3A_226, %broadcast_in_dim3A_263, %broadcast_in_dim3A_264 : vector<16xi1>, vector<16xi32>
        %add3A_266 = arith.addi %add3A_191, %select_n3A_265 : vector<16xi32>
        %jit3A_267 = arith.constant 1 : i32
        %jit3A_268 = arith.constant 0 : i32
        %broadcast_in_dim3A_269 = vector.broadcast %jit3A_267 : i32 to vector<16xi32>
        %broadcast_in_dim3A_270 = vector.broadcast %jit3A_268 : i32 to vector<16xi32>
        %select_n3A_271 = arith.select %and3A_235, %broadcast_in_dim3A_269, %broadcast_in_dim3A_270 : vector<16xi1>, vector<16xi32>
        %add3A_272 = arith.addi %add3A_197, %select_n3A_271 : vector<16xi32>
        %jit3A_273 = arith.constant 1 : i32
        %jit3A_274 = arith.constant 0 : i32
        %broadcast_in_dim3A_275 = vector.broadcast %jit3A_273 : i32 to vector<16xi32>
        %broadcast_in_dim3A_276 = vector.broadcast %jit3A_274 : i32 to vector<16xi32>
        %select_n3A_277 = arith.select %and3A_244, %broadcast_in_dim3A_275, %broadcast_in_dim3A_276 : vector<16xi1>, vector<16xi32>
        %add3A_278 = arith.addi %add3A_203, %select_n3A_277 : vector<16xi32>
        %jit3A_279 = arith.constant 1 : i32
        %jit3A_280 = arith.constant 0 : i32
        %broadcast_in_dim3A_281 = vector.broadcast %jit3A_279 : i32 to vector<16xi32>
        %broadcast_in_dim3A_282 = vector.broadcast %jit3A_280 : i32 to vector<16xi32>
        %select_n3A_283 = arith.select %or3A_246, %broadcast_in_dim3A_281, %broadcast_in_dim3A_282 : vector<16xi1>, vector<16xi32>
        %add3A_284 = arith.addi %add3A_209, %select_n3A_283 : vector<16xi32>
        %slice3A_285 = vector.extract_strided_slice %get3A_62 {offsets = [3], sizes = [1], strides = [1]} : vector<16xi32> to vector<1xi32>
        %squeeze3A_286 = vector.extract %slice3A_285[0] : i32 from vector<1xi32>
        %slice3A_287 = vector.extract_strided_slice %get3A_66 {offsets = [3], sizes = [1], strides = [1]} : vector<16xi32> to vector<1xi32>
        %squeeze3A_288 = vector.extract %slice3A_287[0] : i32 from vector<1xi32>
        %slice3A_289 = vector.extract_strided_slice %gather3A_67 {offsets = [3], sizes = [1], strides = [1]} : vector<16xi32> to vector<1xi32>
        %squeeze3A_290 = vector.extract %slice3A_289[0] : i32 from vector<1xi32>
        %eq3A_291 = vector.broadcast %squeeze3A_290 : i32 to vector<16xi32>
        %eq3A_292 = arith.cmpi eq, %iota3A, %eq3A_291 : vector<16xi32>
        %eq3A_293 = vector.broadcast %squeeze3A_286 : i32 to vector<16xi32>
        %eq3A_294 = arith.cmpi eq, %gather3A_19, %eq3A_293 : vector<16xi32>
        %and3A_295 = arith.andi %eq3A_294, %eq3A_292 : vector<16xi1>
        %gt3A_296 = arith.constant 0 : i32
        %gt3A_297 = vector.broadcast %gt3A_296 : i32 to vector<16xi32>
        %gt3A_298 = arith.cmpi sgt, %gather3A, %gt3A_297 : vector<16xi32>
        %and3A_299 = arith.andi %and3A_295, %gt3A_298 : vector<16xi1>
        %lt3A_300 = arith.cmpi slt, %add3A_266, %gather3A_15 : vector<16xi32>
        %and3A_301 = arith.andi %and3A_299, %lt3A_300 : vector<16xi1>
        %eq3A_302 = vector.broadcast %squeeze3A_286 : i32 to vector<16xi32>
        %eq3A_303 = arith.cmpi eq, %gather3A_23, %eq3A_302 : vector<16xi32>
        %and3A_304 = arith.andi %eq3A_303, %eq3A_292 : vector<16xi1>
        %gt3A_305 = arith.constant 1 : i32
        %gt3A_306 = vector.broadcast %gt3A_305 : i32 to vector<16xi32>
        %gt3A_307 = arith.cmpi sgt, %gather3A, %gt3A_306 : vector<16xi32>
        %and3A_308 = arith.andi %and3A_304, %gt3A_307 : vector<16xi1>
        %lt3A_309 = arith.cmpi slt, %add3A_272, %gather3A_15 : vector<16xi32>
        %and3A_310 = arith.andi %and3A_308, %lt3A_309 : vector<16xi1>
        %eq3A_311 = vector.broadcast %squeeze3A_286 : i32 to vector<16xi32>
        %eq3A_312 = arith.cmpi eq, %gather3A_27, %eq3A_311 : vector<16xi32>
        %and3A_313 = arith.andi %eq3A_312, %eq3A_292 : vector<16xi1>
        %gt3A_314 = arith.constant 2 : i32
        %gt3A_315 = vector.broadcast %gt3A_314 : i32 to vector<16xi32>
        %gt3A_316 = arith.cmpi sgt, %gather3A, %gt3A_315 : vector<16xi32>
        %and3A_317 = arith.andi %and3A_313, %gt3A_316 : vector<16xi1>
        %lt3A_318 = arith.cmpi slt, %add3A_278, %gather3A_15 : vector<16xi32>
        %and3A_319 = arith.andi %and3A_317, %lt3A_318 : vector<16xi1>
        %or3A_320 = arith.ori %and3A_301, %and3A_310 : vector<16xi1>
        %or3A_321 = arith.ori %or3A_320, %and3A_319 : vector<16xi1>
        %reduce_or3A_322 = arith.constant 1.000000e+00 : f32
        %reduce_or3A_323 = arith.constant 0.000000e+00 : f32
        %reduce_or3A_324 = vector.broadcast %reduce_or3A_322 : f32 to vector<16xf32>
        %reduce_or3A_325 = vector.broadcast %reduce_or3A_323 : f32 to vector<16xf32>
        %reduce_or3A_326 = arith.select %or3A_321, %reduce_or3A_324, %reduce_or3A_325 : vector<16xi1>, vector<16xf32>
        %reduce_or3A_327 = arith.constant true
        %reduce_or3A_328 = vector.broadcast %reduce_or3A_327 : i1 to vector<16xi1>
        %reduce_or3A_329 = tpu.scan <max>, %reduce_or3A_326 masked %reduce_or3A_328 : vector<16xf32>, vector<16xi1> -> vector<16xf32>
        %reduce_or3A_330 = vector.extract %reduce_or3A_329[15] : f32 from vector<16xf32>
        %reduce_or3A_331 = arith.constant 0.000000e+00 : f32
        %reduce_or3A_332 = arith.cmpf ogt, %reduce_or3A_330, %reduce_or3A_331 : f32
        %convert_element_type3A_333 = arith.extui %reduce_or3A_332 : i1 to i32
        %cond3A_334 = arith.constant 0 : i32
        %cond3A_335 = arith.cmpi ne, %convert_element_type3A_333, %cond3A_334 : i32
        scf.if %cond3A_335 {
          %add3A_1260 = arith.addi %mul3A_7, %add3A_284 : vector<16xi32>
          %add3A_1261 = vector.broadcast %squeeze3A_288 : i32 to vector<16xi32>
          %add3A_1262 = arith.addi %broadcast_in_dim3A_5, %add3A_1261 : vector<16xi32>
          tpu.vector_store_idx %arg10[%add3A_1260], %add3A_1262 masked %or3A_321 : memref<256xi32, #tpu.memory_space<vmem>>[vector<16xi32>], vector<16xi32>, vector<16xi1>
        } else {
        }
        %jit3A_336 = arith.constant 1 : i32
        %jit3A_337 = arith.constant 0 : i32
        %broadcast_in_dim3A_338 = vector.broadcast %jit3A_336 : i32 to vector<16xi32>
        %broadcast_in_dim3A_339 = vector.broadcast %jit3A_337 : i32 to vector<16xi32>
        %select_n3A_340 = arith.select %and3A_301, %broadcast_in_dim3A_338, %broadcast_in_dim3A_339 : vector<16xi1>, vector<16xi32>
        %add3A_341 = arith.addi %add3A_266, %select_n3A_340 : vector<16xi32>
        %jit3A_342 = arith.constant 1 : i32
        %jit3A_343 = arith.constant 0 : i32
        %broadcast_in_dim3A_344 = vector.broadcast %jit3A_342 : i32 to vector<16xi32>
        %broadcast_in_dim3A_345 = vector.broadcast %jit3A_343 : i32 to vector<16xi32>
        %select_n3A_346 = arith.select %and3A_310, %broadcast_in_dim3A_344, %broadcast_in_dim3A_345 : vector<16xi1>, vector<16xi32>
        %add3A_347 = arith.addi %add3A_272, %select_n3A_346 : vector<16xi32>
        %jit3A_348 = arith.constant 1 : i32
        %jit3A_349 = arith.constant 0 : i32
        %broadcast_in_dim3A_350 = vector.broadcast %jit3A_348 : i32 to vector<16xi32>
        %broadcast_in_dim3A_351 = vector.broadcast %jit3A_349 : i32 to vector<16xi32>
        %select_n3A_352 = arith.select %and3A_319, %broadcast_in_dim3A_350, %broadcast_in_dim3A_351 : vector<16xi1>, vector<16xi32>
        %add3A_353 = arith.addi %add3A_278, %select_n3A_352 : vector<16xi32>
        %jit3A_354 = arith.constant 1 : i32
        %jit3A_355 = arith.constant 0 : i32
        %broadcast_in_dim3A_356 = vector.broadcast %jit3A_354 : i32 to vector<16xi32>
        %broadcast_in_dim3A_357 = vector.broadcast %jit3A_355 : i32 to vector<16xi32>
        %select_n3A_358 = arith.select %or3A_321, %broadcast_in_dim3A_356, %broadcast_in_dim3A_357 : vector<16xi1>, vector<16xi32>
        %add3A_359 = arith.addi %add3A_284, %select_n3A_358 : vector<16xi32>
        %slice3A_360 = vector.extract_strided_slice %get3A_62 {offsets = [4], sizes = [1], strides = [1]} : vector<16xi32> to vector<1xi32>
        %squeeze3A_361 = vector.extract %slice3A_360[0] : i32 from vector<1xi32>
        %slice3A_362 = vector.extract_strided_slice %get3A_66 {offsets = [4], sizes = [1], strides = [1]} : vector<16xi32> to vector<1xi32>
        %squeeze3A_363 = vector.extract %slice3A_362[0] : i32 from vector<1xi32>
        %slice3A_364 = vector.extract_strided_slice %gather3A_67 {offsets = [4], sizes = [1], strides = [1]} : vector<16xi32> to vector<1xi32>
        %squeeze3A_365 = vector.extract %slice3A_364[0] : i32 from vector<1xi32>
        %eq3A_366 = vector.broadcast %squeeze3A_365 : i32 to vector<16xi32>
        %eq3A_367 = arith.cmpi eq, %iota3A, %eq3A_366 : vector<16xi32>
        %eq3A_368 = vector.broadcast %squeeze3A_361 : i32 to vector<16xi32>
        %eq3A_369 = arith.cmpi eq, %gather3A_19, %eq3A_368 : vector<16xi32>
        %and3A_370 = arith.andi %eq3A_369, %eq3A_367 : vector<16xi1>
        %gt3A_371 = arith.constant 0 : i32
        %gt3A_372 = vector.broadcast %gt3A_371 : i32 to vector<16xi32>
        %gt3A_373 = arith.cmpi sgt, %gather3A, %gt3A_372 : vector<16xi32>
        %and3A_374 = arith.andi %and3A_370, %gt3A_373 : vector<16xi1>
        %lt3A_375 = arith.cmpi slt, %add3A_341, %gather3A_15 : vector<16xi32>
        %and3A_376 = arith.andi %and3A_374, %lt3A_375 : vector<16xi1>
        %eq3A_377 = vector.broadcast %squeeze3A_361 : i32 to vector<16xi32>
        %eq3A_378 = arith.cmpi eq, %gather3A_23, %eq3A_377 : vector<16xi32>
        %and3A_379 = arith.andi %eq3A_378, %eq3A_367 : vector<16xi1>
        %gt3A_380 = arith.constant 1 : i32
        %gt3A_381 = vector.broadcast %gt3A_380 : i32 to vector<16xi32>
        %gt3A_382 = arith.cmpi sgt, %gather3A, %gt3A_381 : vector<16xi32>
        %and3A_383 = arith.andi %and3A_379, %gt3A_382 : vector<16xi1>
        %lt3A_384 = arith.cmpi slt, %add3A_347, %gather3A_15 : vector<16xi32>
        %and3A_385 = arith.andi %and3A_383, %lt3A_384 : vector<16xi1>
        %eq3A_386 = vector.broadcast %squeeze3A_361 : i32 to vector<16xi32>
        %eq3A_387 = arith.cmpi eq, %gather3A_27, %eq3A_386 : vector<16xi32>
        %and3A_388 = arith.andi %eq3A_387, %eq3A_367 : vector<16xi1>
        %gt3A_389 = arith.constant 2 : i32
        %gt3A_390 = vector.broadcast %gt3A_389 : i32 to vector<16xi32>
        %gt3A_391 = arith.cmpi sgt, %gather3A, %gt3A_390 : vector<16xi32>
        %and3A_392 = arith.andi %and3A_388, %gt3A_391 : vector<16xi1>
        %lt3A_393 = arith.cmpi slt, %add3A_353, %gather3A_15 : vector<16xi32>
        %and3A_394 = arith.andi %and3A_392, %lt3A_393 : vector<16xi1>
        %or3A_395 = arith.ori %and3A_376, %and3A_385 : vector<16xi1>
        %or3A_396 = arith.ori %or3A_395, %and3A_394 : vector<16xi1>
        %reduce_or3A_397 = arith.constant 1.000000e+00 : f32
        %reduce_or3A_398 = arith.constant 0.000000e+00 : f32
        %reduce_or3A_399 = vector.broadcast %reduce_or3A_397 : f32 to vector<16xf32>
        %reduce_or3A_400 = vector.broadcast %reduce_or3A_398 : f32 to vector<16xf32>
        %reduce_or3A_401 = arith.select %or3A_396, %reduce_or3A_399, %reduce_or3A_400 : vector<16xi1>, vector<16xf32>
        %reduce_or3A_402 = arith.constant true
        %reduce_or3A_403 = vector.broadcast %reduce_or3A_402 : i1 to vector<16xi1>
        %reduce_or3A_404 = tpu.scan <max>, %reduce_or3A_401 masked %reduce_or3A_403 : vector<16xf32>, vector<16xi1> -> vector<16xf32>
        %reduce_or3A_405 = vector.extract %reduce_or3A_404[15] : f32 from vector<16xf32>
        %reduce_or3A_406 = arith.constant 0.000000e+00 : f32
        %reduce_or3A_407 = arith.cmpf ogt, %reduce_or3A_405, %reduce_or3A_406 : f32
        %convert_element_type3A_408 = arith.extui %reduce_or3A_407 : i1 to i32
        %cond3A_409 = arith.constant 0 : i32
        %cond3A_410 = arith.cmpi ne, %convert_element_type3A_408, %cond3A_409 : i32
        scf.if %cond3A_410 {
          %add3A_1260 = arith.addi %mul3A_7, %add3A_359 : vector<16xi32>
          %add3A_1261 = vector.broadcast %squeeze3A_363 : i32 to vector<16xi32>
          %add3A_1262 = arith.addi %broadcast_in_dim3A_5, %add3A_1261 : vector<16xi32>
          tpu.vector_store_idx %arg10[%add3A_1260], %add3A_1262 masked %or3A_396 : memref<256xi32, #tpu.memory_space<vmem>>[vector<16xi32>], vector<16xi32>, vector<16xi1>
        } else {
        }
        %jit3A_411 = arith.constant 1 : i32
        %jit3A_412 = arith.constant 0 : i32
        %broadcast_in_dim3A_413 = vector.broadcast %jit3A_411 : i32 to vector<16xi32>
        %broadcast_in_dim3A_414 = vector.broadcast %jit3A_412 : i32 to vector<16xi32>
        %select_n3A_415 = arith.select %and3A_376, %broadcast_in_dim3A_413, %broadcast_in_dim3A_414 : vector<16xi1>, vector<16xi32>
        %add3A_416 = arith.addi %add3A_341, %select_n3A_415 : vector<16xi32>
        %jit3A_417 = arith.constant 1 : i32
        %jit3A_418 = arith.constant 0 : i32
        %broadcast_in_dim3A_419 = vector.broadcast %jit3A_417 : i32 to vector<16xi32>
        %broadcast_in_dim3A_420 = vector.broadcast %jit3A_418 : i32 to vector<16xi32>
        %select_n3A_421 = arith.select %and3A_385, %broadcast_in_dim3A_419, %broadcast_in_dim3A_420 : vector<16xi1>, vector<16xi32>
        %add3A_422 = arith.addi %add3A_347, %select_n3A_421 : vector<16xi32>
        %jit3A_423 = arith.constant 1 : i32
        %jit3A_424 = arith.constant 0 : i32
        %broadcast_in_dim3A_425 = vector.broadcast %jit3A_423 : i32 to vector<16xi32>
        %broadcast_in_dim3A_426 = vector.broadcast %jit3A_424 : i32 to vector<16xi32>
        %select_n3A_427 = arith.select %and3A_394, %broadcast_in_dim3A_425, %broadcast_in_dim3A_426 : vector<16xi1>, vector<16xi32>
        %add3A_428 = arith.addi %add3A_353, %select_n3A_427 : vector<16xi32>
        %jit3A_429 = arith.constant 1 : i32
        %jit3A_430 = arith.constant 0 : i32
        %broadcast_in_dim3A_431 = vector.broadcast %jit3A_429 : i32 to vector<16xi32>
        %broadcast_in_dim3A_432 = vector.broadcast %jit3A_430 : i32 to vector<16xi32>
        %select_n3A_433 = arith.select %or3A_396, %broadcast_in_dim3A_431, %broadcast_in_dim3A_432 : vector<16xi1>, vector<16xi32>
        %add3A_434 = arith.addi %add3A_359, %select_n3A_433 : vector<16xi32>
        %slice3A_435 = vector.extract_strided_slice %get3A_62 {offsets = [5], sizes = [1], strides = [1]} : vector<16xi32> to vector<1xi32>
        %squeeze3A_436 = vector.extract %slice3A_435[0] : i32 from vector<1xi32>
        %slice3A_437 = vector.extract_strided_slice %get3A_66 {offsets = [5], sizes = [1], strides = [1]} : vector<16xi32> to vector<1xi32>
        %squeeze3A_438 = vector.extract %slice3A_437[0] : i32 from vector<1xi32>
        %slice3A_439 = vector.extract_strided_slice %gather3A_67 {offsets = [5], sizes = [1], strides = [1]} : vector<16xi32> to vector<1xi32>
        %squeeze3A_440 = vector.extract %slice3A_439[0] : i32 from vector<1xi32>
        %eq3A_441 = vector.broadcast %squeeze3A_440 : i32 to vector<16xi32>
        %eq3A_442 = arith.cmpi eq, %iota3A, %eq3A_441 : vector<16xi32>
        %eq3A_443 = vector.broadcast %squeeze3A_436 : i32 to vector<16xi32>
        %eq3A_444 = arith.cmpi eq, %gather3A_19, %eq3A_443 : vector<16xi32>
        %and3A_445 = arith.andi %eq3A_444, %eq3A_442 : vector<16xi1>
        %gt3A_446 = arith.constant 0 : i32
        %gt3A_447 = vector.broadcast %gt3A_446 : i32 to vector<16xi32>
        %gt3A_448 = arith.cmpi sgt, %gather3A, %gt3A_447 : vector<16xi32>
        %and3A_449 = arith.andi %and3A_445, %gt3A_448 : vector<16xi1>
        %lt3A_450 = arith.cmpi slt, %add3A_416, %gather3A_15 : vector<16xi32>
        %and3A_451 = arith.andi %and3A_449, %lt3A_450 : vector<16xi1>
        %eq3A_452 = vector.broadcast %squeeze3A_436 : i32 to vector<16xi32>
        %eq3A_453 = arith.cmpi eq, %gather3A_23, %eq3A_452 : vector<16xi32>
        %and3A_454 = arith.andi %eq3A_453, %eq3A_442 : vector<16xi1>
        %gt3A_455 = arith.constant 1 : i32
        %gt3A_456 = vector.broadcast %gt3A_455 : i32 to vector<16xi32>
        %gt3A_457 = arith.cmpi sgt, %gather3A, %gt3A_456 : vector<16xi32>
        %and3A_458 = arith.andi %and3A_454, %gt3A_457 : vector<16xi1>
        %lt3A_459 = arith.cmpi slt, %add3A_422, %gather3A_15 : vector<16xi32>
        %and3A_460 = arith.andi %and3A_458, %lt3A_459 : vector<16xi1>
        %eq3A_461 = vector.broadcast %squeeze3A_436 : i32 to vector<16xi32>
        %eq3A_462 = arith.cmpi eq, %gather3A_27, %eq3A_461 : vector<16xi32>
        %and3A_463 = arith.andi %eq3A_462, %eq3A_442 : vector<16xi1>
        %gt3A_464 = arith.constant 2 : i32
        %gt3A_465 = vector.broadcast %gt3A_464 : i32 to vector<16xi32>
        %gt3A_466 = arith.cmpi sgt, %gather3A, %gt3A_465 : vector<16xi32>
        %and3A_467 = arith.andi %and3A_463, %gt3A_466 : vector<16xi1>
        %lt3A_468 = arith.cmpi slt, %add3A_428, %gather3A_15 : vector<16xi32>
        %and3A_469 = arith.andi %and3A_467, %lt3A_468 : vector<16xi1>
        %or3A_470 = arith.ori %and3A_451, %and3A_460 : vector<16xi1>
        %or3A_471 = arith.ori %or3A_470, %and3A_469 : vector<16xi1>
        %reduce_or3A_472 = arith.constant 1.000000e+00 : f32
        %reduce_or3A_473 = arith.constant 0.000000e+00 : f32
        %reduce_or3A_474 = vector.broadcast %reduce_or3A_472 : f32 to vector<16xf32>
        %reduce_or3A_475 = vector.broadcast %reduce_or3A_473 : f32 to vector<16xf32>
        %reduce_or3A_476 = arith.select %or3A_471, %reduce_or3A_474, %reduce_or3A_475 : vector<16xi1>, vector<16xf32>
        %reduce_or3A_477 = arith.constant true
        %reduce_or3A_478 = vector.broadcast %reduce_or3A_477 : i1 to vector<16xi1>
        %reduce_or3A_479 = tpu.scan <max>, %reduce_or3A_476 masked %reduce_or3A_478 : vector<16xf32>, vector<16xi1> -> vector<16xf32>
        %reduce_or3A_480 = vector.extract %reduce_or3A_479[15] : f32 from vector<16xf32>
        %reduce_or3A_481 = arith.constant 0.000000e+00 : f32
        %reduce_or3A_482 = arith.cmpf ogt, %reduce_or3A_480, %reduce_or3A_481 : f32
        %convert_element_type3A_483 = arith.extui %reduce_or3A_482 : i1 to i32
        %cond3A_484 = arith.constant 0 : i32
        %cond3A_485 = arith.cmpi ne, %convert_element_type3A_483, %cond3A_484 : i32
        scf.if %cond3A_485 {
          %add3A_1260 = arith.addi %mul3A_7, %add3A_434 : vector<16xi32>
          %add3A_1261 = vector.broadcast %squeeze3A_438 : i32 to vector<16xi32>
          %add3A_1262 = arith.addi %broadcast_in_dim3A_5, %add3A_1261 : vector<16xi32>
          tpu.vector_store_idx %arg10[%add3A_1260], %add3A_1262 masked %or3A_471 : memref<256xi32, #tpu.memory_space<vmem>>[vector<16xi32>], vector<16xi32>, vector<16xi1>
        } else {
        }
        %jit3A_486 = arith.constant 1 : i32
        %jit3A_487 = arith.constant 0 : i32
        %broadcast_in_dim3A_488 = vector.broadcast %jit3A_486 : i32 to vector<16xi32>
        %broadcast_in_dim3A_489 = vector.broadcast %jit3A_487 : i32 to vector<16xi32>
        %select_n3A_490 = arith.select %and3A_451, %broadcast_in_dim3A_488, %broadcast_in_dim3A_489 : vector<16xi1>, vector<16xi32>
        %add3A_491 = arith.addi %add3A_416, %select_n3A_490 : vector<16xi32>
        %jit3A_492 = arith.constant 1 : i32
        %jit3A_493 = arith.constant 0 : i32
        %broadcast_in_dim3A_494 = vector.broadcast %jit3A_492 : i32 to vector<16xi32>
        %broadcast_in_dim3A_495 = vector.broadcast %jit3A_493 : i32 to vector<16xi32>
        %select_n3A_496 = arith.select %and3A_460, %broadcast_in_dim3A_494, %broadcast_in_dim3A_495 : vector<16xi1>, vector<16xi32>
        %add3A_497 = arith.addi %add3A_422, %select_n3A_496 : vector<16xi32>
        %jit3A_498 = arith.constant 1 : i32
        %jit3A_499 = arith.constant 0 : i32
        %broadcast_in_dim3A_500 = vector.broadcast %jit3A_498 : i32 to vector<16xi32>
        %broadcast_in_dim3A_501 = vector.broadcast %jit3A_499 : i32 to vector<16xi32>
        %select_n3A_502 = arith.select %and3A_469, %broadcast_in_dim3A_500, %broadcast_in_dim3A_501 : vector<16xi1>, vector<16xi32>
        %add3A_503 = arith.addi %add3A_428, %select_n3A_502 : vector<16xi32>
        %jit3A_504 = arith.constant 1 : i32
        %jit3A_505 = arith.constant 0 : i32
        %broadcast_in_dim3A_506 = vector.broadcast %jit3A_504 : i32 to vector<16xi32>
        %broadcast_in_dim3A_507 = vector.broadcast %jit3A_505 : i32 to vector<16xi32>
        %select_n3A_508 = arith.select %or3A_471, %broadcast_in_dim3A_506, %broadcast_in_dim3A_507 : vector<16xi1>, vector<16xi32>
        %add3A_509 = arith.addi %add3A_434, %select_n3A_508 : vector<16xi32>
        %slice3A_510 = vector.extract_strided_slice %get3A_62 {offsets = [6], sizes = [1], strides = [1]} : vector<16xi32> to vector<1xi32>
        %squeeze3A_511 = vector.extract %slice3A_510[0] : i32 from vector<1xi32>
        %slice3A_512 = vector.extract_strided_slice %get3A_66 {offsets = [6], sizes = [1], strides = [1]} : vector<16xi32> to vector<1xi32>
        %squeeze3A_513 = vector.extract %slice3A_512[0] : i32 from vector<1xi32>
        %slice3A_514 = vector.extract_strided_slice %gather3A_67 {offsets = [6], sizes = [1], strides = [1]} : vector<16xi32> to vector<1xi32>
        %squeeze3A_515 = vector.extract %slice3A_514[0] : i32 from vector<1xi32>
        %eq3A_516 = vector.broadcast %squeeze3A_515 : i32 to vector<16xi32>
        %eq3A_517 = arith.cmpi eq, %iota3A, %eq3A_516 : vector<16xi32>
        %eq3A_518 = vector.broadcast %squeeze3A_511 : i32 to vector<16xi32>
        %eq3A_519 = arith.cmpi eq, %gather3A_19, %eq3A_518 : vector<16xi32>
        %and3A_520 = arith.andi %eq3A_519, %eq3A_517 : vector<16xi1>
        %gt3A_521 = arith.constant 0 : i32
        %gt3A_522 = vector.broadcast %gt3A_521 : i32 to vector<16xi32>
        %gt3A_523 = arith.cmpi sgt, %gather3A, %gt3A_522 : vector<16xi32>
        %and3A_524 = arith.andi %and3A_520, %gt3A_523 : vector<16xi1>
        %lt3A_525 = arith.cmpi slt, %add3A_491, %gather3A_15 : vector<16xi32>
        %and3A_526 = arith.andi %and3A_524, %lt3A_525 : vector<16xi1>
        %eq3A_527 = vector.broadcast %squeeze3A_511 : i32 to vector<16xi32>
        %eq3A_528 = arith.cmpi eq, %gather3A_23, %eq3A_527 : vector<16xi32>
        %and3A_529 = arith.andi %eq3A_528, %eq3A_517 : vector<16xi1>
        %gt3A_530 = arith.constant 1 : i32
        %gt3A_531 = vector.broadcast %gt3A_530 : i32 to vector<16xi32>
        %gt3A_532 = arith.cmpi sgt, %gather3A, %gt3A_531 : vector<16xi32>
        %and3A_533 = arith.andi %and3A_529, %gt3A_532 : vector<16xi1>
        %lt3A_534 = arith.cmpi slt, %add3A_497, %gather3A_15 : vector<16xi32>
        %and3A_535 = arith.andi %and3A_533, %lt3A_534 : vector<16xi1>
        %eq3A_536 = vector.broadcast %squeeze3A_511 : i32 to vector<16xi32>
        %eq3A_537 = arith.cmpi eq, %gather3A_27, %eq3A_536 : vector<16xi32>
        %and3A_538 = arith.andi %eq3A_537, %eq3A_517 : vector<16xi1>
        %gt3A_539 = arith.constant 2 : i32
        %gt3A_540 = vector.broadcast %gt3A_539 : i32 to vector<16xi32>
        %gt3A_541 = arith.cmpi sgt, %gather3A, %gt3A_540 : vector<16xi32>
        %and3A_542 = arith.andi %and3A_538, %gt3A_541 : vector<16xi1>
        %lt3A_543 = arith.cmpi slt, %add3A_503, %gather3A_15 : vector<16xi32>
        %and3A_544 = arith.andi %and3A_542, %lt3A_543 : vector<16xi1>
        %or3A_545 = arith.ori %and3A_526, %and3A_535 : vector<16xi1>
        %or3A_546 = arith.ori %or3A_545, %and3A_544 : vector<16xi1>
        %reduce_or3A_547 = arith.constant 1.000000e+00 : f32
        %reduce_or3A_548 = arith.constant 0.000000e+00 : f32
        %reduce_or3A_549 = vector.broadcast %reduce_or3A_547 : f32 to vector<16xf32>
        %reduce_or3A_550 = vector.broadcast %reduce_or3A_548 : f32 to vector<16xf32>
        %reduce_or3A_551 = arith.select %or3A_546, %reduce_or3A_549, %reduce_or3A_550 : vector<16xi1>, vector<16xf32>
        %reduce_or3A_552 = arith.constant true
        %reduce_or3A_553 = vector.broadcast %reduce_or3A_552 : i1 to vector<16xi1>
        %reduce_or3A_554 = tpu.scan <max>, %reduce_or3A_551 masked %reduce_or3A_553 : vector<16xf32>, vector<16xi1> -> vector<16xf32>
        %reduce_or3A_555 = vector.extract %reduce_or3A_554[15] : f32 from vector<16xf32>
        %reduce_or3A_556 = arith.constant 0.000000e+00 : f32
        %reduce_or3A_557 = arith.cmpf ogt, %reduce_or3A_555, %reduce_or3A_556 : f32
        %convert_element_type3A_558 = arith.extui %reduce_or3A_557 : i1 to i32
        %cond3A_559 = arith.constant 0 : i32
        %cond3A_560 = arith.cmpi ne, %convert_element_type3A_558, %cond3A_559 : i32
        scf.if %cond3A_560 {
          %add3A_1260 = arith.addi %mul3A_7, %add3A_509 : vector<16xi32>
          %add3A_1261 = vector.broadcast %squeeze3A_513 : i32 to vector<16xi32>
          %add3A_1262 = arith.addi %broadcast_in_dim3A_5, %add3A_1261 : vector<16xi32>
          tpu.vector_store_idx %arg10[%add3A_1260], %add3A_1262 masked %or3A_546 : memref<256xi32, #tpu.memory_space<vmem>>[vector<16xi32>], vector<16xi32>, vector<16xi1>
        } else {
        }
        %jit3A_561 = arith.constant 1 : i32
        %jit3A_562 = arith.constant 0 : i32
        %broadcast_in_dim3A_563 = vector.broadcast %jit3A_561 : i32 to vector<16xi32>
        %broadcast_in_dim3A_564 = vector.broadcast %jit3A_562 : i32 to vector<16xi32>
        %select_n3A_565 = arith.select %and3A_526, %broadcast_in_dim3A_563, %broadcast_in_dim3A_564 : vector<16xi1>, vector<16xi32>
        %add3A_566 = arith.addi %add3A_491, %select_n3A_565 : vector<16xi32>
        %jit3A_567 = arith.constant 1 : i32
        %jit3A_568 = arith.constant 0 : i32
        %broadcast_in_dim3A_569 = vector.broadcast %jit3A_567 : i32 to vector<16xi32>
        %broadcast_in_dim3A_570 = vector.broadcast %jit3A_568 : i32 to vector<16xi32>
        %select_n3A_571 = arith.select %and3A_535, %broadcast_in_dim3A_569, %broadcast_in_dim3A_570 : vector<16xi1>, vector<16xi32>
        %add3A_572 = arith.addi %add3A_497, %select_n3A_571 : vector<16xi32>
        %jit3A_573 = arith.constant 1 : i32
        %jit3A_574 = arith.constant 0 : i32
        %broadcast_in_dim3A_575 = vector.broadcast %jit3A_573 : i32 to vector<16xi32>
        %broadcast_in_dim3A_576 = vector.broadcast %jit3A_574 : i32 to vector<16xi32>
        %select_n3A_577 = arith.select %and3A_544, %broadcast_in_dim3A_575, %broadcast_in_dim3A_576 : vector<16xi1>, vector<16xi32>
        %add3A_578 = arith.addi %add3A_503, %select_n3A_577 : vector<16xi32>
        %jit3A_579 = arith.constant 1 : i32
        %jit3A_580 = arith.constant 0 : i32
        %broadcast_in_dim3A_581 = vector.broadcast %jit3A_579 : i32 to vector<16xi32>
        %broadcast_in_dim3A_582 = vector.broadcast %jit3A_580 : i32 to vector<16xi32>
        %select_n3A_583 = arith.select %or3A_546, %broadcast_in_dim3A_581, %broadcast_in_dim3A_582 : vector<16xi1>, vector<16xi32>
        %add3A_584 = arith.addi %add3A_509, %select_n3A_583 : vector<16xi32>
        %slice3A_585 = vector.extract_strided_slice %get3A_62 {offsets = [7], sizes = [1], strides = [1]} : vector<16xi32> to vector<1xi32>
        %squeeze3A_586 = vector.extract %slice3A_585[0] : i32 from vector<1xi32>
        %slice3A_587 = vector.extract_strided_slice %get3A_66 {offsets = [7], sizes = [1], strides = [1]} : vector<16xi32> to vector<1xi32>
        %squeeze3A_588 = vector.extract %slice3A_587[0] : i32 from vector<1xi32>
        %slice3A_589 = vector.extract_strided_slice %gather3A_67 {offsets = [7], sizes = [1], strides = [1]} : vector<16xi32> to vector<1xi32>
        %squeeze3A_590 = vector.extract %slice3A_589[0] : i32 from vector<1xi32>
        %eq3A_591 = vector.broadcast %squeeze3A_590 : i32 to vector<16xi32>
        %eq3A_592 = arith.cmpi eq, %iota3A, %eq3A_591 : vector<16xi32>
        %eq3A_593 = vector.broadcast %squeeze3A_586 : i32 to vector<16xi32>
        %eq3A_594 = arith.cmpi eq, %gather3A_19, %eq3A_593 : vector<16xi32>
        %and3A_595 = arith.andi %eq3A_594, %eq3A_592 : vector<16xi1>
        %gt3A_596 = arith.constant 0 : i32
        %gt3A_597 = vector.broadcast %gt3A_596 : i32 to vector<16xi32>
        %gt3A_598 = arith.cmpi sgt, %gather3A, %gt3A_597 : vector<16xi32>
        %and3A_599 = arith.andi %and3A_595, %gt3A_598 : vector<16xi1>
        %lt3A_600 = arith.cmpi slt, %add3A_566, %gather3A_15 : vector<16xi32>
        %and3A_601 = arith.andi %and3A_599, %lt3A_600 : vector<16xi1>
        %eq3A_602 = vector.broadcast %squeeze3A_586 : i32 to vector<16xi32>
        %eq3A_603 = arith.cmpi eq, %gather3A_23, %eq3A_602 : vector<16xi32>
        %and3A_604 = arith.andi %eq3A_603, %eq3A_592 : vector<16xi1>
        %gt3A_605 = arith.constant 1 : i32
        %gt3A_606 = vector.broadcast %gt3A_605 : i32 to vector<16xi32>
        %gt3A_607 = arith.cmpi sgt, %gather3A, %gt3A_606 : vector<16xi32>
        %and3A_608 = arith.andi %and3A_604, %gt3A_607 : vector<16xi1>
        %lt3A_609 = arith.cmpi slt, %add3A_572, %gather3A_15 : vector<16xi32>
        %and3A_610 = arith.andi %and3A_608, %lt3A_609 : vector<16xi1>
        %eq3A_611 = vector.broadcast %squeeze3A_586 : i32 to vector<16xi32>
        %eq3A_612 = arith.cmpi eq, %gather3A_27, %eq3A_611 : vector<16xi32>
        %and3A_613 = arith.andi %eq3A_612, %eq3A_592 : vector<16xi1>
        %gt3A_614 = arith.constant 2 : i32
        %gt3A_615 = vector.broadcast %gt3A_614 : i32 to vector<16xi32>
        %gt3A_616 = arith.cmpi sgt, %gather3A, %gt3A_615 : vector<16xi32>
        %and3A_617 = arith.andi %and3A_613, %gt3A_616 : vector<16xi1>
        %lt3A_618 = arith.cmpi slt, %add3A_578, %gather3A_15 : vector<16xi32>
        %and3A_619 = arith.andi %and3A_617, %lt3A_618 : vector<16xi1>
        %or3A_620 = arith.ori %and3A_601, %and3A_610 : vector<16xi1>
        %or3A_621 = arith.ori %or3A_620, %and3A_619 : vector<16xi1>
        %reduce_or3A_622 = arith.constant 1.000000e+00 : f32
        %reduce_or3A_623 = arith.constant 0.000000e+00 : f32
        %reduce_or3A_624 = vector.broadcast %reduce_or3A_622 : f32 to vector<16xf32>
        %reduce_or3A_625 = vector.broadcast %reduce_or3A_623 : f32 to vector<16xf32>
        %reduce_or3A_626 = arith.select %or3A_621, %reduce_or3A_624, %reduce_or3A_625 : vector<16xi1>, vector<16xf32>
        %reduce_or3A_627 = arith.constant true
        %reduce_or3A_628 = vector.broadcast %reduce_or3A_627 : i1 to vector<16xi1>
        %reduce_or3A_629 = tpu.scan <max>, %reduce_or3A_626 masked %reduce_or3A_628 : vector<16xf32>, vector<16xi1> -> vector<16xf32>
        %reduce_or3A_630 = vector.extract %reduce_or3A_629[15] : f32 from vector<16xf32>
        %reduce_or3A_631 = arith.constant 0.000000e+00 : f32
        %reduce_or3A_632 = arith.cmpf ogt, %reduce_or3A_630, %reduce_or3A_631 : f32
        %convert_element_type3A_633 = arith.extui %reduce_or3A_632 : i1 to i32
        %cond3A_634 = arith.constant 0 : i32
        %cond3A_635 = arith.cmpi ne, %convert_element_type3A_633, %cond3A_634 : i32
        scf.if %cond3A_635 {
          %add3A_1260 = arith.addi %mul3A_7, %add3A_584 : vector<16xi32>
          %add3A_1261 = vector.broadcast %squeeze3A_588 : i32 to vector<16xi32>
          %add3A_1262 = arith.addi %broadcast_in_dim3A_5, %add3A_1261 : vector<16xi32>
          tpu.vector_store_idx %arg10[%add3A_1260], %add3A_1262 masked %or3A_621 : memref<256xi32, #tpu.memory_space<vmem>>[vector<16xi32>], vector<16xi32>, vector<16xi1>
        } else {
        }
        %jit3A_636 = arith.constant 1 : i32
        %jit3A_637 = arith.constant 0 : i32
        %broadcast_in_dim3A_638 = vector.broadcast %jit3A_636 : i32 to vector<16xi32>
        %broadcast_in_dim3A_639 = vector.broadcast %jit3A_637 : i32 to vector<16xi32>
        %select_n3A_640 = arith.select %and3A_601, %broadcast_in_dim3A_638, %broadcast_in_dim3A_639 : vector<16xi1>, vector<16xi32>
        %add3A_641 = arith.addi %add3A_566, %select_n3A_640 : vector<16xi32>
        %jit3A_642 = arith.constant 1 : i32
        %jit3A_643 = arith.constant 0 : i32
        %broadcast_in_dim3A_644 = vector.broadcast %jit3A_642 : i32 to vector<16xi32>
        %broadcast_in_dim3A_645 = vector.broadcast %jit3A_643 : i32 to vector<16xi32>
        %select_n3A_646 = arith.select %and3A_610, %broadcast_in_dim3A_644, %broadcast_in_dim3A_645 : vector<16xi1>, vector<16xi32>
        %add3A_647 = arith.addi %add3A_572, %select_n3A_646 : vector<16xi32>
        %jit3A_648 = arith.constant 1 : i32
        %jit3A_649 = arith.constant 0 : i32
        %broadcast_in_dim3A_650 = vector.broadcast %jit3A_648 : i32 to vector<16xi32>
        %broadcast_in_dim3A_651 = vector.broadcast %jit3A_649 : i32 to vector<16xi32>
        %select_n3A_652 = arith.select %and3A_619, %broadcast_in_dim3A_650, %broadcast_in_dim3A_651 : vector<16xi1>, vector<16xi32>
        %add3A_653 = arith.addi %add3A_578, %select_n3A_652 : vector<16xi32>
        %jit3A_654 = arith.constant 1 : i32
        %jit3A_655 = arith.constant 0 : i32
        %broadcast_in_dim3A_656 = vector.broadcast %jit3A_654 : i32 to vector<16xi32>
        %broadcast_in_dim3A_657 = vector.broadcast %jit3A_655 : i32 to vector<16xi32>
        %select_n3A_658 = arith.select %or3A_621, %broadcast_in_dim3A_656, %broadcast_in_dim3A_657 : vector<16xi1>, vector<16xi32>
        %add3A_659 = arith.addi %add3A_584, %select_n3A_658 : vector<16xi32>
        %slice3A_660 = vector.extract_strided_slice %get3A_62 {offsets = [8], sizes = [1], strides = [1]} : vector<16xi32> to vector<1xi32>
        %squeeze3A_661 = vector.extract %slice3A_660[0] : i32 from vector<1xi32>
        %slice3A_662 = vector.extract_strided_slice %get3A_66 {offsets = [8], sizes = [1], strides = [1]} : vector<16xi32> to vector<1xi32>
        %squeeze3A_663 = vector.extract %slice3A_662[0] : i32 from vector<1xi32>
        %slice3A_664 = vector.extract_strided_slice %gather3A_67 {offsets = [8], sizes = [1], strides = [1]} : vector<16xi32> to vector<1xi32>
        %squeeze3A_665 = vector.extract %slice3A_664[0] : i32 from vector<1xi32>
        %eq3A_666 = vector.broadcast %squeeze3A_665 : i32 to vector<16xi32>
        %eq3A_667 = arith.cmpi eq, %iota3A, %eq3A_666 : vector<16xi32>
        %eq3A_668 = vector.broadcast %squeeze3A_661 : i32 to vector<16xi32>
        %eq3A_669 = arith.cmpi eq, %gather3A_19, %eq3A_668 : vector<16xi32>
        %and3A_670 = arith.andi %eq3A_669, %eq3A_667 : vector<16xi1>
        %gt3A_671 = arith.constant 0 : i32
        %gt3A_672 = vector.broadcast %gt3A_671 : i32 to vector<16xi32>
        %gt3A_673 = arith.cmpi sgt, %gather3A, %gt3A_672 : vector<16xi32>
        %and3A_674 = arith.andi %and3A_670, %gt3A_673 : vector<16xi1>
        %lt3A_675 = arith.cmpi slt, %add3A_641, %gather3A_15 : vector<16xi32>
        %and3A_676 = arith.andi %and3A_674, %lt3A_675 : vector<16xi1>
        %eq3A_677 = vector.broadcast %squeeze3A_661 : i32 to vector<16xi32>
        %eq3A_678 = arith.cmpi eq, %gather3A_23, %eq3A_677 : vector<16xi32>
        %and3A_679 = arith.andi %eq3A_678, %eq3A_667 : vector<16xi1>
        %gt3A_680 = arith.constant 1 : i32
        %gt3A_681 = vector.broadcast %gt3A_680 : i32 to vector<16xi32>
        %gt3A_682 = arith.cmpi sgt, %gather3A, %gt3A_681 : vector<16xi32>
        %and3A_683 = arith.andi %and3A_679, %gt3A_682 : vector<16xi1>
        %lt3A_684 = arith.cmpi slt, %add3A_647, %gather3A_15 : vector<16xi32>
        %and3A_685 = arith.andi %and3A_683, %lt3A_684 : vector<16xi1>
        %eq3A_686 = vector.broadcast %squeeze3A_661 : i32 to vector<16xi32>
        %eq3A_687 = arith.cmpi eq, %gather3A_27, %eq3A_686 : vector<16xi32>
        %and3A_688 = arith.andi %eq3A_687, %eq3A_667 : vector<16xi1>
        %gt3A_689 = arith.constant 2 : i32
        %gt3A_690 = vector.broadcast %gt3A_689 : i32 to vector<16xi32>
        %gt3A_691 = arith.cmpi sgt, %gather3A, %gt3A_690 : vector<16xi32>
        %and3A_692 = arith.andi %and3A_688, %gt3A_691 : vector<16xi1>
        %lt3A_693 = arith.cmpi slt, %add3A_653, %gather3A_15 : vector<16xi32>
        %and3A_694 = arith.andi %and3A_692, %lt3A_693 : vector<16xi1>
        %or3A_695 = arith.ori %and3A_676, %and3A_685 : vector<16xi1>
        %or3A_696 = arith.ori %or3A_695, %and3A_694 : vector<16xi1>
        %reduce_or3A_697 = arith.constant 1.000000e+00 : f32
        %reduce_or3A_698 = arith.constant 0.000000e+00 : f32
        %reduce_or3A_699 = vector.broadcast %reduce_or3A_697 : f32 to vector<16xf32>
        %reduce_or3A_700 = vector.broadcast %reduce_or3A_698 : f32 to vector<16xf32>
        %reduce_or3A_701 = arith.select %or3A_696, %reduce_or3A_699, %reduce_or3A_700 : vector<16xi1>, vector<16xf32>
        %reduce_or3A_702 = arith.constant true
        %reduce_or3A_703 = vector.broadcast %reduce_or3A_702 : i1 to vector<16xi1>
        %reduce_or3A_704 = tpu.scan <max>, %reduce_or3A_701 masked %reduce_or3A_703 : vector<16xf32>, vector<16xi1> -> vector<16xf32>
        %reduce_or3A_705 = vector.extract %reduce_or3A_704[15] : f32 from vector<16xf32>
        %reduce_or3A_706 = arith.constant 0.000000e+00 : f32
        %reduce_or3A_707 = arith.cmpf ogt, %reduce_or3A_705, %reduce_or3A_706 : f32
        %convert_element_type3A_708 = arith.extui %reduce_or3A_707 : i1 to i32
        %cond3A_709 = arith.constant 0 : i32
        %cond3A_710 = arith.cmpi ne, %convert_element_type3A_708, %cond3A_709 : i32
        scf.if %cond3A_710 {
          %add3A_1260 = arith.addi %mul3A_7, %add3A_659 : vector<16xi32>
          %add3A_1261 = vector.broadcast %squeeze3A_663 : i32 to vector<16xi32>
          %add3A_1262 = arith.addi %broadcast_in_dim3A_5, %add3A_1261 : vector<16xi32>
          tpu.vector_store_idx %arg10[%add3A_1260], %add3A_1262 masked %or3A_696 : memref<256xi32, #tpu.memory_space<vmem>>[vector<16xi32>], vector<16xi32>, vector<16xi1>
        } else {
        }
        %jit3A_711 = arith.constant 1 : i32
        %jit3A_712 = arith.constant 0 : i32
        %broadcast_in_dim3A_713 = vector.broadcast %jit3A_711 : i32 to vector<16xi32>
        %broadcast_in_dim3A_714 = vector.broadcast %jit3A_712 : i32 to vector<16xi32>
        %select_n3A_715 = arith.select %and3A_676, %broadcast_in_dim3A_713, %broadcast_in_dim3A_714 : vector<16xi1>, vector<16xi32>
        %add3A_716 = arith.addi %add3A_641, %select_n3A_715 : vector<16xi32>
        %jit3A_717 = arith.constant 1 : i32
        %jit3A_718 = arith.constant 0 : i32
        %broadcast_in_dim3A_719 = vector.broadcast %jit3A_717 : i32 to vector<16xi32>
        %broadcast_in_dim3A_720 = vector.broadcast %jit3A_718 : i32 to vector<16xi32>
        %select_n3A_721 = arith.select %and3A_685, %broadcast_in_dim3A_719, %broadcast_in_dim3A_720 : vector<16xi1>, vector<16xi32>
        %add3A_722 = arith.addi %add3A_647, %select_n3A_721 : vector<16xi32>
        %jit3A_723 = arith.constant 1 : i32
        %jit3A_724 = arith.constant 0 : i32
        %broadcast_in_dim3A_725 = vector.broadcast %jit3A_723 : i32 to vector<16xi32>
        %broadcast_in_dim3A_726 = vector.broadcast %jit3A_724 : i32 to vector<16xi32>
        %select_n3A_727 = arith.select %and3A_694, %broadcast_in_dim3A_725, %broadcast_in_dim3A_726 : vector<16xi1>, vector<16xi32>
        %add3A_728 = arith.addi %add3A_653, %select_n3A_727 : vector<16xi32>
        %jit3A_729 = arith.constant 1 : i32
        %jit3A_730 = arith.constant 0 : i32
        %broadcast_in_dim3A_731 = vector.broadcast %jit3A_729 : i32 to vector<16xi32>
        %broadcast_in_dim3A_732 = vector.broadcast %jit3A_730 : i32 to vector<16xi32>
        %select_n3A_733 = arith.select %or3A_696, %broadcast_in_dim3A_731, %broadcast_in_dim3A_732 : vector<16xi1>, vector<16xi32>
        %add3A_734 = arith.addi %add3A_659, %select_n3A_733 : vector<16xi32>
        %slice3A_735 = vector.extract_strided_slice %get3A_62 {offsets = [9], sizes = [1], strides = [1]} : vector<16xi32> to vector<1xi32>
        %squeeze3A_736 = vector.extract %slice3A_735[0] : i32 from vector<1xi32>
        %slice3A_737 = vector.extract_strided_slice %get3A_66 {offsets = [9], sizes = [1], strides = [1]} : vector<16xi32> to vector<1xi32>
        %squeeze3A_738 = vector.extract %slice3A_737[0] : i32 from vector<1xi32>
        %slice3A_739 = vector.extract_strided_slice %gather3A_67 {offsets = [9], sizes = [1], strides = [1]} : vector<16xi32> to vector<1xi32>
        %squeeze3A_740 = vector.extract %slice3A_739[0] : i32 from vector<1xi32>
        %eq3A_741 = vector.broadcast %squeeze3A_740 : i32 to vector<16xi32>
        %eq3A_742 = arith.cmpi eq, %iota3A, %eq3A_741 : vector<16xi32>
        %eq3A_743 = vector.broadcast %squeeze3A_736 : i32 to vector<16xi32>
        %eq3A_744 = arith.cmpi eq, %gather3A_19, %eq3A_743 : vector<16xi32>
        %and3A_745 = arith.andi %eq3A_744, %eq3A_742 : vector<16xi1>
        %gt3A_746 = arith.constant 0 : i32
        %gt3A_747 = vector.broadcast %gt3A_746 : i32 to vector<16xi32>
        %gt3A_748 = arith.cmpi sgt, %gather3A, %gt3A_747 : vector<16xi32>
        %and3A_749 = arith.andi %and3A_745, %gt3A_748 : vector<16xi1>
        %lt3A_750 = arith.cmpi slt, %add3A_716, %gather3A_15 : vector<16xi32>
        %and3A_751 = arith.andi %and3A_749, %lt3A_750 : vector<16xi1>
        %eq3A_752 = vector.broadcast %squeeze3A_736 : i32 to vector<16xi32>
        %eq3A_753 = arith.cmpi eq, %gather3A_23, %eq3A_752 : vector<16xi32>
        %and3A_754 = arith.andi %eq3A_753, %eq3A_742 : vector<16xi1>
        %gt3A_755 = arith.constant 1 : i32
        %gt3A_756 = vector.broadcast %gt3A_755 : i32 to vector<16xi32>
        %gt3A_757 = arith.cmpi sgt, %gather3A, %gt3A_756 : vector<16xi32>
        %and3A_758 = arith.andi %and3A_754, %gt3A_757 : vector<16xi1>
        %lt3A_759 = arith.cmpi slt, %add3A_722, %gather3A_15 : vector<16xi32>
        %and3A_760 = arith.andi %and3A_758, %lt3A_759 : vector<16xi1>
        %eq3A_761 = vector.broadcast %squeeze3A_736 : i32 to vector<16xi32>
        %eq3A_762 = arith.cmpi eq, %gather3A_27, %eq3A_761 : vector<16xi32>
        %and3A_763 = arith.andi %eq3A_762, %eq3A_742 : vector<16xi1>
        %gt3A_764 = arith.constant 2 : i32
        %gt3A_765 = vector.broadcast %gt3A_764 : i32 to vector<16xi32>
        %gt3A_766 = arith.cmpi sgt, %gather3A, %gt3A_765 : vector<16xi32>
        %and3A_767 = arith.andi %and3A_763, %gt3A_766 : vector<16xi1>
        %lt3A_768 = arith.cmpi slt, %add3A_728, %gather3A_15 : vector<16xi32>
        %and3A_769 = arith.andi %and3A_767, %lt3A_768 : vector<16xi1>
        %or3A_770 = arith.ori %and3A_751, %and3A_760 : vector<16xi1>
        %or3A_771 = arith.ori %or3A_770, %and3A_769 : vector<16xi1>
        %reduce_or3A_772 = arith.constant 1.000000e+00 : f32
        %reduce_or3A_773 = arith.constant 0.000000e+00 : f32
        %reduce_or3A_774 = vector.broadcast %reduce_or3A_772 : f32 to vector<16xf32>
        %reduce_or3A_775 = vector.broadcast %reduce_or3A_773 : f32 to vector<16xf32>
        %reduce_or3A_776 = arith.select %or3A_771, %reduce_or3A_774, %reduce_or3A_775 : vector<16xi1>, vector<16xf32>
        %reduce_or3A_777 = arith.constant true
        %reduce_or3A_778 = vector.broadcast %reduce_or3A_777 : i1 to vector<16xi1>
        %reduce_or3A_779 = tpu.scan <max>, %reduce_or3A_776 masked %reduce_or3A_778 : vector<16xf32>, vector<16xi1> -> vector<16xf32>
        %reduce_or3A_780 = vector.extract %reduce_or3A_779[15] : f32 from vector<16xf32>
        %reduce_or3A_781 = arith.constant 0.000000e+00 : f32
        %reduce_or3A_782 = arith.cmpf ogt, %reduce_or3A_780, %reduce_or3A_781 : f32
        %convert_element_type3A_783 = arith.extui %reduce_or3A_782 : i1 to i32
        %cond3A_784 = arith.constant 0 : i32
        %cond3A_785 = arith.cmpi ne, %convert_element_type3A_783, %cond3A_784 : i32
        scf.if %cond3A_785 {
          %add3A_1260 = arith.addi %mul3A_7, %add3A_734 : vector<16xi32>
          %add3A_1261 = vector.broadcast %squeeze3A_738 : i32 to vector<16xi32>
          %add3A_1262 = arith.addi %broadcast_in_dim3A_5, %add3A_1261 : vector<16xi32>
          tpu.vector_store_idx %arg10[%add3A_1260], %add3A_1262 masked %or3A_771 : memref<256xi32, #tpu.memory_space<vmem>>[vector<16xi32>], vector<16xi32>, vector<16xi1>
        } else {
        }
        %jit3A_786 = arith.constant 1 : i32
        %jit3A_787 = arith.constant 0 : i32
        %broadcast_in_dim3A_788 = vector.broadcast %jit3A_786 : i32 to vector<16xi32>
        %broadcast_in_dim3A_789 = vector.broadcast %jit3A_787 : i32 to vector<16xi32>
        %select_n3A_790 = arith.select %and3A_751, %broadcast_in_dim3A_788, %broadcast_in_dim3A_789 : vector<16xi1>, vector<16xi32>
        %add3A_791 = arith.addi %add3A_716, %select_n3A_790 : vector<16xi32>
        %jit3A_792 = arith.constant 1 : i32
        %jit3A_793 = arith.constant 0 : i32
        %broadcast_in_dim3A_794 = vector.broadcast %jit3A_792 : i32 to vector<16xi32>
        %broadcast_in_dim3A_795 = vector.broadcast %jit3A_793 : i32 to vector<16xi32>
        %select_n3A_796 = arith.select %and3A_760, %broadcast_in_dim3A_794, %broadcast_in_dim3A_795 : vector<16xi1>, vector<16xi32>
        %add3A_797 = arith.addi %add3A_722, %select_n3A_796 : vector<16xi32>
        %jit3A_798 = arith.constant 1 : i32
        %jit3A_799 = arith.constant 0 : i32
        %broadcast_in_dim3A_800 = vector.broadcast %jit3A_798 : i32 to vector<16xi32>
        %broadcast_in_dim3A_801 = vector.broadcast %jit3A_799 : i32 to vector<16xi32>
        %select_n3A_802 = arith.select %and3A_769, %broadcast_in_dim3A_800, %broadcast_in_dim3A_801 : vector<16xi1>, vector<16xi32>
        %add3A_803 = arith.addi %add3A_728, %select_n3A_802 : vector<16xi32>
        %jit3A_804 = arith.constant 1 : i32
        %jit3A_805 = arith.constant 0 : i32
        %broadcast_in_dim3A_806 = vector.broadcast %jit3A_804 : i32 to vector<16xi32>
        %broadcast_in_dim3A_807 = vector.broadcast %jit3A_805 : i32 to vector<16xi32>
        %select_n3A_808 = arith.select %or3A_771, %broadcast_in_dim3A_806, %broadcast_in_dim3A_807 : vector<16xi1>, vector<16xi32>
        %add3A_809 = arith.addi %add3A_734, %select_n3A_808 : vector<16xi32>
        %slice3A_810 = vector.extract_strided_slice %get3A_62 {offsets = [10], sizes = [1], strides = [1]} : vector<16xi32> to vector<1xi32>
        %squeeze3A_811 = vector.extract %slice3A_810[0] : i32 from vector<1xi32>
        %slice3A_812 = vector.extract_strided_slice %get3A_66 {offsets = [10], sizes = [1], strides = [1]} : vector<16xi32> to vector<1xi32>
        %squeeze3A_813 = vector.extract %slice3A_812[0] : i32 from vector<1xi32>
        %slice3A_814 = vector.extract_strided_slice %gather3A_67 {offsets = [10], sizes = [1], strides = [1]} : vector<16xi32> to vector<1xi32>
        %squeeze3A_815 = vector.extract %slice3A_814[0] : i32 from vector<1xi32>
        %eq3A_816 = vector.broadcast %squeeze3A_815 : i32 to vector<16xi32>
        %eq3A_817 = arith.cmpi eq, %iota3A, %eq3A_816 : vector<16xi32>
        %eq3A_818 = vector.broadcast %squeeze3A_811 : i32 to vector<16xi32>
        %eq3A_819 = arith.cmpi eq, %gather3A_19, %eq3A_818 : vector<16xi32>
        %and3A_820 = arith.andi %eq3A_819, %eq3A_817 : vector<16xi1>
        %gt3A_821 = arith.constant 0 : i32
        %gt3A_822 = vector.broadcast %gt3A_821 : i32 to vector<16xi32>
        %gt3A_823 = arith.cmpi sgt, %gather3A, %gt3A_822 : vector<16xi32>
        %and3A_824 = arith.andi %and3A_820, %gt3A_823 : vector<16xi1>
        %lt3A_825 = arith.cmpi slt, %add3A_791, %gather3A_15 : vector<16xi32>
        %and3A_826 = arith.andi %and3A_824, %lt3A_825 : vector<16xi1>
        %eq3A_827 = vector.broadcast %squeeze3A_811 : i32 to vector<16xi32>
        %eq3A_828 = arith.cmpi eq, %gather3A_23, %eq3A_827 : vector<16xi32>
        %and3A_829 = arith.andi %eq3A_828, %eq3A_817 : vector<16xi1>
        %gt3A_830 = arith.constant 1 : i32
        %gt3A_831 = vector.broadcast %gt3A_830 : i32 to vector<16xi32>
        %gt3A_832 = arith.cmpi sgt, %gather3A, %gt3A_831 : vector<16xi32>
        %and3A_833 = arith.andi %and3A_829, %gt3A_832 : vector<16xi1>
        %lt3A_834 = arith.cmpi slt, %add3A_797, %gather3A_15 : vector<16xi32>
        %and3A_835 = arith.andi %and3A_833, %lt3A_834 : vector<16xi1>
        %eq3A_836 = vector.broadcast %squeeze3A_811 : i32 to vector<16xi32>
        %eq3A_837 = arith.cmpi eq, %gather3A_27, %eq3A_836 : vector<16xi32>
        %and3A_838 = arith.andi %eq3A_837, %eq3A_817 : vector<16xi1>
        %gt3A_839 = arith.constant 2 : i32
        %gt3A_840 = vector.broadcast %gt3A_839 : i32 to vector<16xi32>
        %gt3A_841 = arith.cmpi sgt, %gather3A, %gt3A_840 : vector<16xi32>
        %and3A_842 = arith.andi %and3A_838, %gt3A_841 : vector<16xi1>
        %lt3A_843 = arith.cmpi slt, %add3A_803, %gather3A_15 : vector<16xi32>
        %and3A_844 = arith.andi %and3A_842, %lt3A_843 : vector<16xi1>
        %or3A_845 = arith.ori %and3A_826, %and3A_835 : vector<16xi1>
        %or3A_846 = arith.ori %or3A_845, %and3A_844 : vector<16xi1>
        %reduce_or3A_847 = arith.constant 1.000000e+00 : f32
        %reduce_or3A_848 = arith.constant 0.000000e+00 : f32
        %reduce_or3A_849 = vector.broadcast %reduce_or3A_847 : f32 to vector<16xf32>
        %reduce_or3A_850 = vector.broadcast %reduce_or3A_848 : f32 to vector<16xf32>
        %reduce_or3A_851 = arith.select %or3A_846, %reduce_or3A_849, %reduce_or3A_850 : vector<16xi1>, vector<16xf32>
        %reduce_or3A_852 = arith.constant true
        %reduce_or3A_853 = vector.broadcast %reduce_or3A_852 : i1 to vector<16xi1>
        %reduce_or3A_854 = tpu.scan <max>, %reduce_or3A_851 masked %reduce_or3A_853 : vector<16xf32>, vector<16xi1> -> vector<16xf32>
        %reduce_or3A_855 = vector.extract %reduce_or3A_854[15] : f32 from vector<16xf32>
        %reduce_or3A_856 = arith.constant 0.000000e+00 : f32
        %reduce_or3A_857 = arith.cmpf ogt, %reduce_or3A_855, %reduce_or3A_856 : f32
        %convert_element_type3A_858 = arith.extui %reduce_or3A_857 : i1 to i32
        %cond3A_859 = arith.constant 0 : i32
        %cond3A_860 = arith.cmpi ne, %convert_element_type3A_858, %cond3A_859 : i32
        scf.if %cond3A_860 {
          %add3A_1260 = arith.addi %mul3A_7, %add3A_809 : vector<16xi32>
          %add3A_1261 = vector.broadcast %squeeze3A_813 : i32 to vector<16xi32>
          %add3A_1262 = arith.addi %broadcast_in_dim3A_5, %add3A_1261 : vector<16xi32>
          tpu.vector_store_idx %arg10[%add3A_1260], %add3A_1262 masked %or3A_846 : memref<256xi32, #tpu.memory_space<vmem>>[vector<16xi32>], vector<16xi32>, vector<16xi1>
        } else {
        }
        %jit3A_861 = arith.constant 1 : i32
        %jit3A_862 = arith.constant 0 : i32
        %broadcast_in_dim3A_863 = vector.broadcast %jit3A_861 : i32 to vector<16xi32>
        %broadcast_in_dim3A_864 = vector.broadcast %jit3A_862 : i32 to vector<16xi32>
        %select_n3A_865 = arith.select %and3A_826, %broadcast_in_dim3A_863, %broadcast_in_dim3A_864 : vector<16xi1>, vector<16xi32>
        %add3A_866 = arith.addi %add3A_791, %select_n3A_865 : vector<16xi32>
        %jit3A_867 = arith.constant 1 : i32
        %jit3A_868 = arith.constant 0 : i32
        %broadcast_in_dim3A_869 = vector.broadcast %jit3A_867 : i32 to vector<16xi32>
        %broadcast_in_dim3A_870 = vector.broadcast %jit3A_868 : i32 to vector<16xi32>
        %select_n3A_871 = arith.select %and3A_835, %broadcast_in_dim3A_869, %broadcast_in_dim3A_870 : vector<16xi1>, vector<16xi32>
        %add3A_872 = arith.addi %add3A_797, %select_n3A_871 : vector<16xi32>
        %jit3A_873 = arith.constant 1 : i32
        %jit3A_874 = arith.constant 0 : i32
        %broadcast_in_dim3A_875 = vector.broadcast %jit3A_873 : i32 to vector<16xi32>
        %broadcast_in_dim3A_876 = vector.broadcast %jit3A_874 : i32 to vector<16xi32>
        %select_n3A_877 = arith.select %and3A_844, %broadcast_in_dim3A_875, %broadcast_in_dim3A_876 : vector<16xi1>, vector<16xi32>
        %add3A_878 = arith.addi %add3A_803, %select_n3A_877 : vector<16xi32>
        %jit3A_879 = arith.constant 1 : i32
        %jit3A_880 = arith.constant 0 : i32
        %broadcast_in_dim3A_881 = vector.broadcast %jit3A_879 : i32 to vector<16xi32>
        %broadcast_in_dim3A_882 = vector.broadcast %jit3A_880 : i32 to vector<16xi32>
        %select_n3A_883 = arith.select %or3A_846, %broadcast_in_dim3A_881, %broadcast_in_dim3A_882 : vector<16xi1>, vector<16xi32>
        %add3A_884 = arith.addi %add3A_809, %select_n3A_883 : vector<16xi32>
        %slice3A_885 = vector.extract_strided_slice %get3A_62 {offsets = [11], sizes = [1], strides = [1]} : vector<16xi32> to vector<1xi32>
        %squeeze3A_886 = vector.extract %slice3A_885[0] : i32 from vector<1xi32>
        %slice3A_887 = vector.extract_strided_slice %get3A_66 {offsets = [11], sizes = [1], strides = [1]} : vector<16xi32> to vector<1xi32>
        %squeeze3A_888 = vector.extract %slice3A_887[0] : i32 from vector<1xi32>
        %slice3A_889 = vector.extract_strided_slice %gather3A_67 {offsets = [11], sizes = [1], strides = [1]} : vector<16xi32> to vector<1xi32>
        %squeeze3A_890 = vector.extract %slice3A_889[0] : i32 from vector<1xi32>
        %eq3A_891 = vector.broadcast %squeeze3A_890 : i32 to vector<16xi32>
        %eq3A_892 = arith.cmpi eq, %iota3A, %eq3A_891 : vector<16xi32>
        %eq3A_893 = vector.broadcast %squeeze3A_886 : i32 to vector<16xi32>
        %eq3A_894 = arith.cmpi eq, %gather3A_19, %eq3A_893 : vector<16xi32>
        %and3A_895 = arith.andi %eq3A_894, %eq3A_892 : vector<16xi1>
        %gt3A_896 = arith.constant 0 : i32
        %gt3A_897 = vector.broadcast %gt3A_896 : i32 to vector<16xi32>
        %gt3A_898 = arith.cmpi sgt, %gather3A, %gt3A_897 : vector<16xi32>
        %and3A_899 = arith.andi %and3A_895, %gt3A_898 : vector<16xi1>
        %lt3A_900 = arith.cmpi slt, %add3A_866, %gather3A_15 : vector<16xi32>
        %and3A_901 = arith.andi %and3A_899, %lt3A_900 : vector<16xi1>
        %eq3A_902 = vector.broadcast %squeeze3A_886 : i32 to vector<16xi32>
        %eq3A_903 = arith.cmpi eq, %gather3A_23, %eq3A_902 : vector<16xi32>
        %and3A_904 = arith.andi %eq3A_903, %eq3A_892 : vector<16xi1>
        %gt3A_905 = arith.constant 1 : i32
        %gt3A_906 = vector.broadcast %gt3A_905 : i32 to vector<16xi32>
        %gt3A_907 = arith.cmpi sgt, %gather3A, %gt3A_906 : vector<16xi32>
        %and3A_908 = arith.andi %and3A_904, %gt3A_907 : vector<16xi1>
        %lt3A_909 = arith.cmpi slt, %add3A_872, %gather3A_15 : vector<16xi32>
        %and3A_910 = arith.andi %and3A_908, %lt3A_909 : vector<16xi1>
        %eq3A_911 = vector.broadcast %squeeze3A_886 : i32 to vector<16xi32>
        %eq3A_912 = arith.cmpi eq, %gather3A_27, %eq3A_911 : vector<16xi32>
        %and3A_913 = arith.andi %eq3A_912, %eq3A_892 : vector<16xi1>
        %gt3A_914 = arith.constant 2 : i32
        %gt3A_915 = vector.broadcast %gt3A_914 : i32 to vector<16xi32>
        %gt3A_916 = arith.cmpi sgt, %gather3A, %gt3A_915 : vector<16xi32>
        %and3A_917 = arith.andi %and3A_913, %gt3A_916 : vector<16xi1>
        %lt3A_918 = arith.cmpi slt, %add3A_878, %gather3A_15 : vector<16xi32>
        %and3A_919 = arith.andi %and3A_917, %lt3A_918 : vector<16xi1>
        %or3A_920 = arith.ori %and3A_901, %and3A_910 : vector<16xi1>
        %or3A_921 = arith.ori %or3A_920, %and3A_919 : vector<16xi1>
        %reduce_or3A_922 = arith.constant 1.000000e+00 : f32
        %reduce_or3A_923 = arith.constant 0.000000e+00 : f32
        %reduce_or3A_924 = vector.broadcast %reduce_or3A_922 : f32 to vector<16xf32>
        %reduce_or3A_925 = vector.broadcast %reduce_or3A_923 : f32 to vector<16xf32>
        %reduce_or3A_926 = arith.select %or3A_921, %reduce_or3A_924, %reduce_or3A_925 : vector<16xi1>, vector<16xf32>
        %reduce_or3A_927 = arith.constant true
        %reduce_or3A_928 = vector.broadcast %reduce_or3A_927 : i1 to vector<16xi1>
        %reduce_or3A_929 = tpu.scan <max>, %reduce_or3A_926 masked %reduce_or3A_928 : vector<16xf32>, vector<16xi1> -> vector<16xf32>
        %reduce_or3A_930 = vector.extract %reduce_or3A_929[15] : f32 from vector<16xf32>
        %reduce_or3A_931 = arith.constant 0.000000e+00 : f32
        %reduce_or3A_932 = arith.cmpf ogt, %reduce_or3A_930, %reduce_or3A_931 : f32
        %convert_element_type3A_933 = arith.extui %reduce_or3A_932 : i1 to i32
        %cond3A_934 = arith.constant 0 : i32
        %cond3A_935 = arith.cmpi ne, %convert_element_type3A_933, %cond3A_934 : i32
        scf.if %cond3A_935 {
          %add3A_1260 = arith.addi %mul3A_7, %add3A_884 : vector<16xi32>
          %add3A_1261 = vector.broadcast %squeeze3A_888 : i32 to vector<16xi32>
          %add3A_1262 = arith.addi %broadcast_in_dim3A_5, %add3A_1261 : vector<16xi32>
          tpu.vector_store_idx %arg10[%add3A_1260], %add3A_1262 masked %or3A_921 : memref<256xi32, #tpu.memory_space<vmem>>[vector<16xi32>], vector<16xi32>, vector<16xi1>
        } else {
        }
        %jit3A_936 = arith.constant 1 : i32
        %jit3A_937 = arith.constant 0 : i32
        %broadcast_in_dim3A_938 = vector.broadcast %jit3A_936 : i32 to vector<16xi32>
        %broadcast_in_dim3A_939 = vector.broadcast %jit3A_937 : i32 to vector<16xi32>
        %select_n3A_940 = arith.select %and3A_901, %broadcast_in_dim3A_938, %broadcast_in_dim3A_939 : vector<16xi1>, vector<16xi32>
        %add3A_941 = arith.addi %add3A_866, %select_n3A_940 : vector<16xi32>
        %jit3A_942 = arith.constant 1 : i32
        %jit3A_943 = arith.constant 0 : i32
        %broadcast_in_dim3A_944 = vector.broadcast %jit3A_942 : i32 to vector<16xi32>
        %broadcast_in_dim3A_945 = vector.broadcast %jit3A_943 : i32 to vector<16xi32>
        %select_n3A_946 = arith.select %and3A_910, %broadcast_in_dim3A_944, %broadcast_in_dim3A_945 : vector<16xi1>, vector<16xi32>
        %add3A_947 = arith.addi %add3A_872, %select_n3A_946 : vector<16xi32>
        %jit3A_948 = arith.constant 1 : i32
        %jit3A_949 = arith.constant 0 : i32
        %broadcast_in_dim3A_950 = vector.broadcast %jit3A_948 : i32 to vector<16xi32>
        %broadcast_in_dim3A_951 = vector.broadcast %jit3A_949 : i32 to vector<16xi32>
        %select_n3A_952 = arith.select %and3A_919, %broadcast_in_dim3A_950, %broadcast_in_dim3A_951 : vector<16xi1>, vector<16xi32>
        %add3A_953 = arith.addi %add3A_878, %select_n3A_952 : vector<16xi32>
        %jit3A_954 = arith.constant 1 : i32
        %jit3A_955 = arith.constant 0 : i32
        %broadcast_in_dim3A_956 = vector.broadcast %jit3A_954 : i32 to vector<16xi32>
        %broadcast_in_dim3A_957 = vector.broadcast %jit3A_955 : i32 to vector<16xi32>
        %select_n3A_958 = arith.select %or3A_921, %broadcast_in_dim3A_956, %broadcast_in_dim3A_957 : vector<16xi1>, vector<16xi32>
        %add3A_959 = arith.addi %add3A_884, %select_n3A_958 : vector<16xi32>
        %slice3A_960 = vector.extract_strided_slice %get3A_62 {offsets = [12], sizes = [1], strides = [1]} : vector<16xi32> to vector<1xi32>
        %squeeze3A_961 = vector.extract %slice3A_960[0] : i32 from vector<1xi32>
        %slice3A_962 = vector.extract_strided_slice %get3A_66 {offsets = [12], sizes = [1], strides = [1]} : vector<16xi32> to vector<1xi32>
        %squeeze3A_963 = vector.extract %slice3A_962[0] : i32 from vector<1xi32>
        %slice3A_964 = vector.extract_strided_slice %gather3A_67 {offsets = [12], sizes = [1], strides = [1]} : vector<16xi32> to vector<1xi32>
        %squeeze3A_965 = vector.extract %slice3A_964[0] : i32 from vector<1xi32>
        %eq3A_966 = vector.broadcast %squeeze3A_965 : i32 to vector<16xi32>
        %eq3A_967 = arith.cmpi eq, %iota3A, %eq3A_966 : vector<16xi32>
        %eq3A_968 = vector.broadcast %squeeze3A_961 : i32 to vector<16xi32>
        %eq3A_969 = arith.cmpi eq, %gather3A_19, %eq3A_968 : vector<16xi32>
        %and3A_970 = arith.andi %eq3A_969, %eq3A_967 : vector<16xi1>
        %gt3A_971 = arith.constant 0 : i32
        %gt3A_972 = vector.broadcast %gt3A_971 : i32 to vector<16xi32>
        %gt3A_973 = arith.cmpi sgt, %gather3A, %gt3A_972 : vector<16xi32>
        %and3A_974 = arith.andi %and3A_970, %gt3A_973 : vector<16xi1>
        %lt3A_975 = arith.cmpi slt, %add3A_941, %gather3A_15 : vector<16xi32>
        %and3A_976 = arith.andi %and3A_974, %lt3A_975 : vector<16xi1>
        %eq3A_977 = vector.broadcast %squeeze3A_961 : i32 to vector<16xi32>
        %eq3A_978 = arith.cmpi eq, %gather3A_23, %eq3A_977 : vector<16xi32>
        %and3A_979 = arith.andi %eq3A_978, %eq3A_967 : vector<16xi1>
        %gt3A_980 = arith.constant 1 : i32
        %gt3A_981 = vector.broadcast %gt3A_980 : i32 to vector<16xi32>
        %gt3A_982 = arith.cmpi sgt, %gather3A, %gt3A_981 : vector<16xi32>
        %and3A_983 = arith.andi %and3A_979, %gt3A_982 : vector<16xi1>
        %lt3A_984 = arith.cmpi slt, %add3A_947, %gather3A_15 : vector<16xi32>
        %and3A_985 = arith.andi %and3A_983, %lt3A_984 : vector<16xi1>
        %eq3A_986 = vector.broadcast %squeeze3A_961 : i32 to vector<16xi32>
        %eq3A_987 = arith.cmpi eq, %gather3A_27, %eq3A_986 : vector<16xi32>
        %and3A_988 = arith.andi %eq3A_987, %eq3A_967 : vector<16xi1>
        %gt3A_989 = arith.constant 2 : i32
        %gt3A_990 = vector.broadcast %gt3A_989 : i32 to vector<16xi32>
        %gt3A_991 = arith.cmpi sgt, %gather3A, %gt3A_990 : vector<16xi32>
        %and3A_992 = arith.andi %and3A_988, %gt3A_991 : vector<16xi1>
        %lt3A_993 = arith.cmpi slt, %add3A_953, %gather3A_15 : vector<16xi32>
        %and3A_994 = arith.andi %and3A_992, %lt3A_993 : vector<16xi1>
        %or3A_995 = arith.ori %and3A_976, %and3A_985 : vector<16xi1>
        %or3A_996 = arith.ori %or3A_995, %and3A_994 : vector<16xi1>
        %reduce_or3A_997 = arith.constant 1.000000e+00 : f32
        %reduce_or3A_998 = arith.constant 0.000000e+00 : f32
        %reduce_or3A_999 = vector.broadcast %reduce_or3A_997 : f32 to vector<16xf32>
        %reduce_or3A_1000 = vector.broadcast %reduce_or3A_998 : f32 to vector<16xf32>
        %reduce_or3A_1001 = arith.select %or3A_996, %reduce_or3A_999, %reduce_or3A_1000 : vector<16xi1>, vector<16xf32>
        %reduce_or3A_1002 = arith.constant true
        %reduce_or3A_1003 = vector.broadcast %reduce_or3A_1002 : i1 to vector<16xi1>
        %reduce_or3A_1004 = tpu.scan <max>, %reduce_or3A_1001 masked %reduce_or3A_1003 : vector<16xf32>, vector<16xi1> -> vector<16xf32>
        %reduce_or3A_1005 = vector.extract %reduce_or3A_1004[15] : f32 from vector<16xf32>
        %reduce_or3A_1006 = arith.constant 0.000000e+00 : f32
        %reduce_or3A_1007 = arith.cmpf ogt, %reduce_or3A_1005, %reduce_or3A_1006 : f32
        %convert_element_type3A_1008 = arith.extui %reduce_or3A_1007 : i1 to i32
        %cond3A_1009 = arith.constant 0 : i32
        %cond3A_1010 = arith.cmpi ne, %convert_element_type3A_1008, %cond3A_1009 : i32
        scf.if %cond3A_1010 {
          %add3A_1260 = arith.addi %mul3A_7, %add3A_959 : vector<16xi32>
          %add3A_1261 = vector.broadcast %squeeze3A_963 : i32 to vector<16xi32>
          %add3A_1262 = arith.addi %broadcast_in_dim3A_5, %add3A_1261 : vector<16xi32>
          tpu.vector_store_idx %arg10[%add3A_1260], %add3A_1262 masked %or3A_996 : memref<256xi32, #tpu.memory_space<vmem>>[vector<16xi32>], vector<16xi32>, vector<16xi1>
        } else {
        }
        %jit3A_1011 = arith.constant 1 : i32
        %jit3A_1012 = arith.constant 0 : i32
        %broadcast_in_dim3A_1013 = vector.broadcast %jit3A_1011 : i32 to vector<16xi32>
        %broadcast_in_dim3A_1014 = vector.broadcast %jit3A_1012 : i32 to vector<16xi32>
        %select_n3A_1015 = arith.select %and3A_976, %broadcast_in_dim3A_1013, %broadcast_in_dim3A_1014 : vector<16xi1>, vector<16xi32>
        %add3A_1016 = arith.addi %add3A_941, %select_n3A_1015 : vector<16xi32>
        %jit3A_1017 = arith.constant 1 : i32
        %jit3A_1018 = arith.constant 0 : i32
        %broadcast_in_dim3A_1019 = vector.broadcast %jit3A_1017 : i32 to vector<16xi32>
        %broadcast_in_dim3A_1020 = vector.broadcast %jit3A_1018 : i32 to vector<16xi32>
        %select_n3A_1021 = arith.select %and3A_985, %broadcast_in_dim3A_1019, %broadcast_in_dim3A_1020 : vector<16xi1>, vector<16xi32>
        %add3A_1022 = arith.addi %add3A_947, %select_n3A_1021 : vector<16xi32>
        %jit3A_1023 = arith.constant 1 : i32
        %jit3A_1024 = arith.constant 0 : i32
        %broadcast_in_dim3A_1025 = vector.broadcast %jit3A_1023 : i32 to vector<16xi32>
        %broadcast_in_dim3A_1026 = vector.broadcast %jit3A_1024 : i32 to vector<16xi32>
        %select_n3A_1027 = arith.select %and3A_994, %broadcast_in_dim3A_1025, %broadcast_in_dim3A_1026 : vector<16xi1>, vector<16xi32>
        %add3A_1028 = arith.addi %add3A_953, %select_n3A_1027 : vector<16xi32>
        %jit3A_1029 = arith.constant 1 : i32
        %jit3A_1030 = arith.constant 0 : i32
        %broadcast_in_dim3A_1031 = vector.broadcast %jit3A_1029 : i32 to vector<16xi32>
        %broadcast_in_dim3A_1032 = vector.broadcast %jit3A_1030 : i32 to vector<16xi32>
        %select_n3A_1033 = arith.select %or3A_996, %broadcast_in_dim3A_1031, %broadcast_in_dim3A_1032 : vector<16xi1>, vector<16xi32>
        %add3A_1034 = arith.addi %add3A_959, %select_n3A_1033 : vector<16xi32>
        %slice3A_1035 = vector.extract_strided_slice %get3A_62 {offsets = [13], sizes = [1], strides = [1]} : vector<16xi32> to vector<1xi32>
        %squeeze3A_1036 = vector.extract %slice3A_1035[0] : i32 from vector<1xi32>
        %slice3A_1037 = vector.extract_strided_slice %get3A_66 {offsets = [13], sizes = [1], strides = [1]} : vector<16xi32> to vector<1xi32>
        %squeeze3A_1038 = vector.extract %slice3A_1037[0] : i32 from vector<1xi32>
        %slice3A_1039 = vector.extract_strided_slice %gather3A_67 {offsets = [13], sizes = [1], strides = [1]} : vector<16xi32> to vector<1xi32>
        %squeeze3A_1040 = vector.extract %slice3A_1039[0] : i32 from vector<1xi32>
        %eq3A_1041 = vector.broadcast %squeeze3A_1040 : i32 to vector<16xi32>
        %eq3A_1042 = arith.cmpi eq, %iota3A, %eq3A_1041 : vector<16xi32>
        %eq3A_1043 = vector.broadcast %squeeze3A_1036 : i32 to vector<16xi32>
        %eq3A_1044 = arith.cmpi eq, %gather3A_19, %eq3A_1043 : vector<16xi32>
        %and3A_1045 = arith.andi %eq3A_1044, %eq3A_1042 : vector<16xi1>
        %gt3A_1046 = arith.constant 0 : i32
        %gt3A_1047 = vector.broadcast %gt3A_1046 : i32 to vector<16xi32>
        %gt3A_1048 = arith.cmpi sgt, %gather3A, %gt3A_1047 : vector<16xi32>
        %and3A_1049 = arith.andi %and3A_1045, %gt3A_1048 : vector<16xi1>
        %lt3A_1050 = arith.cmpi slt, %add3A_1016, %gather3A_15 : vector<16xi32>
        %and3A_1051 = arith.andi %and3A_1049, %lt3A_1050 : vector<16xi1>
        %eq3A_1052 = vector.broadcast %squeeze3A_1036 : i32 to vector<16xi32>
        %eq3A_1053 = arith.cmpi eq, %gather3A_23, %eq3A_1052 : vector<16xi32>
        %and3A_1054 = arith.andi %eq3A_1053, %eq3A_1042 : vector<16xi1>
        %gt3A_1055 = arith.constant 1 : i32
        %gt3A_1056 = vector.broadcast %gt3A_1055 : i32 to vector<16xi32>
        %gt3A_1057 = arith.cmpi sgt, %gather3A, %gt3A_1056 : vector<16xi32>
        %and3A_1058 = arith.andi %and3A_1054, %gt3A_1057 : vector<16xi1>
        %lt3A_1059 = arith.cmpi slt, %add3A_1022, %gather3A_15 : vector<16xi32>
        %and3A_1060 = arith.andi %and3A_1058, %lt3A_1059 : vector<16xi1>
        %eq3A_1061 = vector.broadcast %squeeze3A_1036 : i32 to vector<16xi32>
        %eq3A_1062 = arith.cmpi eq, %gather3A_27, %eq3A_1061 : vector<16xi32>
        %and3A_1063 = arith.andi %eq3A_1062, %eq3A_1042 : vector<16xi1>
        %gt3A_1064 = arith.constant 2 : i32
        %gt3A_1065 = vector.broadcast %gt3A_1064 : i32 to vector<16xi32>
        %gt3A_1066 = arith.cmpi sgt, %gather3A, %gt3A_1065 : vector<16xi32>
        %and3A_1067 = arith.andi %and3A_1063, %gt3A_1066 : vector<16xi1>
        %lt3A_1068 = arith.cmpi slt, %add3A_1028, %gather3A_15 : vector<16xi32>
        %and3A_1069 = arith.andi %and3A_1067, %lt3A_1068 : vector<16xi1>
        %or3A_1070 = arith.ori %and3A_1051, %and3A_1060 : vector<16xi1>
        %or3A_1071 = arith.ori %or3A_1070, %and3A_1069 : vector<16xi1>
        %reduce_or3A_1072 = arith.constant 1.000000e+00 : f32
        %reduce_or3A_1073 = arith.constant 0.000000e+00 : f32
        %reduce_or3A_1074 = vector.broadcast %reduce_or3A_1072 : f32 to vector<16xf32>
        %reduce_or3A_1075 = vector.broadcast %reduce_or3A_1073 : f32 to vector<16xf32>
        %reduce_or3A_1076 = arith.select %or3A_1071, %reduce_or3A_1074, %reduce_or3A_1075 : vector<16xi1>, vector<16xf32>
        %reduce_or3A_1077 = arith.constant true
        %reduce_or3A_1078 = vector.broadcast %reduce_or3A_1077 : i1 to vector<16xi1>
        %reduce_or3A_1079 = tpu.scan <max>, %reduce_or3A_1076 masked %reduce_or3A_1078 : vector<16xf32>, vector<16xi1> -> vector<16xf32>
        %reduce_or3A_1080 = vector.extract %reduce_or3A_1079[15] : f32 from vector<16xf32>
        %reduce_or3A_1081 = arith.constant 0.000000e+00 : f32
        %reduce_or3A_1082 = arith.cmpf ogt, %reduce_or3A_1080, %reduce_or3A_1081 : f32
        %convert_element_type3A_1083 = arith.extui %reduce_or3A_1082 : i1 to i32
        %cond3A_1084 = arith.constant 0 : i32
        %cond3A_1085 = arith.cmpi ne, %convert_element_type3A_1083, %cond3A_1084 : i32
        scf.if %cond3A_1085 {
          %add3A_1260 = arith.addi %mul3A_7, %add3A_1034 : vector<16xi32>
          %add3A_1261 = vector.broadcast %squeeze3A_1038 : i32 to vector<16xi32>
          %add3A_1262 = arith.addi %broadcast_in_dim3A_5, %add3A_1261 : vector<16xi32>
          tpu.vector_store_idx %arg10[%add3A_1260], %add3A_1262 masked %or3A_1071 : memref<256xi32, #tpu.memory_space<vmem>>[vector<16xi32>], vector<16xi32>, vector<16xi1>
        } else {
        }
        %jit3A_1086 = arith.constant 1 : i32
        %jit3A_1087 = arith.constant 0 : i32
        %broadcast_in_dim3A_1088 = vector.broadcast %jit3A_1086 : i32 to vector<16xi32>
        %broadcast_in_dim3A_1089 = vector.broadcast %jit3A_1087 : i32 to vector<16xi32>
        %select_n3A_1090 = arith.select %and3A_1051, %broadcast_in_dim3A_1088, %broadcast_in_dim3A_1089 : vector<16xi1>, vector<16xi32>
        %add3A_1091 = arith.addi %add3A_1016, %select_n3A_1090 : vector<16xi32>
        %jit3A_1092 = arith.constant 1 : i32
        %jit3A_1093 = arith.constant 0 : i32
        %broadcast_in_dim3A_1094 = vector.broadcast %jit3A_1092 : i32 to vector<16xi32>
        %broadcast_in_dim3A_1095 = vector.broadcast %jit3A_1093 : i32 to vector<16xi32>
        %select_n3A_1096 = arith.select %and3A_1060, %broadcast_in_dim3A_1094, %broadcast_in_dim3A_1095 : vector<16xi1>, vector<16xi32>
        %add3A_1097 = arith.addi %add3A_1022, %select_n3A_1096 : vector<16xi32>
        %jit3A_1098 = arith.constant 1 : i32
        %jit3A_1099 = arith.constant 0 : i32
        %broadcast_in_dim3A_1100 = vector.broadcast %jit3A_1098 : i32 to vector<16xi32>
        %broadcast_in_dim3A_1101 = vector.broadcast %jit3A_1099 : i32 to vector<16xi32>
        %select_n3A_1102 = arith.select %and3A_1069, %broadcast_in_dim3A_1100, %broadcast_in_dim3A_1101 : vector<16xi1>, vector<16xi32>
        %add3A_1103 = arith.addi %add3A_1028, %select_n3A_1102 : vector<16xi32>
        %jit3A_1104 = arith.constant 1 : i32
        %jit3A_1105 = arith.constant 0 : i32
        %broadcast_in_dim3A_1106 = vector.broadcast %jit3A_1104 : i32 to vector<16xi32>
        %broadcast_in_dim3A_1107 = vector.broadcast %jit3A_1105 : i32 to vector<16xi32>
        %select_n3A_1108 = arith.select %or3A_1071, %broadcast_in_dim3A_1106, %broadcast_in_dim3A_1107 : vector<16xi1>, vector<16xi32>
        %add3A_1109 = arith.addi %add3A_1034, %select_n3A_1108 : vector<16xi32>
        %slice3A_1110 = vector.extract_strided_slice %get3A_62 {offsets = [14], sizes = [1], strides = [1]} : vector<16xi32> to vector<1xi32>
        %squeeze3A_1111 = vector.extract %slice3A_1110[0] : i32 from vector<1xi32>
        %slice3A_1112 = vector.extract_strided_slice %get3A_66 {offsets = [14], sizes = [1], strides = [1]} : vector<16xi32> to vector<1xi32>
        %squeeze3A_1113 = vector.extract %slice3A_1112[0] : i32 from vector<1xi32>
        %slice3A_1114 = vector.extract_strided_slice %gather3A_67 {offsets = [14], sizes = [1], strides = [1]} : vector<16xi32> to vector<1xi32>
        %squeeze3A_1115 = vector.extract %slice3A_1114[0] : i32 from vector<1xi32>
        %eq3A_1116 = vector.broadcast %squeeze3A_1115 : i32 to vector<16xi32>
        %eq3A_1117 = arith.cmpi eq, %iota3A, %eq3A_1116 : vector<16xi32>
        %eq3A_1118 = vector.broadcast %squeeze3A_1111 : i32 to vector<16xi32>
        %eq3A_1119 = arith.cmpi eq, %gather3A_19, %eq3A_1118 : vector<16xi32>
        %and3A_1120 = arith.andi %eq3A_1119, %eq3A_1117 : vector<16xi1>
        %gt3A_1121 = arith.constant 0 : i32
        %gt3A_1122 = vector.broadcast %gt3A_1121 : i32 to vector<16xi32>
        %gt3A_1123 = arith.cmpi sgt, %gather3A, %gt3A_1122 : vector<16xi32>
        %and3A_1124 = arith.andi %and3A_1120, %gt3A_1123 : vector<16xi1>
        %lt3A_1125 = arith.cmpi slt, %add3A_1091, %gather3A_15 : vector<16xi32>
        %and3A_1126 = arith.andi %and3A_1124, %lt3A_1125 : vector<16xi1>
        %eq3A_1127 = vector.broadcast %squeeze3A_1111 : i32 to vector<16xi32>
        %eq3A_1128 = arith.cmpi eq, %gather3A_23, %eq3A_1127 : vector<16xi32>
        %and3A_1129 = arith.andi %eq3A_1128, %eq3A_1117 : vector<16xi1>
        %gt3A_1130 = arith.constant 1 : i32
        %gt3A_1131 = vector.broadcast %gt3A_1130 : i32 to vector<16xi32>
        %gt3A_1132 = arith.cmpi sgt, %gather3A, %gt3A_1131 : vector<16xi32>
        %and3A_1133 = arith.andi %and3A_1129, %gt3A_1132 : vector<16xi1>
        %lt3A_1134 = arith.cmpi slt, %add3A_1097, %gather3A_15 : vector<16xi32>
        %and3A_1135 = arith.andi %and3A_1133, %lt3A_1134 : vector<16xi1>
        %eq3A_1136 = vector.broadcast %squeeze3A_1111 : i32 to vector<16xi32>
        %eq3A_1137 = arith.cmpi eq, %gather3A_27, %eq3A_1136 : vector<16xi32>
        %and3A_1138 = arith.andi %eq3A_1137, %eq3A_1117 : vector<16xi1>
        %gt3A_1139 = arith.constant 2 : i32
        %gt3A_1140 = vector.broadcast %gt3A_1139 : i32 to vector<16xi32>
        %gt3A_1141 = arith.cmpi sgt, %gather3A, %gt3A_1140 : vector<16xi32>
        %and3A_1142 = arith.andi %and3A_1138, %gt3A_1141 : vector<16xi1>
        %lt3A_1143 = arith.cmpi slt, %add3A_1103, %gather3A_15 : vector<16xi32>
        %and3A_1144 = arith.andi %and3A_1142, %lt3A_1143 : vector<16xi1>
        %or3A_1145 = arith.ori %and3A_1126, %and3A_1135 : vector<16xi1>
        %or3A_1146 = arith.ori %or3A_1145, %and3A_1144 : vector<16xi1>
        %reduce_or3A_1147 = arith.constant 1.000000e+00 : f32
        %reduce_or3A_1148 = arith.constant 0.000000e+00 : f32
        %reduce_or3A_1149 = vector.broadcast %reduce_or3A_1147 : f32 to vector<16xf32>
        %reduce_or3A_1150 = vector.broadcast %reduce_or3A_1148 : f32 to vector<16xf32>
        %reduce_or3A_1151 = arith.select %or3A_1146, %reduce_or3A_1149, %reduce_or3A_1150 : vector<16xi1>, vector<16xf32>
        %reduce_or3A_1152 = arith.constant true
        %reduce_or3A_1153 = vector.broadcast %reduce_or3A_1152 : i1 to vector<16xi1>
        %reduce_or3A_1154 = tpu.scan <max>, %reduce_or3A_1151 masked %reduce_or3A_1153 : vector<16xf32>, vector<16xi1> -> vector<16xf32>
        %reduce_or3A_1155 = vector.extract %reduce_or3A_1154[15] : f32 from vector<16xf32>
        %reduce_or3A_1156 = arith.constant 0.000000e+00 : f32
        %reduce_or3A_1157 = arith.cmpf ogt, %reduce_or3A_1155, %reduce_or3A_1156 : f32
        %convert_element_type3A_1158 = arith.extui %reduce_or3A_1157 : i1 to i32
        %cond3A_1159 = arith.constant 0 : i32
        %cond3A_1160 = arith.cmpi ne, %convert_element_type3A_1158, %cond3A_1159 : i32
        scf.if %cond3A_1160 {
          %add3A_1260 = arith.addi %mul3A_7, %add3A_1109 : vector<16xi32>
          %add3A_1261 = vector.broadcast %squeeze3A_1113 : i32 to vector<16xi32>
          %add3A_1262 = arith.addi %broadcast_in_dim3A_5, %add3A_1261 : vector<16xi32>
          tpu.vector_store_idx %arg10[%add3A_1260], %add3A_1262 masked %or3A_1146 : memref<256xi32, #tpu.memory_space<vmem>>[vector<16xi32>], vector<16xi32>, vector<16xi1>
        } else {
        }
        %jit3A_1161 = arith.constant 1 : i32
        %jit3A_1162 = arith.constant 0 : i32
        %broadcast_in_dim3A_1163 = vector.broadcast %jit3A_1161 : i32 to vector<16xi32>
        %broadcast_in_dim3A_1164 = vector.broadcast %jit3A_1162 : i32 to vector<16xi32>
        %select_n3A_1165 = arith.select %and3A_1126, %broadcast_in_dim3A_1163, %broadcast_in_dim3A_1164 : vector<16xi1>, vector<16xi32>
        %add3A_1166 = arith.addi %add3A_1091, %select_n3A_1165 : vector<16xi32>
        %jit3A_1167 = arith.constant 1 : i32
        %jit3A_1168 = arith.constant 0 : i32
        %broadcast_in_dim3A_1169 = vector.broadcast %jit3A_1167 : i32 to vector<16xi32>
        %broadcast_in_dim3A_1170 = vector.broadcast %jit3A_1168 : i32 to vector<16xi32>
        %select_n3A_1171 = arith.select %and3A_1135, %broadcast_in_dim3A_1169, %broadcast_in_dim3A_1170 : vector<16xi1>, vector<16xi32>
        %add3A_1172 = arith.addi %add3A_1097, %select_n3A_1171 : vector<16xi32>
        %jit3A_1173 = arith.constant 1 : i32
        %jit3A_1174 = arith.constant 0 : i32
        %broadcast_in_dim3A_1175 = vector.broadcast %jit3A_1173 : i32 to vector<16xi32>
        %broadcast_in_dim3A_1176 = vector.broadcast %jit3A_1174 : i32 to vector<16xi32>
        %select_n3A_1177 = arith.select %and3A_1144, %broadcast_in_dim3A_1175, %broadcast_in_dim3A_1176 : vector<16xi1>, vector<16xi32>
        %add3A_1178 = arith.addi %add3A_1103, %select_n3A_1177 : vector<16xi32>
        %jit3A_1179 = arith.constant 1 : i32
        %jit3A_1180 = arith.constant 0 : i32
        %broadcast_in_dim3A_1181 = vector.broadcast %jit3A_1179 : i32 to vector<16xi32>
        %broadcast_in_dim3A_1182 = vector.broadcast %jit3A_1180 : i32 to vector<16xi32>
        %select_n3A_1183 = arith.select %or3A_1146, %broadcast_in_dim3A_1181, %broadcast_in_dim3A_1182 : vector<16xi1>, vector<16xi32>
        %add3A_1184 = arith.addi %add3A_1109, %select_n3A_1183 : vector<16xi32>
        %slice3A_1185 = vector.extract_strided_slice %get3A_62 {offsets = [15], sizes = [1], strides = [1]} : vector<16xi32> to vector<1xi32>
        %squeeze3A_1186 = vector.extract %slice3A_1185[0] : i32 from vector<1xi32>
        %slice3A_1187 = vector.extract_strided_slice %get3A_66 {offsets = [15], sizes = [1], strides = [1]} : vector<16xi32> to vector<1xi32>
        %squeeze3A_1188 = vector.extract %slice3A_1187[0] : i32 from vector<1xi32>
        %slice3A_1189 = vector.extract_strided_slice %gather3A_67 {offsets = [15], sizes = [1], strides = [1]} : vector<16xi32> to vector<1xi32>
        %squeeze3A_1190 = vector.extract %slice3A_1189[0] : i32 from vector<1xi32>
        %eq3A_1191 = vector.broadcast %squeeze3A_1190 : i32 to vector<16xi32>
        %eq3A_1192 = arith.cmpi eq, %iota3A, %eq3A_1191 : vector<16xi32>
        %eq3A_1193 = vector.broadcast %squeeze3A_1186 : i32 to vector<16xi32>
        %eq3A_1194 = arith.cmpi eq, %gather3A_19, %eq3A_1193 : vector<16xi32>
        %and3A_1195 = arith.andi %eq3A_1194, %eq3A_1192 : vector<16xi1>
        %gt3A_1196 = arith.constant 0 : i32
        %gt3A_1197 = vector.broadcast %gt3A_1196 : i32 to vector<16xi32>
        %gt3A_1198 = arith.cmpi sgt, %gather3A, %gt3A_1197 : vector<16xi32>
        %and3A_1199 = arith.andi %and3A_1195, %gt3A_1198 : vector<16xi1>
        %lt3A_1200 = arith.cmpi slt, %add3A_1166, %gather3A_15 : vector<16xi32>
        %and3A_1201 = arith.andi %and3A_1199, %lt3A_1200 : vector<16xi1>
        %eq3A_1202 = vector.broadcast %squeeze3A_1186 : i32 to vector<16xi32>
        %eq3A_1203 = arith.cmpi eq, %gather3A_23, %eq3A_1202 : vector<16xi32>
        %and3A_1204 = arith.andi %eq3A_1203, %eq3A_1192 : vector<16xi1>
        %gt3A_1205 = arith.constant 1 : i32
        %gt3A_1206 = vector.broadcast %gt3A_1205 : i32 to vector<16xi32>
        %gt3A_1207 = arith.cmpi sgt, %gather3A, %gt3A_1206 : vector<16xi32>
        %and3A_1208 = arith.andi %and3A_1204, %gt3A_1207 : vector<16xi1>
        %lt3A_1209 = arith.cmpi slt, %add3A_1172, %gather3A_15 : vector<16xi32>
        %and3A_1210 = arith.andi %and3A_1208, %lt3A_1209 : vector<16xi1>
        %eq3A_1211 = vector.broadcast %squeeze3A_1186 : i32 to vector<16xi32>
        %eq3A_1212 = arith.cmpi eq, %gather3A_27, %eq3A_1211 : vector<16xi32>
        %and3A_1213 = arith.andi %eq3A_1212, %eq3A_1192 : vector<16xi1>
        %gt3A_1214 = arith.constant 2 : i32
        %gt3A_1215 = vector.broadcast %gt3A_1214 : i32 to vector<16xi32>
        %gt3A_1216 = arith.cmpi sgt, %gather3A, %gt3A_1215 : vector<16xi32>
        %and3A_1217 = arith.andi %and3A_1213, %gt3A_1216 : vector<16xi1>
        %lt3A_1218 = arith.cmpi slt, %add3A_1178, %gather3A_15 : vector<16xi32>
        %and3A_1219 = arith.andi %and3A_1217, %lt3A_1218 : vector<16xi1>
        %or3A_1220 = arith.ori %and3A_1201, %and3A_1210 : vector<16xi1>
        %or3A_1221 = arith.ori %or3A_1220, %and3A_1219 : vector<16xi1>
        %reduce_or3A_1222 = arith.constant 1.000000e+00 : f32
        %reduce_or3A_1223 = arith.constant 0.000000e+00 : f32
        %reduce_or3A_1224 = vector.broadcast %reduce_or3A_1222 : f32 to vector<16xf32>
        %reduce_or3A_1225 = vector.broadcast %reduce_or3A_1223 : f32 to vector<16xf32>
        %reduce_or3A_1226 = arith.select %or3A_1221, %reduce_or3A_1224, %reduce_or3A_1225 : vector<16xi1>, vector<16xf32>
        %reduce_or3A_1227 = arith.constant true
        %reduce_or3A_1228 = vector.broadcast %reduce_or3A_1227 : i1 to vector<16xi1>
        %reduce_or3A_1229 = tpu.scan <max>, %reduce_or3A_1226 masked %reduce_or3A_1228 : vector<16xf32>, vector<16xi1> -> vector<16xf32>
        %reduce_or3A_1230 = vector.extract %reduce_or3A_1229[15] : f32 from vector<16xf32>
        %reduce_or3A_1231 = arith.constant 0.000000e+00 : f32
        %reduce_or3A_1232 = arith.cmpf ogt, %reduce_or3A_1230, %reduce_or3A_1231 : f32
        %convert_element_type3A_1233 = arith.extui %reduce_or3A_1232 : i1 to i32
        %cond3A_1234 = arith.constant 0 : i32
        %cond3A_1235 = arith.cmpi ne, %convert_element_type3A_1233, %cond3A_1234 : i32
        scf.if %cond3A_1235 {
          %add3A_1260 = arith.addi %mul3A_7, %add3A_1184 : vector<16xi32>
          %add3A_1261 = vector.broadcast %squeeze3A_1188 : i32 to vector<16xi32>
          %add3A_1262 = arith.addi %broadcast_in_dim3A_5, %add3A_1261 : vector<16xi32>
          tpu.vector_store_idx %arg10[%add3A_1260], %add3A_1262 masked %or3A_1221 : memref<256xi32, #tpu.memory_space<vmem>>[vector<16xi32>], vector<16xi32>, vector<16xi1>
        } else {
        }
        %jit3A_1236 = arith.constant 1 : i32
        %jit3A_1237 = arith.constant 0 : i32
        %broadcast_in_dim3A_1238 = vector.broadcast %jit3A_1236 : i32 to vector<16xi32>
        %broadcast_in_dim3A_1239 = vector.broadcast %jit3A_1237 : i32 to vector<16xi32>
        %select_n3A_1240 = arith.select %and3A_1201, %broadcast_in_dim3A_1238, %broadcast_in_dim3A_1239 : vector<16xi1>, vector<16xi32>
        %add3A_1241 = arith.addi %add3A_1166, %select_n3A_1240 : vector<16xi32>
        %jit3A_1242 = arith.constant 1 : i32
        %jit3A_1243 = arith.constant 0 : i32
        %broadcast_in_dim3A_1244 = vector.broadcast %jit3A_1242 : i32 to vector<16xi32>
        %broadcast_in_dim3A_1245 = vector.broadcast %jit3A_1243 : i32 to vector<16xi32>
        %select_n3A_1246 = arith.select %and3A_1210, %broadcast_in_dim3A_1244, %broadcast_in_dim3A_1245 : vector<16xi1>, vector<16xi32>
        %add3A_1247 = arith.addi %add3A_1172, %select_n3A_1246 : vector<16xi32>
        %jit3A_1248 = arith.constant 1 : i32
        %jit3A_1249 = arith.constant 0 : i32
        %broadcast_in_dim3A_1250 = vector.broadcast %jit3A_1248 : i32 to vector<16xi32>
        %broadcast_in_dim3A_1251 = vector.broadcast %jit3A_1249 : i32 to vector<16xi32>
        %select_n3A_1252 = arith.select %and3A_1219, %broadcast_in_dim3A_1250, %broadcast_in_dim3A_1251 : vector<16xi1>, vector<16xi32>
        %add3A_1253 = arith.addi %add3A_1178, %select_n3A_1252 : vector<16xi32>
        %jit3A_1254 = arith.constant 1 : i32
        %jit3A_1255 = arith.constant 0 : i32
        %broadcast_in_dim3A_1256 = vector.broadcast %jit3A_1254 : i32 to vector<16xi32>
        %broadcast_in_dim3A_1257 = vector.broadcast %jit3A_1255 : i32 to vector<16xi32>
        %select_n3A_1258 = arith.select %or3A_1221, %broadcast_in_dim3A_1256, %broadcast_in_dim3A_1257 : vector<16xi1>, vector<16xi32>
        %add3A_1259 = arith.addi %add3A_1184, %select_n3A_1258 : vector<16xi32>
        scf.yield %add3A_1241, %add3A_1247, %add3A_1253, %add3A_1259 : vector<16xi32>, vector<16xi32>, vector<16xi32>, vector<16xi32>
      }
      %scan3A_33 = arith.constant 25 : i32
      %add3A_34 = arith.constant 4 : i32
      %add3A_35 = vector.broadcast %add3A_34 : i32 to vector<16xi32>
      %add3A_36 = arith.addi %mul3A_7, %add3A_35 : vector<16xi32>
      tpu.vector_store_idx %arg10[%add3A_36], %scan3A_32#3 : memref<256xi32, #tpu.memory_space<vmem>>[vector<16xi32>], vector<16xi32>,
      %add3A_37 = arith.constant 5 : i32
      %add3A_38 = vector.broadcast %add3A_37 : i32 to vector<16xi32>
      %add3A_39 = arith.addi %mul3A_7, %add3A_38 : vector<16xi32>
      tpu.vector_store_idx %arg10[%add3A_39], %scan3A_32#0 : memref<256xi32, #tpu.memory_space<vmem>>[vector<16xi32>], vector<16xi32>,
      %add3A_40 = arith.constant 6 : i32
      %add3A_41 = vector.broadcast %add3A_40 : i32 to vector<16xi32>
      %add3A_42 = arith.addi %mul3A_7, %add3A_41 : vector<16xi32>
      tpu.vector_store_idx %arg10[%add3A_42], %scan3A_32#1 : memref<256xi32, #tpu.memory_space<vmem>>[vector<16xi32>], vector<16xi32>,
      %add3A_43 = arith.constant 7 : i32
      %add3A_44 = vector.broadcast %add3A_43 : i32 to vector<16xi32>
      %add3A_45 = arith.addi %mul3A_7, %add3A_44 : vector<16xi32>
      tpu.vector_store_idx %arg10[%add3A_45], %scan3A_32#2 : memref<256xi32, #tpu.memory_space<vmem>>[vector<16xi32>], vector<16xi32>,
      %add3A_46 = arith.constant 8 : i32
      %add3A_47 = vector.broadcast %add3A_46 : i32 to vector<16xi32>
      %add3A_48 = arith.addi %mul3A_7, %add3A_47 : vector<16xi32>
      tpu.vector_store_idx %arg10[%add3A_48], %gather3A_19 : memref<256xi32, #tpu.memory_space<vmem>>[vector<16xi32>], vector<16xi32>,
      %add3A_49 = arith.constant 9 : i32
      %add3A_50 = vector.broadcast %add3A_49 : i32 to vector<16xi32>
      %add3A_51 = arith.addi %mul3A_7, %add3A_50 : vector<16xi32>
      tpu.vector_store_idx %arg10[%add3A_51], %gather3A_23 : memref<256xi32, #tpu.memory_space<vmem>>[vector<16xi32>], vector<16xi32>,
      %add3A_52 = arith.constant 10 : i32
      %add3A_53 = vector.broadcast %add3A_52 : i32 to vector<16xi32>
      %add3A_54 = arith.addi %mul3A_7, %add3A_53 : vector<16xi32>
      tpu.vector_store_idx %arg10[%add3A_54], %gather3A_27 : memref<256xi32, #tpu.memory_space<vmem>>[vector<16xi32>], vector<16xi32>,
      "tpu.region"() ({
        %run_scoped3A_55 = tpu.sem_alloc : memref<!tpu.dma_semaphore, #tpu.memory_space<semaphore_mem>>
        tpu.enqueue_dma source(%arg10 : memref<256xi32, #tpu.memory_space<vmem>>) target(%arg5 : memref<256xi32, #tpu.memory_space<hbm>>) target_semaphore(%run_scoped3A_55 : memref<!tpu.dma_semaphore, #tpu.memory_space<semaphore_mem>>)
        tpu.wait_dma2 semaphore(%run_scoped3A_55 : memref<!tpu.dma_semaphore, #tpu.memory_space<semaphore_mem>>) src(%arg10 : memref<256xi32, #tpu.memory_space<vmem>>) dst(%arg5 : memref<256xi32, #tpu.memory_space<hbm>>)
        tpu.yield
      }) : () -> ()
    } else {
    }
    return
  }
}

module attributes {stable_mosaic.version = 14 : i64} {
  func.func @_tc2_body(%arg0: memref<23x768xf32, #tpu.memory_space<vmem>>, %arg1: memref<200x768xf32, #tpu.memory_space<any>>, %arg2: memref<768x768xf32, #tpu.memory_space<any>>, %arg3: memref<768x768xf32, #tpu.memory_space<any>>, %arg4: memref<16x16xi32, #tpu.memory_space<vmem>>, %arg5: memref<16x768xf32, #tpu.memory_space<vmem>>, %arg6: memref<16x768xf32, #tpu.memory_space<vmem>>, %arg7: memref<200x768xf32, #tpu.memory_space<vmem>>, %arg8: memref<768x768xf32, #tpu.memory_space<vmem>>, %arg9: memref<768x768xf32, #tpu.memory_space<vmem>>, %arg10: memref<10x!tpu.dma_semaphore, #tpu.memory_space<semaphore_mem>>) attributes {dimension_semantics = [], scalar_prefetch = 0 : i64, scratch_operands = 4 : i64, tpu.core_type = #tpu.core_type<tc>} {
    %dma_start3A = arith.constant 0 : i32
    %dma_start3A_0 = tpu.memref_slice %arg10[%dma_start3A] : memref<10x!tpu.dma_semaphore, #tpu.memory_space<semaphore_mem>> -> memref<1x!tpu.dma_semaphore, #tpu.memory_space<semaphore_mem>>
    %dma_start3A_1 = tpu.memref_squeeze %dma_start3A_0 : memref<1x!tpu.dma_semaphore, #tpu.memory_space<semaphore_mem>> -> memref<!tpu.dma_semaphore, #tpu.memory_space<semaphore_mem>>
    %dma_start3A_2 = arith.constant 0 : i32
    %dma_start3A_3 = arith.constant 0 : i32
    %dma_start3A_4 = tpu.memref_slice %arg7[%dma_start3A_2, %dma_start3A_3] : memref<200x768xf32, #tpu.memory_space<vmem>> -> memref<104x768xf32, #tpu.memory_space<vmem>>
    %dma_start3A_5 = arith.constant 0 : i32
    %dma_start3A_6 = arith.constant 0 : i32
    %dma_start3A_7 = tpu.memref_slice %arg1[%dma_start3A_5, %dma_start3A_6] : memref<200x768xf32, #tpu.memory_space<any>> -> memref<104x768xf32, #tpu.memory_space<any>>
    tpu.enqueue_dma source(%dma_start3A_7 : memref<104x768xf32, #tpu.memory_space<any>>) target(%dma_start3A_4 : memref<104x768xf32, #tpu.memory_space<vmem>>) target_semaphore(%dma_start3A_1 : memref<!tpu.dma_semaphore, #tpu.memory_space<semaphore_mem>>)
    %dma_start3A_8 = arith.constant 1 : i32
    %dma_start3A_9 = tpu.memref_slice %arg10[%dma_start3A_8] : memref<10x!tpu.dma_semaphore, #tpu.memory_space<semaphore_mem>> -> memref<1x!tpu.dma_semaphore, #tpu.memory_space<semaphore_mem>>
    %dma_start3A_10 = tpu.memref_squeeze %dma_start3A_9 : memref<1x!tpu.dma_semaphore, #tpu.memory_space<semaphore_mem>> -> memref<!tpu.dma_semaphore, #tpu.memory_space<semaphore_mem>>
    %dma_start3A_11 = arith.constant 104 : i32
    %dma_start3A_12 = arith.constant 0 : i32
    %dma_start3A_13 = tpu.memref_slice %arg7[%dma_start3A_11, %dma_start3A_12] : memref<200x768xf32, #tpu.memory_space<vmem>> -> memref<96x768xf32, #tpu.memory_space<vmem>>
    %dma_start3A_14 = arith.constant 104 : i32
    %dma_start3A_15 = arith.constant 0 : i32
    %dma_start3A_16 = tpu.memref_slice %arg1[%dma_start3A_14, %dma_start3A_15] : memref<200x768xf32, #tpu.memory_space<any>> -> memref<96x768xf32, #tpu.memory_space<any>>
    tpu.enqueue_dma source(%dma_start3A_16 : memref<96x768xf32, #tpu.memory_space<any>>) target(%dma_start3A_13 : memref<96x768xf32, #tpu.memory_space<vmem>>) target_semaphore(%dma_start3A_10 : memref<!tpu.dma_semaphore, #tpu.memory_space<semaphore_mem>>)
    %dma_start3A_17 = arith.constant 2 : i32
    %dma_start3A_18 = tpu.memref_slice %arg10[%dma_start3A_17] : memref<10x!tpu.dma_semaphore, #tpu.memory_space<semaphore_mem>> -> memref<1x!tpu.dma_semaphore, #tpu.memory_space<semaphore_mem>>
    %dma_start3A_19 = tpu.memref_squeeze %dma_start3A_18 : memref<1x!tpu.dma_semaphore, #tpu.memory_space<semaphore_mem>> -> memref<!tpu.dma_semaphore, #tpu.memory_space<semaphore_mem>>
    %dma_start3A_20 = arith.constant 0 : i32
    %dma_start3A_21 = arith.constant 0 : i32
    %dma_start3A_22 = tpu.memref_slice %arg8[%dma_start3A_20, %dma_start3A_21] : memref<768x768xf32, #tpu.memory_space<vmem>> -> memref<192x768xf32, #tpu.memory_space<vmem>>
    %dma_start3A_23 = arith.constant 0 : i32
    %dma_start3A_24 = arith.constant 0 : i32
    %dma_start3A_25 = tpu.memref_slice %arg2[%dma_start3A_23, %dma_start3A_24] : memref<768x768xf32, #tpu.memory_space<any>> -> memref<192x768xf32, #tpu.memory_space<any>>
    tpu.enqueue_dma source(%dma_start3A_25 : memref<192x768xf32, #tpu.memory_space<any>>) target(%dma_start3A_22 : memref<192x768xf32, #tpu.memory_space<vmem>>) target_semaphore(%dma_start3A_19 : memref<!tpu.dma_semaphore, #tpu.memory_space<semaphore_mem>>)
    %dma_start3A_26 = arith.constant 3 : i32
    %dma_start3A_27 = tpu.memref_slice %arg10[%dma_start3A_26] : memref<10x!tpu.dma_semaphore, #tpu.memory_space<semaphore_mem>> -> memref<1x!tpu.dma_semaphore, #tpu.memory_space<semaphore_mem>>
    %dma_start3A_28 = tpu.memref_squeeze %dma_start3A_27 : memref<1x!tpu.dma_semaphore, #tpu.memory_space<semaphore_mem>> -> memref<!tpu.dma_semaphore, #tpu.memory_space<semaphore_mem>>
    %dma_start3A_29 = arith.constant 192 : i32
    %dma_start3A_30 = arith.constant 0 : i32
    %dma_start3A_31 = tpu.memref_slice %arg8[%dma_start3A_29, %dma_start3A_30] : memref<768x768xf32, #tpu.memory_space<vmem>> -> memref<192x768xf32, #tpu.memory_space<vmem>>
    %dma_start3A_32 = arith.constant 192 : i32
    %dma_start3A_33 = arith.constant 0 : i32
    %dma_start3A_34 = tpu.memref_slice %arg2[%dma_start3A_32, %dma_start3A_33] : memref<768x768xf32, #tpu.memory_space<any>> -> memref<192x768xf32, #tpu.memory_space<any>>
    tpu.enqueue_dma source(%dma_start3A_34 : memref<192x768xf32, #tpu.memory_space<any>>) target(%dma_start3A_31 : memref<192x768xf32, #tpu.memory_space<vmem>>) target_semaphore(%dma_start3A_28 : memref<!tpu.dma_semaphore, #tpu.memory_space<semaphore_mem>>)
    %dma_start3A_35 = arith.constant 4 : i32
    %dma_start3A_36 = tpu.memref_slice %arg10[%dma_start3A_35] : memref<10x!tpu.dma_semaphore, #tpu.memory_space<semaphore_mem>> -> memref<1x!tpu.dma_semaphore, #tpu.memory_space<semaphore_mem>>
    %dma_start3A_37 = tpu.memref_squeeze %dma_start3A_36 : memref<1x!tpu.dma_semaphore, #tpu.memory_space<semaphore_mem>> -> memref<!tpu.dma_semaphore, #tpu.memory_space<semaphore_mem>>
    %dma_start3A_38 = arith.constant 384 : i32
    %dma_start3A_39 = arith.constant 0 : i32
    %dma_start3A_40 = tpu.memref_slice %arg8[%dma_start3A_38, %dma_start3A_39] : memref<768x768xf32, #tpu.memory_space<vmem>> -> memref<192x768xf32, #tpu.memory_space<vmem>>
    %dma_start3A_41 = arith.constant 384 : i32
    %dma_start3A_42 = arith.constant 0 : i32
    %dma_start3A_43 = tpu.memref_slice %arg2[%dma_start3A_41, %dma_start3A_42] : memref<768x768xf32, #tpu.memory_space<any>> -> memref<192x768xf32, #tpu.memory_space<any>>
    tpu.enqueue_dma source(%dma_start3A_43 : memref<192x768xf32, #tpu.memory_space<any>>) target(%dma_start3A_40 : memref<192x768xf32, #tpu.memory_space<vmem>>) target_semaphore(%dma_start3A_37 : memref<!tpu.dma_semaphore, #tpu.memory_space<semaphore_mem>>)
    %dma_start3A_44 = arith.constant 5 : i32
    %dma_start3A_45 = tpu.memref_slice %arg10[%dma_start3A_44] : memref<10x!tpu.dma_semaphore, #tpu.memory_space<semaphore_mem>> -> memref<1x!tpu.dma_semaphore, #tpu.memory_space<semaphore_mem>>
    %dma_start3A_46 = tpu.memref_squeeze %dma_start3A_45 : memref<1x!tpu.dma_semaphore, #tpu.memory_space<semaphore_mem>> -> memref<!tpu.dma_semaphore, #tpu.memory_space<semaphore_mem>>
    %dma_start3A_47 = arith.constant 576 : i32
    %dma_start3A_48 = arith.constant 0 : i32
    %dma_start3A_49 = tpu.memref_slice %arg8[%dma_start3A_47, %dma_start3A_48] : memref<768x768xf32, #tpu.memory_space<vmem>> -> memref<192x768xf32, #tpu.memory_space<vmem>>
    %dma_start3A_50 = arith.constant 576 : i32
    %dma_start3A_51 = arith.constant 0 : i32
    %dma_start3A_52 = tpu.memref_slice %arg2[%dma_start3A_50, %dma_start3A_51] : memref<768x768xf32, #tpu.memory_space<any>> -> memref<192x768xf32, #tpu.memory_space<any>>
    tpu.enqueue_dma source(%dma_start3A_52 : memref<192x768xf32, #tpu.memory_space<any>>) target(%dma_start3A_49 : memref<192x768xf32, #tpu.memory_space<vmem>>) target_semaphore(%dma_start3A_46 : memref<!tpu.dma_semaphore, #tpu.memory_space<semaphore_mem>>)
    %dma_start3A_53 = arith.constant 6 : i32
    %dma_start3A_54 = tpu.memref_slice %arg10[%dma_start3A_53] : memref<10x!tpu.dma_semaphore, #tpu.memory_space<semaphore_mem>> -> memref<1x!tpu.dma_semaphore, #tpu.memory_space<semaphore_mem>>
    %dma_start3A_55 = tpu.memref_squeeze %dma_start3A_54 : memref<1x!tpu.dma_semaphore, #tpu.memory_space<semaphore_mem>> -> memref<!tpu.dma_semaphore, #tpu.memory_space<semaphore_mem>>
    %dma_start3A_56 = arith.constant 0 : i32
    %dma_start3A_57 = arith.constant 0 : i32
    %dma_start3A_58 = tpu.memref_slice %arg9[%dma_start3A_56, %dma_start3A_57] : memref<768x768xf32, #tpu.memory_space<vmem>> -> memref<192x768xf32, #tpu.memory_space<vmem>>
    %dma_start3A_59 = arith.constant 0 : i32
    %dma_start3A_60 = arith.constant 0 : i32
    %dma_start3A_61 = tpu.memref_slice %arg3[%dma_start3A_59, %dma_start3A_60] : memref<768x768xf32, #tpu.memory_space<any>> -> memref<192x768xf32, #tpu.memory_space<any>>
    tpu.enqueue_dma source(%dma_start3A_61 : memref<192x768xf32, #tpu.memory_space<any>>) target(%dma_start3A_58 : memref<192x768xf32, #tpu.memory_space<vmem>>) target_semaphore(%dma_start3A_55 : memref<!tpu.dma_semaphore, #tpu.memory_space<semaphore_mem>>)
    %dma_start3A_62 = arith.constant 7 : i32
    %dma_start3A_63 = tpu.memref_slice %arg10[%dma_start3A_62] : memref<10x!tpu.dma_semaphore, #tpu.memory_space<semaphore_mem>> -> memref<1x!tpu.dma_semaphore, #tpu.memory_space<semaphore_mem>>
    %dma_start3A_64 = tpu.memref_squeeze %dma_start3A_63 : memref<1x!tpu.dma_semaphore, #tpu.memory_space<semaphore_mem>> -> memref<!tpu.dma_semaphore, #tpu.memory_space<semaphore_mem>>
    %dma_start3A_65 = arith.constant 192 : i32
    %dma_start3A_66 = arith.constant 0 : i32
    %dma_start3A_67 = tpu.memref_slice %arg9[%dma_start3A_65, %dma_start3A_66] : memref<768x768xf32, #tpu.memory_space<vmem>> -> memref<192x768xf32, #tpu.memory_space<vmem>>
    %dma_start3A_68 = arith.constant 192 : i32
    %dma_start3A_69 = arith.constant 0 : i32
    %dma_start3A_70 = tpu.memref_slice %arg3[%dma_start3A_68, %dma_start3A_69] : memref<768x768xf32, #tpu.memory_space<any>> -> memref<192x768xf32, #tpu.memory_space<any>>
    tpu.enqueue_dma source(%dma_start3A_70 : memref<192x768xf32, #tpu.memory_space<any>>) target(%dma_start3A_67 : memref<192x768xf32, #tpu.memory_space<vmem>>) target_semaphore(%dma_start3A_64 : memref<!tpu.dma_semaphore, #tpu.memory_space<semaphore_mem>>)
    %dma_start3A_71 = arith.constant 8 : i32
    %dma_start3A_72 = tpu.memref_slice %arg10[%dma_start3A_71] : memref<10x!tpu.dma_semaphore, #tpu.memory_space<semaphore_mem>> -> memref<1x!tpu.dma_semaphore, #tpu.memory_space<semaphore_mem>>
    %dma_start3A_73 = tpu.memref_squeeze %dma_start3A_72 : memref<1x!tpu.dma_semaphore, #tpu.memory_space<semaphore_mem>> -> memref<!tpu.dma_semaphore, #tpu.memory_space<semaphore_mem>>
    %dma_start3A_74 = arith.constant 384 : i32
    %dma_start3A_75 = arith.constant 0 : i32
    %dma_start3A_76 = tpu.memref_slice %arg9[%dma_start3A_74, %dma_start3A_75] : memref<768x768xf32, #tpu.memory_space<vmem>> -> memref<192x768xf32, #tpu.memory_space<vmem>>
    %dma_start3A_77 = arith.constant 384 : i32
    %dma_start3A_78 = arith.constant 0 : i32
    %dma_start3A_79 = tpu.memref_slice %arg3[%dma_start3A_77, %dma_start3A_78] : memref<768x768xf32, #tpu.memory_space<any>> -> memref<192x768xf32, #tpu.memory_space<any>>
    tpu.enqueue_dma source(%dma_start3A_79 : memref<192x768xf32, #tpu.memory_space<any>>) target(%dma_start3A_76 : memref<192x768xf32, #tpu.memory_space<vmem>>) target_semaphore(%dma_start3A_73 : memref<!tpu.dma_semaphore, #tpu.memory_space<semaphore_mem>>)
    %dma_start3A_80 = arith.constant 9 : i32
    %dma_start3A_81 = tpu.memref_slice %arg10[%dma_start3A_80] : memref<10x!tpu.dma_semaphore, #tpu.memory_space<semaphore_mem>> -> memref<1x!tpu.dma_semaphore, #tpu.memory_space<semaphore_mem>>
    %dma_start3A_82 = tpu.memref_squeeze %dma_start3A_81 : memref<1x!tpu.dma_semaphore, #tpu.memory_space<semaphore_mem>> -> memref<!tpu.dma_semaphore, #tpu.memory_space<semaphore_mem>>
    %dma_start3A_83 = arith.constant 576 : i32
    %dma_start3A_84 = arith.constant 0 : i32
    %dma_start3A_85 = tpu.memref_slice %arg9[%dma_start3A_83, %dma_start3A_84] : memref<768x768xf32, #tpu.memory_space<vmem>> -> memref<192x768xf32, #tpu.memory_space<vmem>>
    %dma_start3A_86 = arith.constant 576 : i32
    %dma_start3A_87 = arith.constant 0 : i32
    %dma_start3A_88 = tpu.memref_slice %arg3[%dma_start3A_86, %dma_start3A_87] : memref<768x768xf32, #tpu.memory_space<any>> -> memref<192x768xf32, #tpu.memory_space<any>>
    tpu.enqueue_dma source(%dma_start3A_88 : memref<192x768xf32, #tpu.memory_space<any>>) target(%dma_start3A_85 : memref<192x768xf32, #tpu.memory_space<vmem>>) target_semaphore(%dma_start3A_82 : memref<!tpu.dma_semaphore, #tpu.memory_space<semaphore_mem>>)
    %get3A = arith.constant 18 : index
    %get3A_89 = arith.constant 0 : index
    %get3A_90 = vector.load %arg0[%get3A, %get3A_89] : memref<23x768xf32, #tpu.memory_space<vmem>>, vector<1x768xf32>
    %get3A_91 = arith.constant 19 : index
    %get3A_92 = arith.constant 0 : index
    %get3A_93 = vector.load %arg0[%get3A_91, %get3A_92] : memref<23x768xf32, #tpu.memory_space<vmem>>, vector<1x768xf32>
    %get3A_94 = arith.constant 20 : index
    %get3A_95 = arith.constant 0 : index
    %get3A_96 = vector.load %arg0[%get3A_94, %get3A_95] : memref<23x768xf32, #tpu.memory_space<vmem>>, vector<1x768xf32>
    %get3A_97 = arith.constant 21 : index
    %get3A_98 = arith.constant 0 : index
    %get3A_99 = vector.load %arg0[%get3A_97, %get3A_98] : memref<23x768xf32, #tpu.memory_space<vmem>>, vector<1x768xf32>
    %get3A_100 = arith.constant 0 : index
    %get3A_101 = arith.constant 4 : index
    %get3A_102 = vector.load %arg4[%get3A_100, %get3A_101] : memref<16x16xi32, #tpu.memory_space<vmem>>, vector<16x1xi32>
    %convert_element_type3A = arith.sitofp %get3A_102 : vector<16x1xi32> to vector<16x1xf32>
    %iota3A = tpu.iota {dimensions = array<i32: 1>} : vector<16x200xi32>
    %broadcast_in_dim3A = arith.constant 0.000000e+00 : f32
    %broadcast_in_dim3A_103 = vector.broadcast %broadcast_in_dim3A : f32 to vector<16x200xf32>
    %get3A_104 = arith.constant 0 : index
    %get3A_105 = arith.constant 0 : index
    %get3A_106 = vector.load %arg4[%get3A_104, %get3A_105] : memref<16x16xi32, #tpu.memory_space<vmem>>, vector<16x1xi32>
    %eq3A = vector.broadcast %get3A_106 : vector<16x1xi32> to vector<16x200xi32>
    %eq3A_107 = arith.cmpi eq, %iota3A, %eq3A : vector<16x200xi32>
    %gt3A = arith.constant 0 : i32
    %gt3A_108 = vector.broadcast %gt3A : i32 to vector<16x1xi32>
    %gt3A_109 = arith.cmpi sgt, %get3A_102, %gt3A_108 : vector<16x1xi32>
    %and3A = vector.broadcast %gt3A_109 : vector<16x1xi1> to vector<16x200xi1>
    %and3A_110 = arith.andi %eq3A_107, %and3A : vector<16x200xi1>
    %convert_element_type3A_111 = arith.extui %and3A_110 : vector<16x200xi1> to vector<16x200xi32>
    %convert_element_type3A_112 = arith.sitofp %convert_element_type3A_111 : vector<16x200xi32> to vector<16x200xf32>
    %add3A = arith.addf %broadcast_in_dim3A_103, %convert_element_type3A_112 : vector<16x200xf32>
    %get3A_113 = arith.constant 0 : index
    %get3A_114 = arith.constant 1 : index
    %get3A_115 = vector.load %arg4[%get3A_113, %get3A_114] : memref<16x16xi32, #tpu.memory_space<vmem>>, vector<16x1xi32>
    %eq3A_116 = vector.broadcast %get3A_115 : vector<16x1xi32> to vector<16x200xi32>
    %eq3A_117 = arith.cmpi eq, %iota3A, %eq3A_116 : vector<16x200xi32>
    %gt3A_118 = arith.constant 1 : i32
    %gt3A_119 = vector.broadcast %gt3A_118 : i32 to vector<16x1xi32>
    %gt3A_120 = arith.cmpi sgt, %get3A_102, %gt3A_119 : vector<16x1xi32>
    %and3A_121 = vector.broadcast %gt3A_120 : vector<16x1xi1> to vector<16x200xi1>
    %and3A_122 = arith.andi %eq3A_117, %and3A_121 : vector<16x200xi1>
    %convert_element_type3A_123 = arith.extui %and3A_122 : vector<16x200xi1> to vector<16x200xi32>
    %convert_element_type3A_124 = arith.sitofp %convert_element_type3A_123 : vector<16x200xi32> to vector<16x200xf32>
    %add3A_125 = arith.addf %add3A, %convert_element_type3A_124 : vector<16x200xf32>
    %get3A_126 = arith.constant 0 : index
    %get3A_127 = arith.constant 2 : index
    %get3A_128 = vector.load %arg4[%get3A_126, %get3A_127] : memref<16x16xi32, #tpu.memory_space<vmem>>, vector<16x1xi32>
    %eq3A_129 = vector.broadcast %get3A_128 : vector<16x1xi32> to vector<16x200xi32>
    %eq3A_130 = arith.cmpi eq, %iota3A, %eq3A_129 : vector<16x200xi32>
    %gt3A_131 = arith.constant 2 : i32
    %gt3A_132 = vector.broadcast %gt3A_131 : i32 to vector<16x1xi32>
    %gt3A_133 = arith.cmpi sgt, %get3A_102, %gt3A_132 : vector<16x1xi32>
    %and3A_134 = vector.broadcast %gt3A_133 : vector<16x1xi1> to vector<16x200xi1>
    %and3A_135 = arith.andi %eq3A_130, %and3A_134 : vector<16x200xi1>
    %convert_element_type3A_136 = arith.extui %and3A_135 : vector<16x200xi1> to vector<16x200xi32>
    %convert_element_type3A_137 = arith.sitofp %convert_element_type3A_136 : vector<16x200xi32> to vector<16x200xf32>
    %add3A_138 = arith.addf %add3A_125, %convert_element_type3A_137 : vector<16x200xf32>
    %get3A_139 = arith.constant 0 : index
    %get3A_140 = arith.constant 3 : index
    %get3A_141 = vector.load %arg4[%get3A_139, %get3A_140] : memref<16x16xi32, #tpu.memory_space<vmem>>, vector<16x1xi32>
    %eq3A_142 = vector.broadcast %get3A_141 : vector<16x1xi32> to vector<16x200xi32>
    %eq3A_143 = arith.cmpi eq, %iota3A, %eq3A_142 : vector<16x200xi32>
    %gt3A_144 = arith.constant 3 : i32
    %gt3A_145 = vector.broadcast %gt3A_144 : i32 to vector<16x1xi32>
    %gt3A_146 = arith.cmpi sgt, %get3A_102, %gt3A_145 : vector<16x1xi32>
    %and3A_147 = vector.broadcast %gt3A_146 : vector<16x1xi1> to vector<16x200xi1>
    %and3A_148 = arith.andi %eq3A_143, %and3A_147 : vector<16x200xi1>
    %convert_element_type3A_149 = arith.extui %and3A_148 : vector<16x200xi1> to vector<16x200xi32>
    %convert_element_type3A_150 = arith.sitofp %convert_element_type3A_149 : vector<16x200xi32> to vector<16x200xf32>
    %add3A_151 = arith.addf %add3A_138, %convert_element_type3A_150 : vector<16x200xf32>
    %get3A_152 = arith.constant 0 : index
    %get3A_153 = arith.constant 5 : index
    %get3A_154 = vector.load %arg4[%get3A_152, %get3A_153] : memref<16x16xi32, #tpu.memory_space<vmem>>, vector<16x1xi32>
    %convert_element_type3A_155 = arith.sitofp %get3A_154 : vector<16x1xi32> to vector<16x1xf32>
    %get3A_156 = arith.constant 0 : index
    %get3A_157 = arith.constant 8 : index
    %get3A_158 = vector.load %arg4[%get3A_156, %get3A_157] : memref<16x16xi32, #tpu.memory_space<vmem>>, vector<16x1xi32>
    %eq3A_159 = vector.broadcast %get3A_158 : vector<16x1xi32> to vector<16x200xi32>
    %eq3A_160 = arith.cmpi eq, %iota3A, %eq3A_159 : vector<16x200xi32>
    %convert_element_type3A_161 = arith.extui %eq3A_160 : vector<16x200xi1> to vector<16x200xi32>
    %convert_element_type3A_162 = arith.sitofp %convert_element_type3A_161 : vector<16x200xi32> to vector<16x200xf32>
    %mul3A = vector.broadcast %convert_element_type3A_155 : vector<16x1xf32> to vector<16x200xf32>
    %mul3A_163 = arith.mulf %mul3A, %convert_element_type3A_162 : vector<16x200xf32>
    %add3A_164 = arith.addf %add3A_151, %mul3A_163 : vector<16x200xf32>
    %get3A_165 = arith.constant 0 : index
    %get3A_166 = arith.constant 6 : index
    %get3A_167 = vector.load %arg4[%get3A_165, %get3A_166] : memref<16x16xi32, #tpu.memory_space<vmem>>, vector<16x1xi32>
    %convert_element_type3A_168 = arith.sitofp %get3A_167 : vector<16x1xi32> to vector<16x1xf32>
    %get3A_169 = arith.constant 0 : index
    %get3A_170 = arith.constant 9 : index
    %get3A_171 = vector.load %arg4[%get3A_169, %get3A_170] : memref<16x16xi32, #tpu.memory_space<vmem>>, vector<16x1xi32>
    %eq3A_172 = vector.broadcast %get3A_171 : vector<16x1xi32> to vector<16x200xi32>
    %eq3A_173 = arith.cmpi eq, %iota3A, %eq3A_172 : vector<16x200xi32>
    %convert_element_type3A_174 = arith.extui %eq3A_173 : vector<16x200xi1> to vector<16x200xi32>
    %convert_element_type3A_175 = arith.sitofp %convert_element_type3A_174 : vector<16x200xi32> to vector<16x200xf32>
    %mul3A_176 = vector.broadcast %convert_element_type3A_168 : vector<16x1xf32> to vector<16x200xf32>
    %mul3A_177 = arith.mulf %mul3A_176, %convert_element_type3A_175 : vector<16x200xf32>
    %add3A_178 = arith.addf %add3A_164, %mul3A_177 : vector<16x200xf32>
    %get3A_179 = arith.constant 0 : index
    %get3A_180 = arith.constant 7 : index
    %get3A_181 = vector.load %arg4[%get3A_179, %get3A_180] : memref<16x16xi32, #tpu.memory_space<vmem>>, vector<16x1xi32>
    %convert_element_type3A_182 = arith.sitofp %get3A_181 : vector<16x1xi32> to vector<16x1xf32>
    %get3A_183 = arith.constant 0 : index
    %get3A_184 = arith.constant 10 : index
    %get3A_185 = vector.load %arg4[%get3A_183, %get3A_184] : memref<16x16xi32, #tpu.memory_space<vmem>>, vector<16x1xi32>
    %eq3A_186 = vector.broadcast %get3A_185 : vector<16x1xi32> to vector<16x200xi32>
    %eq3A_187 = arith.cmpi eq, %iota3A, %eq3A_186 : vector<16x200xi32>
    %convert_element_type3A_188 = arith.extui %eq3A_187 : vector<16x200xi1> to vector<16x200xi32>
    %convert_element_type3A_189 = arith.sitofp %convert_element_type3A_188 : vector<16x200xi32> to vector<16x200xf32>
    %mul3A_190 = vector.broadcast %convert_element_type3A_182 : vector<16x1xf32> to vector<16x200xf32>
    %mul3A_191 = arith.mulf %mul3A_190, %convert_element_type3A_189 : vector<16x200xf32>
    %add3A_192 = arith.addf %add3A_178, %mul3A_191 : vector<16x200xf32>
    %dma_wait3A = arith.constant 0 : i32
    %dma_wait3A_193 = tpu.memref_slice %arg10[%dma_wait3A] : memref<10x!tpu.dma_semaphore, #tpu.memory_space<semaphore_mem>> -> memref<1x!tpu.dma_semaphore, #tpu.memory_space<semaphore_mem>>
    %dma_wait3A_194 = tpu.memref_squeeze %dma_wait3A_193 : memref<1x!tpu.dma_semaphore, #tpu.memory_space<semaphore_mem>> -> memref<!tpu.dma_semaphore, #tpu.memory_space<semaphore_mem>>
    %dma_wait3A_195 = arith.constant 0 : i32
    %dma_wait3A_196 = arith.constant 0 : i32
    %dma_wait3A_197 = tpu.memref_slice %arg7[%dma_wait3A_195, %dma_wait3A_196] : memref<200x768xf32, #tpu.memory_space<vmem>> -> memref<104x768xf32, #tpu.memory_space<vmem>>
    %dma_wait3A_198 = arith.constant 0 : i32
    %dma_wait3A_199 = arith.constant 0 : i32
    %dma_wait3A_200 = tpu.memref_slice %arg1[%dma_wait3A_198, %dma_wait3A_199] : memref<200x768xf32, #tpu.memory_space<any>> -> memref<104x768xf32, #tpu.memory_space<any>>
    tpu.wait_dma2 semaphore(%dma_wait3A_194 : memref<!tpu.dma_semaphore, #tpu.memory_space<semaphore_mem>>) src(%dma_wait3A_200 : memref<104x768xf32, #tpu.memory_space<any>>) dst(%dma_wait3A_197 : memref<104x768xf32, #tpu.memory_space<vmem>>)
    %dma_wait3A_201 = arith.constant 1 : i32
    %dma_wait3A_202 = tpu.memref_slice %arg10[%dma_wait3A_201] : memref<10x!tpu.dma_semaphore, #tpu.memory_space<semaphore_mem>> -> memref<1x!tpu.dma_semaphore, #tpu.memory_space<semaphore_mem>>
    %dma_wait3A_203 = tpu.memref_squeeze %dma_wait3A_202 : memref<1x!tpu.dma_semaphore, #tpu.memory_space<semaphore_mem>> -> memref<!tpu.dma_semaphore, #tpu.memory_space<semaphore_mem>>
    %dma_wait3A_204 = arith.constant 104 : i32
    %dma_wait3A_205 = arith.constant 0 : i32
    %dma_wait3A_206 = tpu.memref_slice %arg7[%dma_wait3A_204, %dma_wait3A_205] : memref<200x768xf32, #tpu.memory_space<vmem>> -> memref<96x768xf32, #tpu.memory_space<vmem>>
    %dma_wait3A_207 = arith.constant 104 : i32
    %dma_wait3A_208 = arith.constant 0 : i32
    %dma_wait3A_209 = tpu.memref_slice %arg1[%dma_wait3A_207, %dma_wait3A_208] : memref<200x768xf32, #tpu.memory_space<any>> -> memref<96x768xf32, #tpu.memory_space<any>>
    tpu.wait_dma2 semaphore(%dma_wait3A_203 : memref<!tpu.dma_semaphore, #tpu.memory_space<semaphore_mem>>) src(%dma_wait3A_209 : memref<96x768xf32, #tpu.memory_space<any>>) dst(%dma_wait3A_206 : memref<96x768xf32, #tpu.memory_space<vmem>>)
    %get3A_210 = arith.constant 0 : index
    %get3A_211 = arith.constant 0 : index
    %get3A_212 = vector.load %arg7[%get3A_210, %get3A_211] : memref<200x768xf32, #tpu.memory_space<vmem>>, vector<200x768xf32>
    %dot_general3A = arith.constant dense<0.000000e+00> : vector<16x768xf32>
    %dot_general3A_213 = tpu.matmul %add3A_192, %get3A_212, %dot_general3A {dimension_numbers = #tpu.dot_dimension_numbers<[1], [0], [0], [1], [0, 0, 1, 1], [], []>, transpose_lhs_hint = false} : vector<16x200xf32>, vector<200x768xf32>, vector<16x768xf32> -> vector<16x768xf32>
    %max3A = arith.constant 1.000000e+00 : f32
    %max3A_214 = vector.broadcast %max3A : f32 to vector<16x1xf32>
    %max3A_215 = arith.maximumf %convert_element_type3A, %max3A_214 : vector<16x1xf32>
    %mul3A_216 = arith.constant 2.000000e+00 : f32
    %mul3A_217 = vector.broadcast %mul3A_216 : f32 to vector<16x1xf32>
    %mul3A_218 = arith.mulf %mul3A_217, %max3A_215 : vector<16x1xf32>
    %div3A = vector.broadcast %mul3A_218 : vector<16x1xf32> to vector<16x768xf32>
    %div3A_219 = arith.divf %dot_general3A_213, %div3A : vector<16x768xf32>
    %dma_wait3A_220 = arith.constant 2 : i32
    %dma_wait3A_221 = tpu.memref_slice %arg10[%dma_wait3A_220] : memref<10x!tpu.dma_semaphore, #tpu.memory_space<semaphore_mem>> -> memref<1x!tpu.dma_semaphore, #tpu.memory_space<semaphore_mem>>
    %dma_wait3A_222 = tpu.memref_squeeze %dma_wait3A_221 : memref<1x!tpu.dma_semaphore, #tpu.memory_space<semaphore_mem>> -> memref<!tpu.dma_semaphore, #tpu.memory_space<semaphore_mem>>
    %dma_wait3A_223 = arith.constant 0 : i32
    %dma_wait3A_224 = arith.constant 0 : i32
    %dma_wait3A_225 = tpu.memref_slice %arg8[%dma_wait3A_223, %dma_wait3A_224] : memref<768x768xf32, #tpu.memory_space<vmem>> -> memref<192x768xf32, #tpu.memory_space<vmem>>
    %dma_wait3A_226 = arith.constant 0 : i32
    %dma_wait3A_227 = arith.constant 0 : i32
    %dma_wait3A_228 = tpu.memref_slice %arg2[%dma_wait3A_226, %dma_wait3A_227] : memref<768x768xf32, #tpu.memory_space<any>> -> memref<192x768xf32, #tpu.memory_space<any>>
    tpu.wait_dma2 semaphore(%dma_wait3A_222 : memref<!tpu.dma_semaphore, #tpu.memory_space<semaphore_mem>>) src(%dma_wait3A_228 : memref<192x768xf32, #tpu.memory_space<any>>) dst(%dma_wait3A_225 : memref<192x768xf32, #tpu.memory_space<vmem>>)
    %dma_wait3A_229 = arith.constant 3 : i32
    %dma_wait3A_230 = tpu.memref_slice %arg10[%dma_wait3A_229] : memref<10x!tpu.dma_semaphore, #tpu.memory_space<semaphore_mem>> -> memref<1x!tpu.dma_semaphore, #tpu.memory_space<semaphore_mem>>
    %dma_wait3A_231 = tpu.memref_squeeze %dma_wait3A_230 : memref<1x!tpu.dma_semaphore, #tpu.memory_space<semaphore_mem>> -> memref<!tpu.dma_semaphore, #tpu.memory_space<semaphore_mem>>
    %dma_wait3A_232 = arith.constant 192 : i32
    %dma_wait3A_233 = arith.constant 0 : i32
    %dma_wait3A_234 = tpu.memref_slice %arg8[%dma_wait3A_232, %dma_wait3A_233] : memref<768x768xf32, #tpu.memory_space<vmem>> -> memref<192x768xf32, #tpu.memory_space<vmem>>
    %dma_wait3A_235 = arith.constant 192 : i32
    %dma_wait3A_236 = arith.constant 0 : i32
    %dma_wait3A_237 = tpu.memref_slice %arg2[%dma_wait3A_235, %dma_wait3A_236] : memref<768x768xf32, #tpu.memory_space<any>> -> memref<192x768xf32, #tpu.memory_space<any>>
    tpu.wait_dma2 semaphore(%dma_wait3A_231 : memref<!tpu.dma_semaphore, #tpu.memory_space<semaphore_mem>>) src(%dma_wait3A_237 : memref<192x768xf32, #tpu.memory_space<any>>) dst(%dma_wait3A_234 : memref<192x768xf32, #tpu.memory_space<vmem>>)
    %dma_wait3A_238 = arith.constant 4 : i32
    %dma_wait3A_239 = tpu.memref_slice %arg10[%dma_wait3A_238] : memref<10x!tpu.dma_semaphore, #tpu.memory_space<semaphore_mem>> -> memref<1x!tpu.dma_semaphore, #tpu.memory_space<semaphore_mem>>
    %dma_wait3A_240 = tpu.memref_squeeze %dma_wait3A_239 : memref<1x!tpu.dma_semaphore, #tpu.memory_space<semaphore_mem>> -> memref<!tpu.dma_semaphore, #tpu.memory_space<semaphore_mem>>
    %dma_wait3A_241 = arith.constant 384 : i32
    %dma_wait3A_242 = arith.constant 0 : i32
    %dma_wait3A_243 = tpu.memref_slice %arg8[%dma_wait3A_241, %dma_wait3A_242] : memref<768x768xf32, #tpu.memory_space<vmem>> -> memref<192x768xf32, #tpu.memory_space<vmem>>
    %dma_wait3A_244 = arith.constant 384 : i32
    %dma_wait3A_245 = arith.constant 0 : i32
    %dma_wait3A_246 = tpu.memref_slice %arg2[%dma_wait3A_244, %dma_wait3A_245] : memref<768x768xf32, #tpu.memory_space<any>> -> memref<192x768xf32, #tpu.memory_space<any>>
    tpu.wait_dma2 semaphore(%dma_wait3A_240 : memref<!tpu.dma_semaphore, #tpu.memory_space<semaphore_mem>>) src(%dma_wait3A_246 : memref<192x768xf32, #tpu.memory_space<any>>) dst(%dma_wait3A_243 : memref<192x768xf32, #tpu.memory_space<vmem>>)
    %dma_wait3A_247 = arith.constant 5 : i32
    %dma_wait3A_248 = tpu.memref_slice %arg10[%dma_wait3A_247] : memref<10x!tpu.dma_semaphore, #tpu.memory_space<semaphore_mem>> -> memref<1x!tpu.dma_semaphore, #tpu.memory_space<semaphore_mem>>
    %dma_wait3A_249 = tpu.memref_squeeze %dma_wait3A_248 : memref<1x!tpu.dma_semaphore, #tpu.memory_space<semaphore_mem>> -> memref<!tpu.dma_semaphore, #tpu.memory_space<semaphore_mem>>
    %dma_wait3A_250 = arith.constant 576 : i32
    %dma_wait3A_251 = arith.constant 0 : i32
    %dma_wait3A_252 = tpu.memref_slice %arg8[%dma_wait3A_250, %dma_wait3A_251] : memref<768x768xf32, #tpu.memory_space<vmem>> -> memref<192x768xf32, #tpu.memory_space<vmem>>
    %dma_wait3A_253 = arith.constant 576 : i32
    %dma_wait3A_254 = arith.constant 0 : i32
    %dma_wait3A_255 = tpu.memref_slice %arg2[%dma_wait3A_253, %dma_wait3A_254] : memref<768x768xf32, #tpu.memory_space<any>> -> memref<192x768xf32, #tpu.memory_space<any>>
    tpu.wait_dma2 semaphore(%dma_wait3A_249 : memref<!tpu.dma_semaphore, #tpu.memory_space<semaphore_mem>>) src(%dma_wait3A_255 : memref<192x768xf32, #tpu.memory_space<any>>) dst(%dma_wait3A_252 : memref<192x768xf32, #tpu.memory_space<vmem>>)
    %get3A_256 = arith.constant 0 : index
    %get3A_257 = arith.constant 0 : index
    %get3A_258 = vector.load %arg8[%get3A_256, %get3A_257] : memref<768x768xf32, #tpu.memory_space<vmem>>, vector<768x768xf32>
    %dot_general3A_259 = arith.constant dense<0.000000e+00> : vector<16x768xf32>
    %dot_general3A_260 = tpu.matmul %div3A_219, %get3A_258, %dot_general3A_259 {dimension_numbers = #tpu.dot_dimension_numbers<[1], [1], [0], [0], [0, 0, 1, 0], [], []>, transpose_lhs_hint = false} : vector<16x768xf32>, vector<768x768xf32>, vector<16x768xf32> -> vector<16x768xf32>
    %add3A_261 = vector.broadcast %get3A_90 : vector<1x768xf32> to vector<16x768xf32>
    %add3A_262 = arith.addf %dot_general3A_260, %add3A_261 : vector<16x768xf32>
    %max3A_263 = arith.constant 0.000000e+00 : f32
    %max3A_264 = vector.broadcast %max3A_263 : f32 to vector<16x768xf32>
    %max3A_265 = arith.maximumf %add3A_262, %max3A_264 : vector<16x768xf32>
    %dma_wait3A_266 = arith.constant 6 : i32
    %dma_wait3A_267 = tpu.memref_slice %arg10[%dma_wait3A_266] : memref<10x!tpu.dma_semaphore, #tpu.memory_space<semaphore_mem>> -> memref<1x!tpu.dma_semaphore, #tpu.memory_space<semaphore_mem>>
    %dma_wait3A_268 = tpu.memref_squeeze %dma_wait3A_267 : memref<1x!tpu.dma_semaphore, #tpu.memory_space<semaphore_mem>> -> memref<!tpu.dma_semaphore, #tpu.memory_space<semaphore_mem>>
    %dma_wait3A_269 = arith.constant 0 : i32
    %dma_wait3A_270 = arith.constant 0 : i32
    %dma_wait3A_271 = tpu.memref_slice %arg9[%dma_wait3A_269, %dma_wait3A_270] : memref<768x768xf32, #tpu.memory_space<vmem>> -> memref<192x768xf32, #tpu.memory_space<vmem>>
    %dma_wait3A_272 = arith.constant 0 : i32
    %dma_wait3A_273 = arith.constant 0 : i32
    %dma_wait3A_274 = tpu.memref_slice %arg3[%dma_wait3A_272, %dma_wait3A_273] : memref<768x768xf32, #tpu.memory_space<any>> -> memref<192x768xf32, #tpu.memory_space<any>>
    tpu.wait_dma2 semaphore(%dma_wait3A_268 : memref<!tpu.dma_semaphore, #tpu.memory_space<semaphore_mem>>) src(%dma_wait3A_274 : memref<192x768xf32, #tpu.memory_space<any>>) dst(%dma_wait3A_271 : memref<192x768xf32, #tpu.memory_space<vmem>>)
    %dma_wait3A_275 = arith.constant 7 : i32
    %dma_wait3A_276 = tpu.memref_slice %arg10[%dma_wait3A_275] : memref<10x!tpu.dma_semaphore, #tpu.memory_space<semaphore_mem>> -> memref<1x!tpu.dma_semaphore, #tpu.memory_space<semaphore_mem>>
    %dma_wait3A_277 = tpu.memref_squeeze %dma_wait3A_276 : memref<1x!tpu.dma_semaphore, #tpu.memory_space<semaphore_mem>> -> memref<!tpu.dma_semaphore, #tpu.memory_space<semaphore_mem>>
    %dma_wait3A_278 = arith.constant 192 : i32
    %dma_wait3A_279 = arith.constant 0 : i32
    %dma_wait3A_280 = tpu.memref_slice %arg9[%dma_wait3A_278, %dma_wait3A_279] : memref<768x768xf32, #tpu.memory_space<vmem>> -> memref<192x768xf32, #tpu.memory_space<vmem>>
    %dma_wait3A_281 = arith.constant 192 : i32
    %dma_wait3A_282 = arith.constant 0 : i32
    %dma_wait3A_283 = tpu.memref_slice %arg3[%dma_wait3A_281, %dma_wait3A_282] : memref<768x768xf32, #tpu.memory_space<any>> -> memref<192x768xf32, #tpu.memory_space<any>>
    tpu.wait_dma2 semaphore(%dma_wait3A_277 : memref<!tpu.dma_semaphore, #tpu.memory_space<semaphore_mem>>) src(%dma_wait3A_283 : memref<192x768xf32, #tpu.memory_space<any>>) dst(%dma_wait3A_280 : memref<192x768xf32, #tpu.memory_space<vmem>>)
    %dma_wait3A_284 = arith.constant 8 : i32
    %dma_wait3A_285 = tpu.memref_slice %arg10[%dma_wait3A_284] : memref<10x!tpu.dma_semaphore, #tpu.memory_space<semaphore_mem>> -> memref<1x!tpu.dma_semaphore, #tpu.memory_space<semaphore_mem>>
    %dma_wait3A_286 = tpu.memref_squeeze %dma_wait3A_285 : memref<1x!tpu.dma_semaphore, #tpu.memory_space<semaphore_mem>> -> memref<!tpu.dma_semaphore, #tpu.memory_space<semaphore_mem>>
    %dma_wait3A_287 = arith.constant 384 : i32
    %dma_wait3A_288 = arith.constant 0 : i32
    %dma_wait3A_289 = tpu.memref_slice %arg9[%dma_wait3A_287, %dma_wait3A_288] : memref<768x768xf32, #tpu.memory_space<vmem>> -> memref<192x768xf32, #tpu.memory_space<vmem>>
    %dma_wait3A_290 = arith.constant 384 : i32
    %dma_wait3A_291 = arith.constant 0 : i32
    %dma_wait3A_292 = tpu.memref_slice %arg3[%dma_wait3A_290, %dma_wait3A_291] : memref<768x768xf32, #tpu.memory_space<any>> -> memref<192x768xf32, #tpu.memory_space<any>>
    tpu.wait_dma2 semaphore(%dma_wait3A_286 : memref<!tpu.dma_semaphore, #tpu.memory_space<semaphore_mem>>) src(%dma_wait3A_292 : memref<192x768xf32, #tpu.memory_space<any>>) dst(%dma_wait3A_289 : memref<192x768xf32, #tpu.memory_space<vmem>>)
    %dma_wait3A_293 = arith.constant 9 : i32
    %dma_wait3A_294 = tpu.memref_slice %arg10[%dma_wait3A_293] : memref<10x!tpu.dma_semaphore, #tpu.memory_space<semaphore_mem>> -> memref<1x!tpu.dma_semaphore, #tpu.memory_space<semaphore_mem>>
    %dma_wait3A_295 = tpu.memref_squeeze %dma_wait3A_294 : memref<1x!tpu.dma_semaphore, #tpu.memory_space<semaphore_mem>> -> memref<!tpu.dma_semaphore, #tpu.memory_space<semaphore_mem>>
    %dma_wait3A_296 = arith.constant 576 : i32
    %dma_wait3A_297 = arith.constant 0 : i32
    %dma_wait3A_298 = tpu.memref_slice %arg9[%dma_wait3A_296, %dma_wait3A_297] : memref<768x768xf32, #tpu.memory_space<vmem>> -> memref<192x768xf32, #tpu.memory_space<vmem>>
    %dma_wait3A_299 = arith.constant 576 : i32
    %dma_wait3A_300 = arith.constant 0 : i32
    %dma_wait3A_301 = tpu.memref_slice %arg3[%dma_wait3A_299, %dma_wait3A_300] : memref<768x768xf32, #tpu.memory_space<any>> -> memref<192x768xf32, #tpu.memory_space<any>>
    tpu.wait_dma2 semaphore(%dma_wait3A_295 : memref<!tpu.dma_semaphore, #tpu.memory_space<semaphore_mem>>) src(%dma_wait3A_301 : memref<192x768xf32, #tpu.memory_space<any>>) dst(%dma_wait3A_298 : memref<192x768xf32, #tpu.memory_space<vmem>>)
    %get3A_302 = arith.constant 0 : index
    %get3A_303 = arith.constant 0 : index
    %get3A_304 = vector.load %arg9[%get3A_302, %get3A_303] : memref<768x768xf32, #tpu.memory_space<vmem>>, vector<768x768xf32>
    %dot_general3A_305 = arith.constant dense<0.000000e+00> : vector<16x768xf32>
    %dot_general3A_306 = tpu.matmul %max3A_265, %get3A_304, %dot_general3A_305 {dimension_numbers = #tpu.dot_dimension_numbers<[1], [1], [0], [0], [0, 0, 1, 0], [], []>, transpose_lhs_hint = false} : vector<16x768xf32>, vector<768x768xf32>, vector<16x768xf32> -> vector<16x768xf32>
    %add3A_307 = vector.broadcast %get3A_93 : vector<1x768xf32> to vector<16x768xf32>
    %add3A_308 = arith.addf %dot_general3A_306, %add3A_307 : vector<16x768xf32>
    %gt3A_309 = arith.constant 0.000000e+00 : f32
    %gt3A_310 = vector.broadcast %gt3A_309 : f32 to vector<16x1xf32>
    %gt3A_311 = arith.cmpf ogt, %convert_element_type3A, %gt3A_310 : vector<16x1xf32>
    %get3A_312 = arith.constant 0 : index
    %get3A_313 = arith.constant 0 : index
    %get3A_314 = vector.load %arg5[%get3A_312, %get3A_313] : memref<16x768xf32, #tpu.memory_space<vmem>>, vector<16x768xf32>
    %broadcast_in_dim3A_315 = vector.shape_cast %gt3A_311 : vector<16x1xi1> to vector<16x1xi1>
    %broadcast_in_dim3A_316 = vector.broadcast %broadcast_in_dim3A_315 : vector<16x1xi1> to vector<16x768xi1>
    %select_n3A = arith.select %broadcast_in_dim3A_316, %add3A_308, %get3A_314 : vector<16x768xi1>, vector<16x768xf32>
    %reduce_sum3A = arith.constant dense<0.000000e+00> : vector<16xf32>
    %reduce_sum3A_317 = vector.multi_reduction <add>, %select_n3A, %reduce_sum3A [1] : vector<16x768xf32> to vector<16xf32>
    %broadcast_in_dim3A_318 = vector.shape_cast %reduce_sum3A_317 : vector<16xf32> to vector<16x1xf32>
    %div3A_319 = arith.constant 7.680000e+02 : f32
    %div3A_320 = vector.broadcast %div3A_319 : f32 to vector<16x1xf32>
    %div3A_321 = arith.divf %broadcast_in_dim3A_318, %div3A_320 : vector<16x1xf32>
    %sub3A = vector.broadcast %div3A_321 : vector<16x1xf32> to vector<16x768xf32>
    %sub3A_322 = arith.subf %select_n3A, %sub3A : vector<16x768xf32>
    %mul3A_323 = arith.mulf %sub3A_322, %sub3A_322 : vector<16x768xf32>
    %reduce_sum3A_324 = arith.constant dense<0.000000e+00> : vector<16xf32>
    %reduce_sum3A_325 = vector.multi_reduction <add>, %mul3A_323, %reduce_sum3A_324 [1] : vector<16x768xf32> to vector<16xf32>
    %broadcast_in_dim3A_326 = vector.shape_cast %reduce_sum3A_325 : vector<16xf32> to vector<16x1xf32>
    %div3A_327 = arith.constant 7.680000e+02 : f32
    %div3A_328 = vector.broadcast %div3A_327 : f32 to vector<16x1xf32>
    %div3A_329 = arith.divf %broadcast_in_dim3A_326, %div3A_328 : vector<16x1xf32>
    %add3A_330 = arith.constant 9.99999974E-6 : f32
    %add3A_331 = vector.broadcast %add3A_330 : f32 to vector<16x1xf32>
    %add3A_332 = arith.addf %div3A_329, %add3A_331 : vector<16x1xf32>
    %rsqrt3A = math.rsqrt %add3A_332 : vector<16x1xf32>
    %mul3A_333 = vector.broadcast %rsqrt3A : vector<16x1xf32> to vector<16x768xf32>
    %mul3A_334 = arith.mulf %sub3A_322, %mul3A_333 : vector<16x768xf32>
    %mul3A_335 = vector.broadcast %get3A_96 : vector<1x768xf32> to vector<16x768xf32>
    %mul3A_336 = arith.mulf %mul3A_334, %mul3A_335 : vector<16x768xf32>
    %add3A_337 = vector.broadcast %get3A_99 : vector<1x768xf32> to vector<16x768xf32>
    %add3A_338 = arith.addf %mul3A_336, %add3A_337 : vector<16x768xf32>
    %swap3A = arith.constant 0 : index
    %swap3A_339 = arith.constant 0 : index
    %swap3A_340 = vector.load %arg6[%swap3A, %swap3A_339] : memref<16x768xf32, #tpu.memory_space<vmem>>, vector<16x768xf32>
    tpu.vector_store %arg6[%swap3A, %swap3A_339], %add3A_338 {strides = array<i32>} : memref<16x768xf32, #tpu.memory_space<vmem>>, vector<16x768xf32>,
    return
  }
}

module attributes {stable_mosaic.version = 14 : i64} {
  func.func @_tc1_body(%arg0: memref<23x768xf32, #tpu.memory_space<vmem>>, %arg1: memref<200x768xf32, #tpu.memory_space<any>>, %arg2: memref<768x768xf32, #tpu.memory_space<any>>, %arg3: memref<768x768xf32, #tpu.memory_space<any>>, %arg4: memref<16x16xi32, #tpu.memory_space<vmem>>, %arg5: memref<16x768xf32, #tpu.memory_space<vmem>>, %arg6: memref<200x768xf32, #tpu.memory_space<vmem>>, %arg7: memref<768x768xf32, #tpu.memory_space<vmem>>, %arg8: memref<768x768xf32, #tpu.memory_space<vmem>>, %arg9: memref<10x!tpu.dma_semaphore, #tpu.memory_space<semaphore_mem>>) attributes {dimension_semantics = [], scalar_prefetch = 0 : i64, scratch_operands = 4 : i64, tpu.core_type = #tpu.core_type<tc>} {
    %dma_start3A = arith.constant 0 : i32
    %dma_start3A_0 = tpu.memref_slice %arg9[%dma_start3A] : memref<10x!tpu.dma_semaphore, #tpu.memory_space<semaphore_mem>> -> memref<1x!tpu.dma_semaphore, #tpu.memory_space<semaphore_mem>>
    %dma_start3A_1 = tpu.memref_squeeze %dma_start3A_0 : memref<1x!tpu.dma_semaphore, #tpu.memory_space<semaphore_mem>> -> memref<!tpu.dma_semaphore, #tpu.memory_space<semaphore_mem>>
    %dma_start3A_2 = arith.constant 0 : i32
    %dma_start3A_3 = arith.constant 0 : i32
    %dma_start3A_4 = tpu.memref_slice %arg7[%dma_start3A_2, %dma_start3A_3] : memref<768x768xf32, #tpu.memory_space<vmem>> -> memref<192x768xf32, #tpu.memory_space<vmem>>
    %dma_start3A_5 = arith.constant 0 : i32
    %dma_start3A_6 = arith.constant 0 : i32
    %dma_start3A_7 = tpu.memref_slice %arg2[%dma_start3A_5, %dma_start3A_6] : memref<768x768xf32, #tpu.memory_space<any>> -> memref<192x768xf32, #tpu.memory_space<any>>
    tpu.enqueue_dma source(%dma_start3A_7 : memref<192x768xf32, #tpu.memory_space<any>>) target(%dma_start3A_4 : memref<192x768xf32, #tpu.memory_space<vmem>>) target_semaphore(%dma_start3A_1 : memref<!tpu.dma_semaphore, #tpu.memory_space<semaphore_mem>>)
    %dma_start3A_8 = arith.constant 1 : i32
    %dma_start3A_9 = tpu.memref_slice %arg9[%dma_start3A_8] : memref<10x!tpu.dma_semaphore, #tpu.memory_space<semaphore_mem>> -> memref<1x!tpu.dma_semaphore, #tpu.memory_space<semaphore_mem>>
    %dma_start3A_10 = tpu.memref_squeeze %dma_start3A_9 : memref<1x!tpu.dma_semaphore, #tpu.memory_space<semaphore_mem>> -> memref<!tpu.dma_semaphore, #tpu.memory_space<semaphore_mem>>
    %dma_start3A_11 = arith.constant 192 : i32
    %dma_start3A_12 = arith.constant 0 : i32
    %dma_start3A_13 = tpu.memref_slice %arg7[%dma_start3A_11, %dma_start3A_12] : memref<768x768xf32, #tpu.memory_space<vmem>> -> memref<192x768xf32, #tpu.memory_space<vmem>>
    %dma_start3A_14 = arith.constant 192 : i32
    %dma_start3A_15 = arith.constant 0 : i32
    %dma_start3A_16 = tpu.memref_slice %arg2[%dma_start3A_14, %dma_start3A_15] : memref<768x768xf32, #tpu.memory_space<any>> -> memref<192x768xf32, #tpu.memory_space<any>>
    tpu.enqueue_dma source(%dma_start3A_16 : memref<192x768xf32, #tpu.memory_space<any>>) target(%dma_start3A_13 : memref<192x768xf32, #tpu.memory_space<vmem>>) target_semaphore(%dma_start3A_10 : memref<!tpu.dma_semaphore, #tpu.memory_space<semaphore_mem>>)
    %dma_start3A_17 = arith.constant 2 : i32
    %dma_start3A_18 = tpu.memref_slice %arg9[%dma_start3A_17] : memref<10x!tpu.dma_semaphore, #tpu.memory_space<semaphore_mem>> -> memref<1x!tpu.dma_semaphore, #tpu.memory_space<semaphore_mem>>
    %dma_start3A_19 = tpu.memref_squeeze %dma_start3A_18 : memref<1x!tpu.dma_semaphore, #tpu.memory_space<semaphore_mem>> -> memref<!tpu.dma_semaphore, #tpu.memory_space<semaphore_mem>>
    %dma_start3A_20 = arith.constant 384 : i32
    %dma_start3A_21 = arith.constant 0 : i32
    %dma_start3A_22 = tpu.memref_slice %arg7[%dma_start3A_20, %dma_start3A_21] : memref<768x768xf32, #tpu.memory_space<vmem>> -> memref<192x768xf32, #tpu.memory_space<vmem>>
    %dma_start3A_23 = arith.constant 384 : i32
    %dma_start3A_24 = arith.constant 0 : i32
    %dma_start3A_25 = tpu.memref_slice %arg2[%dma_start3A_23, %dma_start3A_24] : memref<768x768xf32, #tpu.memory_space<any>> -> memref<192x768xf32, #tpu.memory_space<any>>
    tpu.enqueue_dma source(%dma_start3A_25 : memref<192x768xf32, #tpu.memory_space<any>>) target(%dma_start3A_22 : memref<192x768xf32, #tpu.memory_space<vmem>>) target_semaphore(%dma_start3A_19 : memref<!tpu.dma_semaphore, #tpu.memory_space<semaphore_mem>>)
    %dma_start3A_26 = arith.constant 3 : i32
    %dma_start3A_27 = tpu.memref_slice %arg9[%dma_start3A_26] : memref<10x!tpu.dma_semaphore, #tpu.memory_space<semaphore_mem>> -> memref<1x!tpu.dma_semaphore, #tpu.memory_space<semaphore_mem>>
    %dma_start3A_28 = tpu.memref_squeeze %dma_start3A_27 : memref<1x!tpu.dma_semaphore, #tpu.memory_space<semaphore_mem>> -> memref<!tpu.dma_semaphore, #tpu.memory_space<semaphore_mem>>
    %dma_start3A_29 = arith.constant 576 : i32
    %dma_start3A_30 = arith.constant 0 : i32
    %dma_start3A_31 = tpu.memref_slice %arg7[%dma_start3A_29, %dma_start3A_30] : memref<768x768xf32, #tpu.memory_space<vmem>> -> memref<192x768xf32, #tpu.memory_space<vmem>>
    %dma_start3A_32 = arith.constant 576 : i32
    %dma_start3A_33 = arith.constant 0 : i32
    %dma_start3A_34 = tpu.memref_slice %arg2[%dma_start3A_32, %dma_start3A_33] : memref<768x768xf32, #tpu.memory_space<any>> -> memref<192x768xf32, #tpu.memory_space<any>>
    tpu.enqueue_dma source(%dma_start3A_34 : memref<192x768xf32, #tpu.memory_space<any>>) target(%dma_start3A_31 : memref<192x768xf32, #tpu.memory_space<vmem>>) target_semaphore(%dma_start3A_28 : memref<!tpu.dma_semaphore, #tpu.memory_space<semaphore_mem>>)
    %dma_start3A_35 = arith.constant 4 : i32
    %dma_start3A_36 = tpu.memref_slice %arg9[%dma_start3A_35] : memref<10x!tpu.dma_semaphore, #tpu.memory_space<semaphore_mem>> -> memref<1x!tpu.dma_semaphore, #tpu.memory_space<semaphore_mem>>
    %dma_start3A_37 = tpu.memref_squeeze %dma_start3A_36 : memref<1x!tpu.dma_semaphore, #tpu.memory_space<semaphore_mem>> -> memref<!tpu.dma_semaphore, #tpu.memory_space<semaphore_mem>>
    %dma_start3A_38 = arith.constant 0 : i32
    %dma_start3A_39 = arith.constant 0 : i32
    %dma_start3A_40 = tpu.memref_slice %arg6[%dma_start3A_38, %dma_start3A_39] : memref<200x768xf32, #tpu.memory_space<vmem>> -> memref<104x768xf32, #tpu.memory_space<vmem>>
    %dma_start3A_41 = arith.constant 0 : i32
    %dma_start3A_42 = arith.constant 0 : i32
    %dma_start3A_43 = tpu.memref_slice %arg1[%dma_start3A_41, %dma_start3A_42] : memref<200x768xf32, #tpu.memory_space<any>> -> memref<104x768xf32, #tpu.memory_space<any>>
    tpu.enqueue_dma source(%dma_start3A_43 : memref<104x768xf32, #tpu.memory_space<any>>) target(%dma_start3A_40 : memref<104x768xf32, #tpu.memory_space<vmem>>) target_semaphore(%dma_start3A_37 : memref<!tpu.dma_semaphore, #tpu.memory_space<semaphore_mem>>)
    %dma_start3A_44 = arith.constant 5 : i32
    %dma_start3A_45 = tpu.memref_slice %arg9[%dma_start3A_44] : memref<10x!tpu.dma_semaphore, #tpu.memory_space<semaphore_mem>> -> memref<1x!tpu.dma_semaphore, #tpu.memory_space<semaphore_mem>>
    %dma_start3A_46 = tpu.memref_squeeze %dma_start3A_45 : memref<1x!tpu.dma_semaphore, #tpu.memory_space<semaphore_mem>> -> memref<!tpu.dma_semaphore, #tpu.memory_space<semaphore_mem>>
    %dma_start3A_47 = arith.constant 104 : i32
    %dma_start3A_48 = arith.constant 0 : i32
    %dma_start3A_49 = tpu.memref_slice %arg6[%dma_start3A_47, %dma_start3A_48] : memref<200x768xf32, #tpu.memory_space<vmem>> -> memref<96x768xf32, #tpu.memory_space<vmem>>
    %dma_start3A_50 = arith.constant 104 : i32
    %dma_start3A_51 = arith.constant 0 : i32
    %dma_start3A_52 = tpu.memref_slice %arg1[%dma_start3A_50, %dma_start3A_51] : memref<200x768xf32, #tpu.memory_space<any>> -> memref<96x768xf32, #tpu.memory_space<any>>
    tpu.enqueue_dma source(%dma_start3A_52 : memref<96x768xf32, #tpu.memory_space<any>>) target(%dma_start3A_49 : memref<96x768xf32, #tpu.memory_space<vmem>>) target_semaphore(%dma_start3A_46 : memref<!tpu.dma_semaphore, #tpu.memory_space<semaphore_mem>>)
    %dma_start3A_53 = arith.constant 6 : i32
    %dma_start3A_54 = tpu.memref_slice %arg9[%dma_start3A_53] : memref<10x!tpu.dma_semaphore, #tpu.memory_space<semaphore_mem>> -> memref<1x!tpu.dma_semaphore, #tpu.memory_space<semaphore_mem>>
    %dma_start3A_55 = tpu.memref_squeeze %dma_start3A_54 : memref<1x!tpu.dma_semaphore, #tpu.memory_space<semaphore_mem>> -> memref<!tpu.dma_semaphore, #tpu.memory_space<semaphore_mem>>
    %dma_start3A_56 = arith.constant 0 : i32
    %dma_start3A_57 = arith.constant 0 : i32
    %dma_start3A_58 = tpu.memref_slice %arg8[%dma_start3A_56, %dma_start3A_57] : memref<768x768xf32, #tpu.memory_space<vmem>> -> memref<192x768xf32, #tpu.memory_space<vmem>>
    %dma_start3A_59 = arith.constant 0 : i32
    %dma_start3A_60 = arith.constant 0 : i32
    %dma_start3A_61 = tpu.memref_slice %arg3[%dma_start3A_59, %dma_start3A_60] : memref<768x768xf32, #tpu.memory_space<any>> -> memref<192x768xf32, #tpu.memory_space<any>>
    tpu.enqueue_dma source(%dma_start3A_61 : memref<192x768xf32, #tpu.memory_space<any>>) target(%dma_start3A_58 : memref<192x768xf32, #tpu.memory_space<vmem>>) target_semaphore(%dma_start3A_55 : memref<!tpu.dma_semaphore, #tpu.memory_space<semaphore_mem>>)
    %dma_start3A_62 = arith.constant 7 : i32
    %dma_start3A_63 = tpu.memref_slice %arg9[%dma_start3A_62] : memref<10x!tpu.dma_semaphore, #tpu.memory_space<semaphore_mem>> -> memref<1x!tpu.dma_semaphore, #tpu.memory_space<semaphore_mem>>
    %dma_start3A_64 = tpu.memref_squeeze %dma_start3A_63 : memref<1x!tpu.dma_semaphore, #tpu.memory_space<semaphore_mem>> -> memref<!tpu.dma_semaphore, #tpu.memory_space<semaphore_mem>>
    %dma_start3A_65 = arith.constant 192 : i32
    %dma_start3A_66 = arith.constant 0 : i32
    %dma_start3A_67 = tpu.memref_slice %arg8[%dma_start3A_65, %dma_start3A_66] : memref<768x768xf32, #tpu.memory_space<vmem>> -> memref<192x768xf32, #tpu.memory_space<vmem>>
    %dma_start3A_68 = arith.constant 192 : i32
    %dma_start3A_69 = arith.constant 0 : i32
    %dma_start3A_70 = tpu.memref_slice %arg3[%dma_start3A_68, %dma_start3A_69] : memref<768x768xf32, #tpu.memory_space<any>> -> memref<192x768xf32, #tpu.memory_space<any>>
    tpu.enqueue_dma source(%dma_start3A_70 : memref<192x768xf32, #tpu.memory_space<any>>) target(%dma_start3A_67 : memref<192x768xf32, #tpu.memory_space<vmem>>) target_semaphore(%dma_start3A_64 : memref<!tpu.dma_semaphore, #tpu.memory_space<semaphore_mem>>)
    %dma_start3A_71 = arith.constant 8 : i32
    %dma_start3A_72 = tpu.memref_slice %arg9[%dma_start3A_71] : memref<10x!tpu.dma_semaphore, #tpu.memory_space<semaphore_mem>> -> memref<1x!tpu.dma_semaphore, #tpu.memory_space<semaphore_mem>>
    %dma_start3A_73 = tpu.memref_squeeze %dma_start3A_72 : memref<1x!tpu.dma_semaphore, #tpu.memory_space<semaphore_mem>> -> memref<!tpu.dma_semaphore, #tpu.memory_space<semaphore_mem>>
    %dma_start3A_74 = arith.constant 384 : i32
    %dma_start3A_75 = arith.constant 0 : i32
    %dma_start3A_76 = tpu.memref_slice %arg8[%dma_start3A_74, %dma_start3A_75] : memref<768x768xf32, #tpu.memory_space<vmem>> -> memref<192x768xf32, #tpu.memory_space<vmem>>
    %dma_start3A_77 = arith.constant 384 : i32
    %dma_start3A_78 = arith.constant 0 : i32
    %dma_start3A_79 = tpu.memref_slice %arg3[%dma_start3A_77, %dma_start3A_78] : memref<768x768xf32, #tpu.memory_space<any>> -> memref<192x768xf32, #tpu.memory_space<any>>
    tpu.enqueue_dma source(%dma_start3A_79 : memref<192x768xf32, #tpu.memory_space<any>>) target(%dma_start3A_76 : memref<192x768xf32, #tpu.memory_space<vmem>>) target_semaphore(%dma_start3A_73 : memref<!tpu.dma_semaphore, #tpu.memory_space<semaphore_mem>>)
    %dma_start3A_80 = arith.constant 9 : i32
    %dma_start3A_81 = tpu.memref_slice %arg9[%dma_start3A_80] : memref<10x!tpu.dma_semaphore, #tpu.memory_space<semaphore_mem>> -> memref<1x!tpu.dma_semaphore, #tpu.memory_space<semaphore_mem>>
    %dma_start3A_82 = tpu.memref_squeeze %dma_start3A_81 : memref<1x!tpu.dma_semaphore, #tpu.memory_space<semaphore_mem>> -> memref<!tpu.dma_semaphore, #tpu.memory_space<semaphore_mem>>
    %dma_start3A_83 = arith.constant 576 : i32
    %dma_start3A_84 = arith.constant 0 : i32
    %dma_start3A_85 = tpu.memref_slice %arg8[%dma_start3A_83, %dma_start3A_84] : memref<768x768xf32, #tpu.memory_space<vmem>> -> memref<192x768xf32, #tpu.memory_space<vmem>>
    %dma_start3A_86 = arith.constant 576 : i32
    %dma_start3A_87 = arith.constant 0 : i32
    %dma_start3A_88 = tpu.memref_slice %arg3[%dma_start3A_86, %dma_start3A_87] : memref<768x768xf32, #tpu.memory_space<any>> -> memref<192x768xf32, #tpu.memory_space<any>>
    tpu.enqueue_dma source(%dma_start3A_88 : memref<192x768xf32, #tpu.memory_space<any>>) target(%dma_start3A_85 : memref<192x768xf32, #tpu.memory_space<vmem>>) target_semaphore(%dma_start3A_82 : memref<!tpu.dma_semaphore, #tpu.memory_space<semaphore_mem>>)
    %get3A = arith.constant 0 : index
    %get3A_89 = arith.constant 0 : index
    %get3A_90 = vector.load %arg0[%get3A, %get3A_89] : memref<23x768xf32, #tpu.memory_space<vmem>>, vector<16x768xf32>
    %get3A_91 = arith.constant 16 : index
    %get3A_92 = arith.constant 0 : index
    %get3A_93 = vector.load %arg0[%get3A_91, %get3A_92] : memref<23x768xf32, #tpu.memory_space<vmem>>, vector<1x768xf32>
    %get3A_94 = arith.constant 17 : index
    %get3A_95 = arith.constant 0 : index
    %get3A_96 = vector.load %arg0[%get3A_94, %get3A_95] : memref<23x768xf32, #tpu.memory_space<vmem>>, vector<1x768xf32>
    %get3A_97 = arith.constant 22 : index
    %get3A_98 = arith.constant 0 : index
    %get3A_99 = vector.load %arg0[%get3A_97, %get3A_98] : memref<23x768xf32, #tpu.memory_space<vmem>>, vector<1x200xf32>
    %iota3A = tpu.iota {dimensions = array<i32: 0>} : vector<16x200xi32>
    %convert_element_type3A = arith.sitofp %iota3A : vector<16x200xi32> to vector<16x200xf32>
    %eq3A = vector.broadcast %get3A_99 : vector<1x200xf32> to vector<16x200xf32>
    %eq3A_100 = arith.cmpf oeq, %eq3A, %convert_element_type3A : vector<16x200xf32>
    %convert_element_type3A_101 = arith.extui %eq3A_100 : vector<16x200xi1> to vector<16x200xi32>
    %convert_element_type3A_102 = arith.sitofp %convert_element_type3A_101 : vector<16x200xi32> to vector<16x200xf32>
    %reduce_sum3A = arith.constant dense<0.000000e+00> : vector<16xf32>
    %reduce_sum3A_103 = vector.multi_reduction <add>, %convert_element_type3A_102, %reduce_sum3A [1] : vector<16x200xf32> to vector<16xf32>
    %broadcast_in_dim3A = vector.shape_cast %reduce_sum3A_103 : vector<16xf32> to vector<16x1xf32>
    %iota3A_104 = tpu.iota {dimensions = array<i32: 1>} : vector<16x200xi32>
    %min3A = arith.constant 3.000000e+00 : f32
    %min3A_105 = vector.broadcast %min3A : f32 to vector<16x1xf32>
    %min3A_106 = arith.minimumf %broadcast_in_dim3A, %min3A_105 : vector<16x1xf32>
    %max3A = arith.constant 1.000000e+00 : f32
    %max3A_107 = vector.broadcast %max3A : f32 to vector<16x1xf32>
    %max3A_108 = arith.maximumf %min3A_106, %max3A_107 : vector<16x1xf32>
    %div3A = arith.constant 4.000000e+00 : f32
    %div3A_109 = vector.broadcast %div3A : f32 to vector<16x1xf32>
    %div3A_110 = arith.divf %div3A_109, %max3A_108 : vector<16x1xf32>
    %floor3A = math.floor %div3A_110 : vector<16x1xf32>
    %dma_wait3A = arith.constant 0 : i32
    %dma_wait3A_111 = tpu.memref_slice %arg9[%dma_wait3A] : memref<10x!tpu.dma_semaphore, #tpu.memory_space<semaphore_mem>> -> memref<1x!tpu.dma_semaphore, #tpu.memory_space<semaphore_mem>>
    %dma_wait3A_112 = tpu.memref_squeeze %dma_wait3A_111 : memref<1x!tpu.dma_semaphore, #tpu.memory_space<semaphore_mem>> -> memref<!tpu.dma_semaphore, #tpu.memory_space<semaphore_mem>>
    %dma_wait3A_113 = arith.constant 0 : i32
    %dma_wait3A_114 = arith.constant 0 : i32
    %dma_wait3A_115 = tpu.memref_slice %arg7[%dma_wait3A_113, %dma_wait3A_114] : memref<768x768xf32, #tpu.memory_space<vmem>> -> memref<192x768xf32, #tpu.memory_space<vmem>>
    %dma_wait3A_116 = arith.constant 0 : i32
    %dma_wait3A_117 = arith.constant 0 : i32
    %dma_wait3A_118 = tpu.memref_slice %arg2[%dma_wait3A_116, %dma_wait3A_117] : memref<768x768xf32, #tpu.memory_space<any>> -> memref<192x768xf32, #tpu.memory_space<any>>
    tpu.wait_dma2 semaphore(%dma_wait3A_112 : memref<!tpu.dma_semaphore, #tpu.memory_space<semaphore_mem>>) src(%dma_wait3A_118 : memref<192x768xf32, #tpu.memory_space<any>>) dst(%dma_wait3A_115 : memref<192x768xf32, #tpu.memory_space<vmem>>)
    %dma_wait3A_119 = arith.constant 1 : i32
    %dma_wait3A_120 = tpu.memref_slice %arg9[%dma_wait3A_119] : memref<10x!tpu.dma_semaphore, #tpu.memory_space<semaphore_mem>> -> memref<1x!tpu.dma_semaphore, #tpu.memory_space<semaphore_mem>>
    %dma_wait3A_121 = tpu.memref_squeeze %dma_wait3A_120 : memref<1x!tpu.dma_semaphore, #tpu.memory_space<semaphore_mem>> -> memref<!tpu.dma_semaphore, #tpu.memory_space<semaphore_mem>>
    %dma_wait3A_122 = arith.constant 192 : i32
    %dma_wait3A_123 = arith.constant 0 : i32
    %dma_wait3A_124 = tpu.memref_slice %arg7[%dma_wait3A_122, %dma_wait3A_123] : memref<768x768xf32, #tpu.memory_space<vmem>> -> memref<192x768xf32, #tpu.memory_space<vmem>>
    %dma_wait3A_125 = arith.constant 192 : i32
    %dma_wait3A_126 = arith.constant 0 : i32
    %dma_wait3A_127 = tpu.memref_slice %arg2[%dma_wait3A_125, %dma_wait3A_126] : memref<768x768xf32, #tpu.memory_space<any>> -> memref<192x768xf32, #tpu.memory_space<any>>
    tpu.wait_dma2 semaphore(%dma_wait3A_121 : memref<!tpu.dma_semaphore, #tpu.memory_space<semaphore_mem>>) src(%dma_wait3A_127 : memref<192x768xf32, #tpu.memory_space<any>>) dst(%dma_wait3A_124 : memref<192x768xf32, #tpu.memory_space<vmem>>)
    %dma_wait3A_128 = arith.constant 2 : i32
    %dma_wait3A_129 = tpu.memref_slice %arg9[%dma_wait3A_128] : memref<10x!tpu.dma_semaphore, #tpu.memory_space<semaphore_mem>> -> memref<1x!tpu.dma_semaphore, #tpu.memory_space<semaphore_mem>>
    %dma_wait3A_130 = tpu.memref_squeeze %dma_wait3A_129 : memref<1x!tpu.dma_semaphore, #tpu.memory_space<semaphore_mem>> -> memref<!tpu.dma_semaphore, #tpu.memory_space<semaphore_mem>>
    %dma_wait3A_131 = arith.constant 384 : i32
    %dma_wait3A_132 = arith.constant 0 : i32
    %dma_wait3A_133 = tpu.memref_slice %arg7[%dma_wait3A_131, %dma_wait3A_132] : memref<768x768xf32, #tpu.memory_space<vmem>> -> memref<192x768xf32, #tpu.memory_space<vmem>>
    %dma_wait3A_134 = arith.constant 384 : i32
    %dma_wait3A_135 = arith.constant 0 : i32
    %dma_wait3A_136 = tpu.memref_slice %arg2[%dma_wait3A_134, %dma_wait3A_135] : memref<768x768xf32, #tpu.memory_space<any>> -> memref<192x768xf32, #tpu.memory_space<any>>
    tpu.wait_dma2 semaphore(%dma_wait3A_130 : memref<!tpu.dma_semaphore, #tpu.memory_space<semaphore_mem>>) src(%dma_wait3A_136 : memref<192x768xf32, #tpu.memory_space<any>>) dst(%dma_wait3A_133 : memref<192x768xf32, #tpu.memory_space<vmem>>)
    %dma_wait3A_137 = arith.constant 3 : i32
    %dma_wait3A_138 = tpu.memref_slice %arg9[%dma_wait3A_137] : memref<10x!tpu.dma_semaphore, #tpu.memory_space<semaphore_mem>> -> memref<1x!tpu.dma_semaphore, #tpu.memory_space<semaphore_mem>>
    %dma_wait3A_139 = tpu.memref_squeeze %dma_wait3A_138 : memref<1x!tpu.dma_semaphore, #tpu.memory_space<semaphore_mem>> -> memref<!tpu.dma_semaphore, #tpu.memory_space<semaphore_mem>>
    %dma_wait3A_140 = arith.constant 576 : i32
    %dma_wait3A_141 = arith.constant 0 : i32
    %dma_wait3A_142 = tpu.memref_slice %arg7[%dma_wait3A_140, %dma_wait3A_141] : memref<768x768xf32, #tpu.memory_space<vmem>> -> memref<192x768xf32, #tpu.memory_space<vmem>>
    %dma_wait3A_143 = arith.constant 576 : i32
    %dma_wait3A_144 = arith.constant 0 : i32
    %dma_wait3A_145 = tpu.memref_slice %arg2[%dma_wait3A_143, %dma_wait3A_144] : memref<768x768xf32, #tpu.memory_space<any>> -> memref<192x768xf32, #tpu.memory_space<any>>
    tpu.wait_dma2 semaphore(%dma_wait3A_139 : memref<!tpu.dma_semaphore, #tpu.memory_space<semaphore_mem>>) src(%dma_wait3A_145 : memref<192x768xf32, #tpu.memory_space<any>>) dst(%dma_wait3A_142 : memref<192x768xf32, #tpu.memory_space<vmem>>)
    %get3A_146 = arith.constant 0 : index
    %get3A_147 = arith.constant 0 : index
    %get3A_148 = vector.load %arg7[%get3A_146, %get3A_147] : memref<768x768xf32, #tpu.memory_space<vmem>>, vector<768x768xf32>
    %dot_general3A = arith.constant dense<0.000000e+00> : vector<16x768xf32>
    %dot_general3A_149 = tpu.matmul %get3A_90, %get3A_148, %dot_general3A {dimension_numbers = #tpu.dot_dimension_numbers<[1], [1], [0], [0], [0, 0, 1, 0], [], []>, transpose_lhs_hint = false} : vector<16x768xf32>, vector<768x768xf32>, vector<16x768xf32> -> vector<16x768xf32>
    %add3A = vector.broadcast %get3A_93 : vector<1x768xf32> to vector<16x768xf32>
    %add3A_150 = arith.addf %dot_general3A_149, %add3A : vector<16x768xf32>
    %mul3A = arith.mulf %add3A_150, %add3A_150 : vector<16x768xf32>
    %reduce_sum3A_151 = arith.constant dense<0.000000e+00> : vector<16xf32>
    %reduce_sum3A_152 = vector.multi_reduction <add>, %mul3A, %reduce_sum3A_151 [1] : vector<16x768xf32> to vector<16xf32>
    %broadcast_in_dim3A_153 = vector.shape_cast %reduce_sum3A_152 : vector<16xf32> to vector<16x1xf32>
    %sqrt3A = math.sqrt %broadcast_in_dim3A_153 : vector<16x1xf32>
    %max3A_154 = arith.constant 9.99999993E-9 : f32
    %max3A_155 = vector.broadcast %max3A_154 : f32 to vector<16x1xf32>
    %max3A_156 = arith.maximumf %sqrt3A, %max3A_155 : vector<16x1xf32>
    %dma_wait3A_157 = arith.constant 4 : i32
    %dma_wait3A_158 = tpu.memref_slice %arg9[%dma_wait3A_157] : memref<10x!tpu.dma_semaphore, #tpu.memory_space<semaphore_mem>> -> memref<1x!tpu.dma_semaphore, #tpu.memory_space<semaphore_mem>>
    %dma_wait3A_159 = tpu.memref_squeeze %dma_wait3A_158 : memref<1x!tpu.dma_semaphore, #tpu.memory_space<semaphore_mem>> -> memref<!tpu.dma_semaphore, #tpu.memory_space<semaphore_mem>>
    %dma_wait3A_160 = arith.constant 0 : i32
    %dma_wait3A_161 = arith.constant 0 : i32
    %dma_wait3A_162 = tpu.memref_slice %arg6[%dma_wait3A_160, %dma_wait3A_161] : memref<200x768xf32, #tpu.memory_space<vmem>> -> memref<104x768xf32, #tpu.memory_space<vmem>>
    %dma_wait3A_163 = arith.constant 0 : i32
    %dma_wait3A_164 = arith.constant 0 : i32
    %dma_wait3A_165 = tpu.memref_slice %arg1[%dma_wait3A_163, %dma_wait3A_164] : memref<200x768xf32, #tpu.memory_space<any>> -> memref<104x768xf32, #tpu.memory_space<any>>
    tpu.wait_dma2 semaphore(%dma_wait3A_159 : memref<!tpu.dma_semaphore, #tpu.memory_space<semaphore_mem>>) src(%dma_wait3A_165 : memref<104x768xf32, #tpu.memory_space<any>>) dst(%dma_wait3A_162 : memref<104x768xf32, #tpu.memory_space<vmem>>)
    %dma_wait3A_166 = arith.constant 5 : i32
    %dma_wait3A_167 = tpu.memref_slice %arg9[%dma_wait3A_166] : memref<10x!tpu.dma_semaphore, #tpu.memory_space<semaphore_mem>> -> memref<1x!tpu.dma_semaphore, #tpu.memory_space<semaphore_mem>>
    %dma_wait3A_168 = tpu.memref_squeeze %dma_wait3A_167 : memref<1x!tpu.dma_semaphore, #tpu.memory_space<semaphore_mem>> -> memref<!tpu.dma_semaphore, #tpu.memory_space<semaphore_mem>>
    %dma_wait3A_169 = arith.constant 104 : i32
    %dma_wait3A_170 = arith.constant 0 : i32
    %dma_wait3A_171 = tpu.memref_slice %arg6[%dma_wait3A_169, %dma_wait3A_170] : memref<200x768xf32, #tpu.memory_space<vmem>> -> memref<96x768xf32, #tpu.memory_space<vmem>>
    %dma_wait3A_172 = arith.constant 104 : i32
    %dma_wait3A_173 = arith.constant 0 : i32
    %dma_wait3A_174 = tpu.memref_slice %arg1[%dma_wait3A_172, %dma_wait3A_173] : memref<200x768xf32, #tpu.memory_space<any>> -> memref<96x768xf32, #tpu.memory_space<any>>
    tpu.wait_dma2 semaphore(%dma_wait3A_168 : memref<!tpu.dma_semaphore, #tpu.memory_space<semaphore_mem>>) src(%dma_wait3A_174 : memref<96x768xf32, #tpu.memory_space<any>>) dst(%dma_wait3A_171 : memref<96x768xf32, #tpu.memory_space<vmem>>)
    %dma_wait3A_175 = arith.constant 6 : i32
    %dma_wait3A_176 = tpu.memref_slice %arg9[%dma_wait3A_175] : memref<10x!tpu.dma_semaphore, #tpu.memory_space<semaphore_mem>> -> memref<1x!tpu.dma_semaphore, #tpu.memory_space<semaphore_mem>>
    %dma_wait3A_177 = tpu.memref_squeeze %dma_wait3A_176 : memref<1x!tpu.dma_semaphore, #tpu.memory_space<semaphore_mem>> -> memref<!tpu.dma_semaphore, #tpu.memory_space<semaphore_mem>>
    %dma_wait3A_178 = arith.constant 0 : i32
    %dma_wait3A_179 = arith.constant 0 : i32
    %dma_wait3A_180 = tpu.memref_slice %arg8[%dma_wait3A_178, %dma_wait3A_179] : memref<768x768xf32, #tpu.memory_space<vmem>> -> memref<192x768xf32, #tpu.memory_space<vmem>>
    %dma_wait3A_181 = arith.constant 0 : i32
    %dma_wait3A_182 = arith.constant 0 : i32
    %dma_wait3A_183 = tpu.memref_slice %arg3[%dma_wait3A_181, %dma_wait3A_182] : memref<768x768xf32, #tpu.memory_space<any>> -> memref<192x768xf32, #tpu.memory_space<any>>
    tpu.wait_dma2 semaphore(%dma_wait3A_177 : memref<!tpu.dma_semaphore, #tpu.memory_space<semaphore_mem>>) src(%dma_wait3A_183 : memref<192x768xf32, #tpu.memory_space<any>>) dst(%dma_wait3A_180 : memref<192x768xf32, #tpu.memory_space<vmem>>)
    %dma_wait3A_184 = arith.constant 7 : i32
    %dma_wait3A_185 = tpu.memref_slice %arg9[%dma_wait3A_184] : memref<10x!tpu.dma_semaphore, #tpu.memory_space<semaphore_mem>> -> memref<1x!tpu.dma_semaphore, #tpu.memory_space<semaphore_mem>>
    %dma_wait3A_186 = tpu.memref_squeeze %dma_wait3A_185 : memref<1x!tpu.dma_semaphore, #tpu.memory_space<semaphore_mem>> -> memref<!tpu.dma_semaphore, #tpu.memory_space<semaphore_mem>>
    %dma_wait3A_187 = arith.constant 192 : i32
    %dma_wait3A_188 = arith.constant 0 : i32
    %dma_wait3A_189 = tpu.memref_slice %arg8[%dma_wait3A_187, %dma_wait3A_188] : memref<768x768xf32, #tpu.memory_space<vmem>> -> memref<192x768xf32, #tpu.memory_space<vmem>>
    %dma_wait3A_190 = arith.constant 192 : i32
    %dma_wait3A_191 = arith.constant 0 : i32
    %dma_wait3A_192 = tpu.memref_slice %arg3[%dma_wait3A_190, %dma_wait3A_191] : memref<768x768xf32, #tpu.memory_space<any>> -> memref<192x768xf32, #tpu.memory_space<any>>
    tpu.wait_dma2 semaphore(%dma_wait3A_186 : memref<!tpu.dma_semaphore, #tpu.memory_space<semaphore_mem>>) src(%dma_wait3A_192 : memref<192x768xf32, #tpu.memory_space<any>>) dst(%dma_wait3A_189 : memref<192x768xf32, #tpu.memory_space<vmem>>)
    %dma_wait3A_193 = arith.constant 8 : i32
    %dma_wait3A_194 = tpu.memref_slice %arg9[%dma_wait3A_193] : memref<10x!tpu.dma_semaphore, #tpu.memory_space<semaphore_mem>> -> memref<1x!tpu.dma_semaphore, #tpu.memory_space<semaphore_mem>>
    %dma_wait3A_195 = tpu.memref_squeeze %dma_wait3A_194 : memref<1x!tpu.dma_semaphore, #tpu.memory_space<semaphore_mem>> -> memref<!tpu.dma_semaphore, #tpu.memory_space<semaphore_mem>>
    %dma_wait3A_196 = arith.constant 384 : i32
    %dma_wait3A_197 = arith.constant 0 : i32
    %dma_wait3A_198 = tpu.memref_slice %arg8[%dma_wait3A_196, %dma_wait3A_197] : memref<768x768xf32, #tpu.memory_space<vmem>> -> memref<192x768xf32, #tpu.memory_space<vmem>>
    %dma_wait3A_199 = arith.constant 384 : i32
    %dma_wait3A_200 = arith.constant 0 : i32
    %dma_wait3A_201 = tpu.memref_slice %arg3[%dma_wait3A_199, %dma_wait3A_200] : memref<768x768xf32, #tpu.memory_space<any>> -> memref<192x768xf32, #tpu.memory_space<any>>
    tpu.wait_dma2 semaphore(%dma_wait3A_195 : memref<!tpu.dma_semaphore, #tpu.memory_space<semaphore_mem>>) src(%dma_wait3A_201 : memref<192x768xf32, #tpu.memory_space<any>>) dst(%dma_wait3A_198 : memref<192x768xf32, #tpu.memory_space<vmem>>)
    %dma_wait3A_202 = arith.constant 9 : i32
    %dma_wait3A_203 = tpu.memref_slice %arg9[%dma_wait3A_202] : memref<10x!tpu.dma_semaphore, #tpu.memory_space<semaphore_mem>> -> memref<1x!tpu.dma_semaphore, #tpu.memory_space<semaphore_mem>>
    %dma_wait3A_204 = tpu.memref_squeeze %dma_wait3A_203 : memref<1x!tpu.dma_semaphore, #tpu.memory_space<semaphore_mem>> -> memref<!tpu.dma_semaphore, #tpu.memory_space<semaphore_mem>>
    %dma_wait3A_205 = arith.constant 576 : i32
    %dma_wait3A_206 = arith.constant 0 : i32
    %dma_wait3A_207 = tpu.memref_slice %arg8[%dma_wait3A_205, %dma_wait3A_206] : memref<768x768xf32, #tpu.memory_space<vmem>> -> memref<192x768xf32, #tpu.memory_space<vmem>>
    %dma_wait3A_208 = arith.constant 576 : i32
    %dma_wait3A_209 = arith.constant 0 : i32
    %dma_wait3A_210 = tpu.memref_slice %arg3[%dma_wait3A_208, %dma_wait3A_209] : memref<768x768xf32, #tpu.memory_space<any>> -> memref<192x768xf32, #tpu.memory_space<any>>
    tpu.wait_dma2 semaphore(%dma_wait3A_204 : memref<!tpu.dma_semaphore, #tpu.memory_space<semaphore_mem>>) src(%dma_wait3A_210 : memref<192x768xf32, #tpu.memory_space<any>>) dst(%dma_wait3A_207 : memref<192x768xf32, #tpu.memory_space<vmem>>)
    %get3A_211 = arith.constant 0 : index
    %get3A_212 = arith.constant 0 : index
    %get3A_213 = vector.load %arg6[%get3A_211, %get3A_212] : memref<200x768xf32, #tpu.memory_space<vmem>>, vector<200x768xf32>
    %get3A_214 = arith.constant 0 : index
    %get3A_215 = arith.constant 0 : index
    %get3A_216 = vector.load %arg8[%get3A_214, %get3A_215] : memref<768x768xf32, #tpu.memory_space<vmem>>, vector<768x768xf32>
    %dot_general3A_217 = arith.constant dense<0.000000e+00> : vector<200x768xf32>
    %dot_general3A_218 = tpu.matmul %get3A_213, %get3A_216, %dot_general3A_217 {dimension_numbers = #tpu.dot_dimension_numbers<[1], [1], [0], [0], [0, 0, 1, 0], [], []>, transpose_lhs_hint = false} : vector<200x768xf32>, vector<768x768xf32>, vector<200x768xf32> -> vector<200x768xf32>
    %add3A_219 = vector.broadcast %get3A_96 : vector<1x768xf32> to vector<200x768xf32>
    %add3A_220 = arith.addf %dot_general3A_218, %add3A_219 : vector<200x768xf32>
    %mul3A_221 = arith.mulf %add3A_220, %add3A_220 : vector<200x768xf32>
    %reduce_sum3A_222 = arith.constant dense<0.000000e+00> : vector<200xf32>
    %reduce_sum3A_223 = vector.multi_reduction <add>, %mul3A_221, %reduce_sum3A_222 [1] : vector<200x768xf32> to vector<200xf32>
    %broadcast_in_dim3A_224 = vector.shape_cast %reduce_sum3A_223 : vector<200xf32> to vector<200x1xf32>
    %sqrt3A_225 = math.sqrt %broadcast_in_dim3A_224 : vector<200x1xf32>
    %max3A_226 = arith.constant 9.99999993E-9 : f32
    %max3A_227 = vector.broadcast %max3A_226 : f32 to vector<200x1xf32>
    %max3A_228 = arith.maximumf %sqrt3A_225, %max3A_227 : vector<200x1xf32>
    %dot_general3A_229 = arith.constant dense<0.000000e+00> : vector<16x200xf32>
    %dot_general3A_230 = tpu.matmul %add3A_150, %add3A_220, %dot_general3A_229 {dimension_numbers = #tpu.dot_dimension_numbers<[1], [1], [0], [0], [0, 0, 1, 0], [], []>, transpose_lhs_hint = false} : vector<16x768xf32>, vector<200x768xf32>, vector<16x200xf32> -> vector<16x200xf32>
    %reshape3A = vector.shape_cast %max3A_228 : vector<200x1xf32> to vector<1x200xf32>
    %mul3A_231 = vector.broadcast %max3A_156 : vector<16x1xf32> to vector<16x200xf32>
    %mul3A_232 = vector.broadcast %reshape3A : vector<1x200xf32> to vector<16x200xf32>
    %mul3A_233 = arith.mulf %mul3A_231, %mul3A_232 : vector<16x200xf32>
    %div3A_234 = arith.divf %dot_general3A_230, %mul3A_233 : vector<16x200xf32>
    %jit3A = arith.constant -2.000000e+00 : f32
    %broadcast_in_dim3A_235 = vector.broadcast %jit3A : f32 to vector<16x200xf32>
    %select_n3A = arith.select %eq3A_100, %div3A_234, %broadcast_in_dim3A_235 : vector<16x200xi1>, vector<16x200xf32>
    %reduce_max3A = arith.constant dense<0xFF800000> : vector<16xf32>
    %reduce_max3A_236 = vector.multi_reduction <maximumf>, %select_n3A, %reduce_max3A [1] : vector<16x200xf32> to vector<16xf32>
    %broadcast_in_dim3A_237 = vector.shape_cast %reduce_max3A_236 : vector<16xf32> to vector<16x1xf32>
    %eq3A_238 = vector.broadcast %broadcast_in_dim3A_237 : vector<16x1xf32> to vector<16x200xf32>
    %eq3A_239 = arith.cmpf oeq, %select_n3A, %eq3A_238 : vector<16x200xf32>
    %jit3A_240 = arith.constant 200 : i32
    %broadcast_in_dim3A_241 = vector.broadcast %jit3A_240 : i32 to vector<16x200xi32>
    %select_n3A_242 = arith.select %eq3A_239, %iota3A_104, %broadcast_in_dim3A_241 : vector<16x200xi1>, vector<16x200xi32>
    %reduce_min3A = arith.constant dense<2147483647> : vector<16xi32>
    %reduce_min3A_243 = vector.multi_reduction <minsi>, %select_n3A_242, %reduce_min3A [1] : vector<16x200xi32> to vector<16xi32>
    %broadcast_in_dim3A_244 = vector.shape_cast %reduce_min3A_243 : vector<16xi32> to vector<16x1xi32>
    %eq3A_245 = vector.broadcast %broadcast_in_dim3A_244 : vector<16x1xi32> to vector<16x200xi32>
    %eq3A_246 = arith.cmpi eq, %iota3A_104, %eq3A_245 : vector<16x200xi32>
    %jit3A_247 = arith.constant -2.000000e+00 : f32
    %broadcast_in_dim3A_248 = vector.broadcast %jit3A_247 : f32 to vector<16x200xf32>
    %select_n3A_249 = arith.select %eq3A_246, %broadcast_in_dim3A_248, %select_n3A : vector<16x200xi1>, vector<16x200xf32>
    %reduce_max3A_250 = arith.constant dense<0xFF800000> : vector<16xf32>
    %reduce_max3A_251 = vector.multi_reduction <maximumf>, %select_n3A_249, %reduce_max3A_250 [1] : vector<16x200xf32> to vector<16xf32>
    %broadcast_in_dim3A_252 = vector.shape_cast %reduce_max3A_251 : vector<16xf32> to vector<16x1xf32>
    %eq3A_253 = vector.broadcast %broadcast_in_dim3A_252 : vector<16x1xf32> to vector<16x200xf32>
    %eq3A_254 = arith.cmpf oeq, %select_n3A_249, %eq3A_253 : vector<16x200xf32>
    %jit3A_255 = arith.constant 200 : i32
    %broadcast_in_dim3A_256 = vector.broadcast %jit3A_255 : i32 to vector<16x200xi32>
    %select_n3A_257 = arith.select %eq3A_254, %iota3A_104, %broadcast_in_dim3A_256 : vector<16x200xi1>, vector<16x200xi32>
    %reduce_min3A_258 = arith.constant dense<2147483647> : vector<16xi32>
    %reduce_min3A_259 = vector.multi_reduction <minsi>, %select_n3A_257, %reduce_min3A_258 [1] : vector<16x200xi32> to vector<16xi32>
    %broadcast_in_dim3A_260 = vector.shape_cast %reduce_min3A_259 : vector<16xi32> to vector<16x1xi32>
    %eq3A_261 = vector.broadcast %broadcast_in_dim3A_260 : vector<16x1xi32> to vector<16x200xi32>
    %eq3A_262 = arith.cmpi eq, %iota3A_104, %eq3A_261 : vector<16x200xi32>
    %jit3A_263 = arith.constant -2.000000e+00 : f32
    %broadcast_in_dim3A_264 = vector.broadcast %jit3A_263 : f32 to vector<16x200xf32>
    %select_n3A_265 = arith.select %eq3A_262, %broadcast_in_dim3A_264, %select_n3A_249 : vector<16x200xi1>, vector<16x200xf32>
    %reduce_max3A_266 = arith.constant dense<0xFF800000> : vector<16xf32>
    %reduce_max3A_267 = vector.multi_reduction <maximumf>, %select_n3A_265, %reduce_max3A_266 [1] : vector<16x200xf32> to vector<16xf32>
    %broadcast_in_dim3A_268 = vector.shape_cast %reduce_max3A_267 : vector<16xf32> to vector<16x1xf32>
    %eq3A_269 = vector.broadcast %broadcast_in_dim3A_268 : vector<16x1xf32> to vector<16x200xf32>
    %eq3A_270 = arith.cmpf oeq, %select_n3A_265, %eq3A_269 : vector<16x200xf32>
    %jit3A_271 = arith.constant 200 : i32
    %broadcast_in_dim3A_272 = vector.broadcast %jit3A_271 : i32 to vector<16x200xi32>
    %select_n3A_273 = arith.select %eq3A_270, %iota3A_104, %broadcast_in_dim3A_272 : vector<16x200xi1>, vector<16x200xi32>
    %reduce_min3A_274 = arith.constant dense<2147483647> : vector<16xi32>
    %reduce_min3A_275 = vector.multi_reduction <minsi>, %select_n3A_273, %reduce_min3A_274 [1] : vector<16x200xi32> to vector<16xi32>
    %broadcast_in_dim3A_276 = vector.shape_cast %reduce_min3A_275 : vector<16xi32> to vector<16x1xi32>
    %dot_general3A_277 = arith.constant dense<0.000000e+00> : vector<16x768xf32>
    %dot_general3A_278 = tpu.matmul %convert_element_type3A_102, %add3A_220, %dot_general3A_277 {dimension_numbers = #tpu.dot_dimension_numbers<[1], [0], [0], [1], [0, 0, 1, 1], [], []>, transpose_lhs_hint = false} : vector<16x200xf32>, vector<200x768xf32>, vector<16x768xf32> -> vector<16x768xf32>
    %max3A_279 = arith.constant 1.000000e+00 : f32
    %max3A_280 = vector.broadcast %max3A_279 : f32 to vector<16x1xf32>
    %max3A_281 = arith.maximumf %broadcast_in_dim3A, %max3A_280 : vector<16x1xf32>
    %div3A_282 = vector.broadcast %max3A_281 : vector<16x1xf32> to vector<16x768xf32>
    %div3A_283 = arith.divf %dot_general3A_278, %div3A_282 : vector<16x768xf32>
    %swap3A = arith.constant 0 : index
    %swap3A_284 = arith.constant 0 : index
    %swap3A_285 = vector.load %arg5[%swap3A, %swap3A_284] : memref<16x768xf32, #tpu.memory_space<vmem>>, vector<16x768xf32>
    tpu.vector_store %arg5[%swap3A, %swap3A_284], %div3A_283 {strides = array<i32>} : memref<16x768xf32, #tpu.memory_space<vmem>>, vector<16x768xf32>,
    %convert_element_type3A_286 = arith.fptosi %min3A_106 : vector<16x1xf32> to vector<16x1xi32>
    %convert_element_type3A_287 = arith.fptosi %floor3A : vector<16x1xf32> to vector<16x1xi32>
    %convert_element_type3A_288 = arith.fptosi %broadcast_in_dim3A : vector<16x1xf32> to vector<16x1xi32>
    %broadcast_in_dim3A_289 = arith.constant 0 : i32
    %broadcast_in_dim3A_290 = vector.broadcast %broadcast_in_dim3A_289 : i32 to vector<16x10xi32>
    %concatenate3A = tpu.concatenate %convert_element_type3A_286, %convert_element_type3A_287, %broadcast_in_dim3A_244, %broadcast_in_dim3A_260, %broadcast_in_dim3A_276, %convert_element_type3A_288, %broadcast_in_dim3A_290 in 1 : vector<16x1xi32>, vector<16x1xi32>, vector<16x1xi32>, vector<16x1xi32>, vector<16x1xi32>, vector<16x1xi32>, vector<16x10xi32> -> vector<16x16xi32>
    %swap3A_291 = arith.constant 0 : index
    %swap3A_292 = arith.constant 0 : index
    %swap3A_293 = vector.load %arg4[%swap3A_291, %swap3A_292] : memref<16x16xi32, #tpu.memory_space<vmem>>, vector<16x16xi32>
    tpu.vector_store %arg4[%swap3A_291, %swap3A_292], %concatenate3A {strides = array<i32>} : memref<16x16xi32, #tpu.memory_space<vmem>>, vector<16x16xi32>,
    return
  }
}

</mosaic_0001>

<sc_bundles>
// kernel: _run.5.cloned.1.call-start
scs
__scs_entry_jumppad:
0x0: {  	(pc) =	sbr.rel $0x88, $3  }
0x1: {  	(tag) =	ssettag $0x0;
	lr =	simm.s32 $0x1  }
0x2: {  	[smem:$0x3F93] =	sst lr;
	_ =	strace $0xD0000000  }
0x3: {  	_ = 	snop  }
0x4: {  	_ = 	snop  }
0x5: {  	_ = 	snop  }
0x6: {  	_ = 	snop  }
0x7: {  	_ = 	snop  }
__scs_overlays_trampoline_lowered:
0x8: {  	[smem:$0x3FA2] =	sst s0  }
0x9: {  	[smem:$0x3FA3] =	sst s1  }
0xa: {  	[smem:$0x3FA4] =	sst s2  }
0xb: {  	[smem:$0x3FA5] =	sst s3  }
0xc: {  	[smem:$0x3FA6] =	sst s4  }
0xd: {  	[smem:$0x3FA7] =	sst s5  }
0xe: {  	[smem:$0x3FA8] =	sst s6  }
0xf: {  	[smem:$0x3FA9] =	sst s7  }
0x10: {  	[smem:$0x3FAA] =	sst s8  }
0x11: {  	[smem:$0x3FAB] =	sst s9;
	s0 =	simm.s32 @!p0 $0x0  }
0x12: {  	s1 =	sld [smem:$0x3F91];
	s0 =	simm.s32 @p0 $0x1  }
0x13: {  	[smem:$0x3FAC] =	sst s0;
	s0 =	simm.s32 @!p1 $0x0  }
0x14: {  	s2 =	sld [smem:$0x3F90];
	s0 =	simm.s32 @p1 $0x1  }
0x15: {  	[smem:$0x3FAD] =	sst s0;
	s0 =	simm.s32 @!p2 $0x0  }
0x16: {  	s3 =	sld [smem:$0x3FDB];
	s0 =	simm.s32 @p2 $0x1  }
0x17: {  	s4 =	simm.s32 $0x1BF5;
	[smem:$0x3FAF] =	sst s0  }
0x18: {  	s0 =	sld [smem:$0x3F92];
	_ =	swait.ge [sflag:s4], $0x0  }
0x19: {  	s7 =	sld [smem:$0x3F93]  }
0x1a: {  	s8 =	sadd.s32 $0xFFFFE003, lr  }
0x1b: {  	s9 =	sadd.s32 $0xFFFFFEF7, lr;
	s5 =	simm.s32 $0xFFFFFFFF;
	p2 =	slt.u32 s8, $0xFFFFF086  }
0x1c: {  	p1 =	slt.u32 s9, $0xF7A;
	s5 =	simm.s32 @!p2 $0x0  }
0x1d: {  	s5 =	simm.s32 @p1 $0x1;
	p0 =	seq.s32 s7, s2  }
0x1e: {  	s7 =	smul.u32 @!p0 $0xF7A, s2;
	p2 =	seq.s32 @!p0 s5, $0x0  }
0x1f: {  	s9 =	smul.u32 $0xF7A, s1;
	s8 =	simm.s32 @!p0 $0x1BF5;
	p2 =	por !p2, p0  }
0x20: {  	[sflag:s8] =	ssyncset.s32 @!p0 $0xFFFFF086;
	s6 =	sadd.s32 @!p0 s3, s7;
	s7 =	simm.s32 @!p0 $0x108  }
0x21: {  	s3 =	sadd.s32 s3, s9;
	s6 =	sadd.s32 @!p0 $0x88, s6;
	s7 =	simm.s32 @p2 $0x1082  }
0x22: {  	[simem:s7], [sflag:s8] =	dma.local @!p0 [hbm:s6], $0xF7A  }
0x23: {  	s9 =	sor.u32 $0xD0000000, s2;
	s6 =	simm.s32 $0x108;
	_ =	swait.ge @!p0 [sflag:s8], $0x0  }
0x24: {  	s3 =	sadd.s32 $0x88, s3;
	s6 =	simm.s32 @!p1 $0x1082;
	[sflag:s4] =	ssyncset.s32 $0xFFFFF086  }
0x25: {  	[simem:s6], [sflag:s4] =	dma.local [hbm:s3], $0xF7A  }
0x26: {  	[smem:$0x3F93] =	sst s1;
	(tag) =	ssettag s2;
	_ =	strace s9  }
0x27: {  	s1 =	sld [smem:$0x3FA3]  }
0x28: {  	s2 =	sld [smem:$0x3FA4]  }
0x29: {  	s4 =	sld [smem:$0x3FA6]  }
0x2a: {  	p0 =	seq.s32 s5, $0x0;
	s5 =	sld [smem:$0x3FA7]  }
0x2b: {  	s6 =	sld [smem:$0x3FA8]  }
0x2c: {  	s7 =	sld [smem:$0x3FA9]  }
0x2d: {  	s3 =	simm.s32 $0x108;
	s8 =	sld [smem:$0x3FAA]  }
0x2e: {  	s3 =	simm.s32 @!p0 $0x1082;
	s9 =	sld [smem:$0x3FAB]  }
0x2f: {  	lr =	sadd.s32 s0, s3;
	s0 =	sld [smem:$0x3FA2]  }
0x30: {  	s3 =	sld [smem:$0x3FA5]  }
0x31: {  	[smem:$0x3FAE] =	sst s10  }
0x32: {  	s10 =	sld [smem:$0x3FAC];
	_ =	sdelay $0x3  }
0x33: {  	p0 =	seq.s32 s10, $0x1;
	s10 =	sld [smem:$0x3FAE];
	_ =	sdelay $0x3  }
0x34: {  	[smem:$0x3FAE] =	sst s10  }
0x35: {  	s10 =	sld [smem:$0x3FAD];
	_ =	sdelay $0x3  }
0x36: {  	p1 =	seq.s32 s10, $0x1;
	s10 =	sld [smem:$0x3FAE];
	_ =	sdelay $0x3  }
0x37: {  	[smem:$0x3FAE] =	sst s10  }
0x38: {  	s10 =	sld [smem:$0x3FAF]  }
0x39: {  	_ = 	snop;
	(pc) =	sbr.ind lr, $3  }
0x3a: {  	_ = 	snop  }
0x3b: {  	_ = 	snop  }
0x3c: {  	p2 =	seq.s32 s10, $0x1;
	s10 =	sld [smem:$0x3FAE]  }
0x3d: {  	_ =	shalt  }
0x3e: {  	_ =	shalt  }
0x3f: {  	_ =	shalt  }
0x40: {  	_ =	shalt  }
0x41: {  	_ =	shalt  }
0x42: {  	_ =	shalt  }
0x43: {  	_ =	shalt  }
0x44: {  	_ =	shalt  }
0x45: {  	_ =	shalt  }
0x46: {  	_ =	shalt  }
0x47: {  	_ =	shalt  }
0x48: {  	_ =	shalt  }
0x49: {  	_ =	shalt  }
0x4a: {  	_ =	shalt  }
0x4b: {  	_ =	shalt  }
0x4c: {  	_ =	shalt  }
0x4d: {  	_ =	shalt  }
0x4e: {  	_ =	shalt  }
0x4f: {  	_ =	shalt  }
0x50: {  	_ =	shalt  }
0x51: {  	_ =	shalt  }
0x52: {  	_ =	shalt  }
0x53: {  	_ =	shalt  }
0x54: {  	_ =	shalt  }
0x55: {  	_ =	shalt  }
0x56: {  	_ =	shalt  }
0x57: {  	_ =	shalt  }
0x58: {  	_ =	shalt  }
0x59: {  	_ =	shalt  }
0x5a: {  	_ =	shalt  }
0x5b: {  	_ =	shalt  }
0x5c: {  	_ =	shalt  }
0x5d: {  	_ =	shalt  }
0x5e: {  	_ =	shalt  }
0x5f: {  	_ =	shalt  }
0x60: {  	_ =	shalt  }
0x61: {  	_ =	shalt  }
0x62: {  	_ =	shalt  }
0x63: {  	_ =	shalt  }
0x64: {  	_ =	shalt  }
0x65: {  	_ =	shalt  }
0x66: {  	_ =	shalt  }
0x67: {  	_ =	shalt  }
0x68: {  	_ =	shalt  }
0x69: {  	_ =	shalt  }
0x6a: {  	_ =	shalt  }
0x6b: {  	_ =	shalt  }
0x6c: {  	_ =	shalt  }
0x6d: {  	_ =	shalt  }
0x6e: {  	_ =	shalt  }
0x6f: {  	_ =	shalt  }
0x70: {  	_ =	shalt  }
0x71: {  	_ =	shalt  }
0x72: {  	_ =	shalt  }
0x73: {  	_ =	shalt  }
0x74: {  	_ =	shalt  }
0x75: {  	_ =	shalt  }
0x76: {  	_ =	shalt  }
0x77: {  	_ =	shalt  }
0x78: {  	_ =	shalt  }
0x79: {  	_ =	shalt  }
0x7a: {  	_ =	shalt  }
0x7b: {  	_ =	shalt  }
0x7c: {  	_ =	shalt  }
0x7d: {  	_ =	shalt  }
0x7e: {  	_ =	shalt  }
0x7f: {  	_ =	shalt  }
0x80: {  	_ =	shalt  }
0x81: {  	_ =	shalt  }
0x82: {  	_ =	shalt  }
0x83: {  	_ =	shalt  }
0x84: {  	_ =	shalt  }
0x85: {  	_ =	shalt  }
0x86: {  	_ =	shalt  }
0x87: {  	_ =	shalt  }
.Lfunc_end0:
.L_simem_size_0:
called_computation_lowered:
.L_overlay_start_0:
0x88: {  	s2 =	sld [smem:$0x3FD9]  }
0x89: {  	s3 =	sld [smem:$0x3FFE];
	_ =	sdelay $0x1  }
0x8a: {  	s1 =	srdreg.scid  }
0x8b: {  	s0 =	sand.u32 $0x1, s1  }
0x8c: {  	s17 =	sshll.u32 s0, $0xA;
	s2 =	sadd.s32 s3, s2  }
0x8d: {  	s2 =	sadd.s32 s2, s17  }
0x8e: {  	[smem:$0x3FBA] =	sst s2  }
0x8f: {  	_ = 	snop  }
0x90: {  	s2 =	sld [smem:$0x3FC7]  }
0x91: {  	s18 =	sld [smem:$0x3FC6]  }
0x92: {  	s4 =	sld [smem:$0x3FD0];
	(tm) =	ssettm $0x1  }
0x93: {  	s5 =	sld [smem:$0x3FFB];
	_ =	sdelay $0x3  }
0x94: {  	_ =	strace s5  }
0x95: {  	s5 =	sld [smem:$0x3FFC];
	_ =	sdelay $0x3  }
0x96: {  	_ =	strace s5  }
0x97: {  	s5 =	sld [smem:$0x3FFD];
	_ =	sdelay $0x3  }
0x98: {  	_ =	strace s5  }
0x99: {  	_ =	strace $0x8FFFFFFF  }
0x9a: {  	s19 =	sld [smem:$0x3FDB];
	_ =	sdelay $0x1  }
0x9b: {  	s6 =	simm.s32 $_scs_section_size  }
0x9c: {  	s7 =	simm.s32 $_size__tile_overlayer_lowered;
	s8 =	simm.s32 $_tile_overlayer_lowered  }
0x9d: {  	s22 =	simm.s32 $0x1BFF;
	s21 =	sshll.u32 s8, $0x1;
	s5 =	sadd.s32 s6, s19  }
0x9e: {  	s9 =	simm.s32 $0x0;
	s20 =	sshll.u32 s7, $0x1;
	s7 =	sadd.s32 s21, s5  }
0x9f: {  	[timem:s9], [sflag:s22] =	dma.local [hbm:s7], s20  }
0xa0: {  	_ =	swait.ge [sflag:s22], s20  }
0xa1: {  	s6 =	ssub.s32 $0x0, s20;
	[sflag:s22] =	ssyncset.done $0x0  }
0xa2: {  	[sflag:s22] =	ssyncadd.s32 s6;
	_ =	sdelay $0x1  }
0xa3: {  	s23 =	simm.s32 $0x1B8B  }
0xa4: {  	_ =	swait.ge [sflag:s23], $0x1  }
0xa5: {  	[sflag:s23] =	ssyncset.done $0x0  }
0xa6: {  	s25 =	simm.s32 $0x1B8E;
	s24 =	sld [smem:$0x3FFE];
	[sflag:s23] =	ssyncadd.s32 $0xFFFFFFFF  }
0xa7: {  	s26 =	simm.s32 $execute0_lowered;
	[smem:$0x3FD2] =	sst s25  }
0xa8: {  	s7 =	sshll.u32 s26, $0x1;
	_ =	strace $0x80000046;
	[dreg:$0x1] =	wrdreg $0xFFFFFFFF  }
0xa9: {  	s28 =	simm.s32 $_size_execute0_lowered;
	s5 =	sadd.s32 s5, s7;
	[dreg:$0x0] =	wrdreg $0x0  }
0xaa: {  	s7 =	sshll.u32 s28, $0x1;
	[dreg:$0x2] =	wrdreg s5  }
0xab: {  	[dreg:$0x3] =	wrdreg s7  }
0xac: {  	[dreg:$0x4] =	wrdreg $0xC0  }
0xad: {  	_ =	task [dreg:s9], $0x5FFFF  }
0xae: {  	[dreg:$0x1] =	wrdreg $0xFFFFFFFF  }
0xaf: {  	[dreg:$0x0] =	wrdreg $0x60  }
0xb0: {  	[dreg:$0x2] =	wrdreg s2  }
0xb1: {  	[dreg:$0x3] =	wrdreg s18  }
0xb2: {  	[dreg:$0x4] =	wrdreg s4  }
0xb3: {  	[dreg:$0x5] =	wrdreg s24  }
0xb4: {  	[dreg:$0x6] =	wrdreg $0x9  }
0xb5: {  	_ =	task.clear_ibuf [dreg:s9], $0x7FFFF;
	_ =	strace $0x90000046  }
0xb6: {  	s29 =	simm.s32 $0x9;
	_ =	strace $0x80000048  }
0xb7: {  	_ =	swait.ge [sflag:s29], $0x1  }
0xb8: {  	[sflag:s29] =	ssyncadd.s32 $0xFFFFFFFF  }
0xb9: {  	_ =	strace $0x90000048  }
0xba: {  	_ =	sfence  }
0xbb: {  	s30 =	sld [smem:$0x0];
	_ =	sdelay $0x2  }
0xbc: {  	s31 =	sshll.u32 s1, $0xD;
	s1 =	sshrl.u32 s1, $0x2  }
0xbd: {  	s3 =	sand.u32 $0x4000, s31;
	s1 =	sadd.s32 s1, s30  }
0xbe: {  	s0 =	sor.u32 s3, s0;
	s1 =	sshll.u32 s1, $0x11  }
0xbf: {  	s0 =	sor.u32 s1, s0  }
0xc0: {  	s0 =	sadd.s32 $0x8F2B, s0  }
0xc1: {  	[sflag:s0] =	ssyncadd.remote.s32 $0x1  }
0xc2: {  	_ =	sfence.sel $0xFFFF  }
0xc3: {  	[dreg:$0x0] =	wrdreg $0xFFFFFFFF;
	(pc) =	sbr.abs _section_cstart, $3  }
0xc4: {  	[dreg:$0x1] =	wrdreg $0xFFFFFFFF  }
0xc5: {  	_ =	task.clear_ibuf [dreg:s9], $0x2FFFF;
	_ =	strace $0x9FFFFFFF  }
0xc6: {  	(tm) =	ssettm $0x7FFFFFFF  }
0xc7: {  	_ =	shalt  }
tec
execute0_lowered:
.L_overlay_start_1:
0x0: {  	(tag) =	ssettag $0x1  }
0x1: {  	s1 =	srdreg.scid  }
0x2: {  	s3 =	stileid.u32;
	s7 =	sand.u32 $0x1, s1  }
0x3: {  	s8 =	sor.u32 s3, s7  }
0x4: {  	s0 =	rddreg [dreg:$0x0];
	p0 =	sne.s32 s8, $0x0  }
.Ltmp0:
0x5: {  	s2 =	rddreg [dreg:$0x1];
	(pc) =	sbr.rel @p0 .LBB2_5-.Ltmp0, $4  }
0x6: {  	s4 =	rddreg [dreg:$0x2]  }
0x7: {  	s6 =	rddreg [dreg:$0x3];
	s5 =	simm.s32 $0x0  }
0x8: {  	[smem:$0x7FF] =	sst s5  }
0x9: {  	s1 =	rddreg [dreg:$0x4];
	_ =	strace $0x80000047  }
0xa: {  	s7 =	ssub.s32 $0x2, s7;
	v0 =	vlaneseq.u32  }
0xb: {  	s6 =	sadd.s32 $0x1000, s6;
	s9 =	simm.s32 $0x80;
	s10 =	simm.s32 $0x100;
	v1 =	vmul.u32 $0x10, v0  }
0xc: {  	s11 =	simm.s32 $0x1;
	s12 =	simm.s32 $0x200;
	s13 =	simm.s32 $0x400  }
0xd: {  	s14 =	simm.s32 $0x500;
	v6 =	vimm.f32 $0.0e+00;
	v7 =	vimm.s32 $0x0;
	s15 =	simm.s32 $0x600;
	s8 =	sshrl.u32 s7, $0x1;
	v2 =	vor.u32 $0x1, v1  }
0xe: {  	s16 =	simm.s32 $0x0;
	s7 =	ssub.s32 s7, s8;
	s8 =	sadd.s32 $0x10, s0;
	v3 =	vor.u32 $0x2, v1;
	v4 =	vor.u32 $0x3, v1;
	v5 =	vor.u32 $0x4, v1  }
.LBB2_2:
0xf: {  	s17 =	simm.s32 $0x0  }
0x10: {  	[tilespmem:s17], [sflag:$0x1] =	stream.strided.gather [hbm4b:s0+s9], $0x200, s10, s9, $0x38;
	[tilespmem:$0x700] =	vst v63  }
0x11: {  	_ =	swait.ge [sflag:s11], $0x200  }
0x12: {  	[sflag:s11] =	ssyncset.done $0x0  }
0x13: {  	[sflag:s11] =	ssyncadd.s32 $0xFFFFFE00  }
0x14: {  	[tilespmem:s12], [sflag:$0x1] =	stream.strided.gather [hbm4b:s8+s9], $0x200, s10, s9, $0x38;
	[tilespmem:$0x700] =	vst v63  }
0x15: {  	_ =	swait.ge [sflag:s11], $0x200  }
0x16: {  	[sflag:s11] =	ssyncset.done $0x0  }
0x17: {  	[sflag:s11] =	ssyncadd.s32 $0xFFFFFE00  }
0x18: {  	[tilespmem:s13], [sflag:$0x1] =	stream.linear.gather [hbm4b:s2+s17], $0x100, $0x38;
	[tilespmem:$0x700] =	vst v63  }
0x19: {  	_ =	swait.ge [sflag:s11], $0x100  }
0x1a: {  	[sflag:s11] =	ssyncset.done $0x0  }
0x1b: {  	[sflag:s11] =	ssyncadd.s32 $0xFFFFFF00  }
0x1c: {  	[tilespmem:s14], [sflag:$0x1] =	stream.linear.gather [hbm4b:s4+s17], $0x100, $0x38;
	[tilespmem:$0x700] =	vst v63  }
0x1d: {  	_ =	swait.ge [sflag:s11], $0x100  }
0x1e: {  	[sflag:s11] =	ssyncset.done $0x0  }
0x1f: {  	[sflag:s11] =	ssyncadd.s32 $0xFFFFFF00  }
0x20: {  	[tilespmem:$0x600] =	vst v7  }
0x21: {  	[tilespmem:$0x610] =	vst v7  }
0x22: {  	[tilespmem:$0x620] =	vst v7  }
0x23: {  	[tilespmem:$0x630] =	vst v7  }
0x24: {  	[tilespmem:$0x640] =	vst v7  }
0x25: {  	[tilespmem:$0x650] =	vst v7  }
0x26: {  	[tilespmem:$0x660] =	vst v7  }
0x27: {  	[tilespmem:$0x670] =	vst v7  }
0x28: {  	[tilespmem:$0x680] =	vst v7  }
0x29: {  	[tilespmem:$0x690] =	vst v7  }
0x2a: {  	[tilespmem:$0x6A0] =	vst v7  }
0x2b: {  	[tilespmem:$0x6B0] =	vst v7  }
0x2c: {  	[tilespmem:$0x6C0] =	vst v7  }
0x2d: {  	[tilespmem:$0x6D0] =	vst v7  }
0x2e: {  	[tilespmem:$0x6E0] =	vst v7  }
0x2f: {  	[tilespmem:$0x6F0] =	vst v7  }
0x30: {  	v10 =	vld.idx.msk [tilespmem:v1+s14+$0x0], $0xffff;
	_ =	sdelay $0x4  }
0x31: {  	v9 =	vimm.s32 $0x0;
	vm0 =	vgt.s32 v10, $0x2  }
0x32: {  	v12 =	vimm.s32 $0x0;
	v11 =	vld.idx.msk [tilespmem:v2+s14+$0x0], $0xffff;
	vm14 =	vgt.s32 v10, $0x1;
	v9 =	vsel vm0, $0xFFFFFFFF, v9  }
0x33: {  	v8 =	vld.idx.msk [tilespmem:v3+s14+$0x0], $0xffff;
	vm15 =	vgt.s32 v10, $0x0;
	v10 =	vimm.s32 $0x0;
	v12 =	vsel vm14, $0xFFFFFFFF, v12;
	[tilespmem:$0x1FFD0] =	vst v9  }
0x34: {  	v13 =	vimm.s32 $0x0;
	v10 =	vsel vm15, $0xFFFFFFFF, v10;
	v9 =	vld.idx.msk [tilespmem:v4+s14+$0x0], $0xffff;
	[tilespmem:$0x1FFE0] =	vst v12  }
0x35: {  	v16 =	vimm.s32 $0x0;
	v18 =	vimm.s32 $0x0;
	v17 =	vimm.s32 $0x0;
	[tilespmem:$0x1FFF0] =	vst v10;
	v10 =	vld.idx.msk [tilespmem:v5+s14+$0x0], $0xffff  }
.LBB2_3:
0x36: {  	s18 =	sshra.s32 s17, $0x2  }
0x37: {  	v12 =	vld [tilespmem:s18+$0x200];
	_ =	sdelay $0x7  }
0x38: {  	v15 =	vld.idx.msk [tilespmem:v12+s13+$0x0], $0xffff;
	_ =	sdelay $0x3  }
0x39: {  	v14 =	vld [tilespmem:s18+$0x0]  }
0x3a: {  	v19 =	vbroadcast v15, $0x0;
	_ =	sdelay $0x1  }
0x3b: {  	vm5 =	vlt.s32 v17, v11;
	vm3 =	veq.s32 v19, v0;
	v19 =	vld [tilespmem:$0x1FFF0]  }
0x3c: {  	vm7 =	vlt.s32 v18, v11;
	vm9 =	vlt.s32 v16, v11;
	v22 =	vimm.s32 $0x0  }
0x3d: {  	v24 =	vimm.s32 $0x0;
	v20 =	vbroadcast v14, $0x0;
	v21 =	vbroadcast v14, $0x1  }
0x3e: {  	v23 =	vimm.s32 $0x0;
	v59 =	vbroadcast v14, $0x2;
	v61 =	vbroadcast v14, $0x3  }
0x3f: {  	v29 =	vimm.s32 $0x0;
	v62 =	vbroadcast v14, $0x4;
	v63 =	vbroadcast v14, $0x5  }
0x40: {  	v26 =	vbroadcast v14, $0x6;
	v27 =	vbroadcast v14, $0x7;
	vm2 =	vnez.u8 v19;
	v19 =	vld [tilespmem:$0x1FFE0]  }
0x41: {  	v32 =	vimm.s32 $0x0;
	v28 =	vbroadcast v14, $0x8;
	v31 =	vbroadcast v14, $0x9  }
0x42: {  	v35 =	vimm.s32 $0x0;
	v33 =	vbroadcast v14, $0xA;
	v34 =	vbroadcast v14, $0xB  }
0x43: {  	v38 =	vimm.s32 $0x0;
	v36 =	vbroadcast v14, $0xC;
	v37 =	vbroadcast v14, $0xD  }
0x44: {  	vm4 =	veq.s32 v8, v20;
	vm6 =	veq.s32 v9, v20;
	vm8 =	veq.s32 v10, v20  }
0x45: {  	vm12 =	veq.s32 v8, v21;
	v20 =	vbroadcast v15, $0x1;
	vm1 =	vnez.u8 v19;
	v19 =	vld [tilespmem:$0x1FFD0]  }
0x46: {  	vm15 =	veq.s32 v9, v21;
	v60 =	vbroadcast v15, $0x3;
	v25 =	vbroadcast v15, $0x6  }
0x47: {  	v30 =	vbroadcast v15, $0x9;
	vm4 =	vmand vm4, vm3;
	vm6 =	vmand vm6, vm3  }
0x48: {  	vm3 =	vmand vm8, vm3;
	vm4 =	vmand vm4, vm5;
	vm11 =	vmand vm6, vm7  }
0x49: {  	vm3 =	vmand vm3, vm9;
	vm9 =	veq.s32 v8, v59;
	vm4 =	vmand vm2, vm4  }
0x4a: {  	vm5 =	vmand vm1, vm11;
	vm13 =	vnez.u8 v19;
	v19 =	vsel vm4, $0x1, v7  }
0x4b: {  	vm4 =	vmor vm4, vm5;
	vm3 =	vmand vm13, vm3;
	v17 =	vadd.s32 v19, v17  }
0x4c: {  	v19 =	vsel vm5, $0x1, v7;
	vm5 =	veq.s32 v20, v0;
	v20 =	vbroadcast v15, $0x2  }
0x4d: {  	v18 =	vadd.s32 v19, v18;
	v19 =	vsel vm3, $0x1, v7;
	vm14 =	vlt.s32 v17, v11  }
0x4e: {  	vm6 =	vmand vm12, vm5;
	vm7 =	vmand vm15, vm5;
	vm12 =	veq.s32 v10, v21  }
0x4f: {  	vm10 =	vmor vm3, vm4;
	v16 =	vadd.s32 v19, v16;
	vm6 =	vmand vm6, vm14  }
0x50: {  	vm0 =	vlt.s32 v18, v11;
	vm5 =	vmand vm12, vm5;
	vm4 =	veq.s32 v20, v0  }
0x51: {  	vm7 =	vmand vm7, vm0;
	vm14 =	vlt.s32 v16, v11;
	vm6 =	vmand vm2, vm6  }
0x52: {  	vm0 =	veq.s32 v10, v59;
	vm7 =	vmand vm1, vm7;
	vm5 =	vmand vm5, vm14  }
0x53: {  	v19 =	vsel vm6, $0x1, v7;
	vm14 =	veq.s32 v9, v59;
	vm15 =	vmand vm13, vm5  }
0x54: {  	vm8 =	vmor vm6, vm7;
	v17 =	vadd.s32 v19, v17;
	v19 =	vsel vm7, $0x1, v7  }
0x55: {  	vm5 =	vmand vm9, vm4;
	vm11 =	vmor vm15, vm8;
	v18 =	vadd.s32 v19, v18  }
0x56: {  	v19 =	vsel vm15, $0x1, v7;
	vm12 =	vlt.s32 v17, v11;
	v22 =	vsel vm11, $0xFFFFFFFF, v22  }
0x57: {  	v16 =	vadd.s32 v19, v16;
	vm3 =	vmand vm5, vm12;
	vm15 =	vlt.s32 v18, v11  }
0x58: {  	vm5 =	vmand vm14, vm4;
	vm4 =	vmand vm0, vm4;
	vm14 =	veq.s32 v8, v61  }
0x59: {  	vm0 =	veq.s32 v9, v61;
	vm5 =	vmand vm5, vm15;
	vm9 =	vlt.s32 v16, v11  }
0x5a: {  	vm3 =	vmand vm2, vm3;
	vm5 =	vmand vm1, vm5;
	vm4 =	vmand vm4, vm9  }
0x5b: {  	v19 =	vsel vm3, $0x1, v7;
	vm4 =	vmand vm13, vm4;
	vm12 =	vmor vm3, vm5  }
0x5c: {  	v20 =	vsel vm5, $0x1, v7;
	v17 =	vadd.s32 v19, v17;
	vm3 =	veq.s32 v60, v0  }
0x5d: {  	vm15 =	vmor vm4, vm12;
	v18 =	vadd.s32 v20, v18;
	v19 =	vsel vm4, $0x1, v7  }
0x5e: {  	vm5 =	vlt.s32 v17, v11;
	vm4 =	vmand vm14, vm3;
	vm12 =	veq.s32 v10, v61  }
0x5f: {  	vm6 =	vmand vm0, vm3;
	v20 =	vbroadcast v15, $0x4;
	vm0 =	veq.s32 v9, v62  }
0x60: {  	v16 =	vadd.s32 v19, v16;
	vm7 =	vlt.s32 v18, v11;
	vm3 =	vmand vm12, vm3  }
0x61: {  	vm4 =	vmand vm4, vm5;
	vm12 =	veq.s32 v8, v62;
	vm14 =	vlt.s32 v16, v11  }
0x62: {  	vm8 =	vmand vm6, vm7;
	vm4 =	vmand vm2, vm4;
	vm3 =	vmand vm3, vm14  }
0x63: {  	vm5 =	vmand vm1, vm8;
	v19 =	vsel vm4, $0x1, v7;
	vm8 =	veq.s32 v8, v63  }
0x64: {  	vm3 =	vmand vm13, vm3;
	vm4 =	vmor vm4, vm5;
	v17 =	vadd.s32 v19, v17  }
0x65: {  	v19 =	vsel vm5, $0x1, v7;
	vm5 =	veq.s32 v20, v0;
	v20 =	vbroadcast v15, $0x5  }
0x66: {  	v18 =	vadd.s32 v19, v18;
	v19 =	vsel vm3, $0x1, v7;
	vm14 =	vlt.s32 v17, v11  }
0x67: {  	vm6 =	vmand vm12, vm5;
	vm7 =	vmand vm0, vm5;
	v16 =	vadd.s32 v19, v16  }
0x68: {  	vm6 =	vmand vm6, vm14;
	vm12 =	vlt.s32 v18, v11;
	vm14 =	veq.s32 v10, v62  }
0x69: {  	vm7 =	vmand vm7, vm12;
	vm0 =	vlt.s32 v16, v11;
	vm5 =	vmand vm14, vm5  }
0x6a: {  	vm6 =	vmand vm2, vm6;
	vm7 =	vmand vm1, vm7;
	vm5 =	vmand vm5, vm0  }
0x6b: {  	vm0 =	vmor vm3, vm4;
	v19 =	vsel vm6, $0x1, v7;
	vm12 =	vmand vm13, vm5  }
0x6c: {  	vm14 =	vmor vm6, vm7;
	v17 =	vadd.s32 v19, v17;
	v19 =	vsel vm7, $0x1, v7  }
0x6d: {  	vm4 =	vmor vm12, vm14;
	v18 =	vadd.s32 v19, v18;
	v19 =	vsel vm12, $0x1, v7  }
0x6e: {  	[tilespmem:$0x1FF30] =	vst v22;
	vm9 =	vlt.s32 v17, v11;
	v22 =	vsel vm4, $0xFFFFFFFF, v24;
	vm4 =	veq.s32 v20, v0  }
0x6f: {  	vm12 =	veq.s32 v9, v63;
	v16 =	vadd.s32 v19, v16;
	vm5 =	vmand vm8, vm4  }
0x70: {  	vm14 =	vlt.s32 v18, v11;
	vm8 =	veq.s32 v8, v28;
	vm3 =	vmand vm5, vm9  }
0x71: {  	vm5 =	vmand vm12, vm4;
	vm9 =	veq.s32 v10, v63;
	vm12 =	vlt.s32 v16, v11  }
0x72: {  	vm5 =	vmand vm5, vm14;
	vm4 =	vmand vm9, vm4;
	vm3 =	vmand vm2, vm3  }
0x73: {  	vm5 =	vmand vm1, vm5;
	vm4 =	vmand vm4, vm12;
	v19 =	vsel vm3, $0x1, v7  }
0x74: {  	vm12 =	veq.s32 v8, v26;
	vm4 =	vmand vm13, vm4;
	vm14 =	vmor vm3, vm5  }
0x75: {  	v20 =	vsel vm5, $0x1, v7;
	v17 =	vadd.s32 v19, v17;
	vm3 =	veq.s32 v25, v0  }
0x76: {  	vm9 =	vmor vm4, vm14;
	v18 =	vadd.s32 v20, v18;
	v19 =	vsel vm4, $0x1, v7  }
0x77: {  	vm5 =	vlt.s32 v17, v11;
	vm4 =	vmand vm12, vm3;
	vm14 =	veq.s32 v9, v26  }
0x78: {  	vm12 =	veq.s32 v10, v26;
	v20 =	vbroadcast v15, $0x7;
	v23 =	vsel vm9, $0xFFFFFFFF, v23  }
0x79: {  	v16 =	vadd.s32 v19, v16;
	vm7 =	vlt.s32 v18, v11;
	vm6 =	vmand vm14, vm3  }
0x7a: {  	vm3 =	vmand vm12, vm3;
	vm4 =	vmand vm4, vm5;
	vm14 =	vlt.s32 v16, v11  }
0x7b: {  	vm12 =	vmand vm6, vm7;
	vm4 =	vmand vm2, vm4;
	vm3 =	vmand vm3, vm14  }
0x7c: {  	vm5 =	vmand vm1, vm12;
	v19 =	vsel vm4, $0x1, v7;
	vm14 =	veq.s32 v8, v27  }
0x7d: {  	vm12 =	veq.s32 v9, v27;
	vm3 =	vmand vm13, vm3;
	vm4 =	vmor vm4, vm5  }
0x7e: {  	v17 =	vadd.s32 v19, v17;
	v19 =	vsel vm5, $0x1, v7;
	vm5 =	veq.s32 v20, v0  }
0x7f: {  	v20 =	vbroadcast v15, $0x8;
	v18 =	vadd.s32 v19, v18;
	v19 =	vsel vm3, $0x1, v7  }
0x80: {  	vm9 =	vlt.s32 v17, v11;
	vm6 =	vmand vm14, vm5;
	vm7 =	vmand vm12, vm5  }
0x81: {  	vm12 =	veq.s32 v10, v27;
	vm3 =	vmor vm3, vm4;
	v16 =	vadd.s32 v19, v16  }
0x82: {  	vm6 =	vmand vm6, vm9;
	vm14 =	vlt.s32 v18, v11;
	vm5 =	vmand vm12, vm5  }
0x83: {  	v19 =	vimm.s32 $0x0;
	vm7 =	vmand vm7, vm14;
	vm14 =	vlt.s32 v16, v11  }
0x84: {  	vm6 =	vmand vm2, vm6;
	v19 =	vsel vm3, $0xFFFFFFFF, v19;
	vm5 =	vmand vm5, vm14  }
0x85: {  	vm7 =	vmand vm1, vm7;
	[tilespmem:$0x1FF60] =	vst v19;
	v19 =	vsel vm6, $0x1, v7;
	vm12 =	vmand vm13, vm5  }
0x86: {  	vm14 =	vmor vm6, vm7;
	v17 =	vadd.s32 v19, v17;
	v19 =	vsel vm7, $0x1, v7  }
0x87: {  	vm4 =	vmor vm12, vm14;
	v18 =	vadd.s32 v19, v18;
	v19 =	vsel vm12, $0x1, v7  }
0x88: {  	[tilespmem:$0x1FF40] =	vst v22;
	vm9 =	vlt.s32 v17, v11;
	v22 =	vsel vm4, $0xFFFFFFFF, v29;
	vm4 =	veq.s32 v20, v0  }
0x89: {  	vm12 =	veq.s32 v9, v28;
	v16 =	vadd.s32 v19, v16;
	vm5 =	vmand vm8, vm4  }
0x8a: {  	vm14 =	vlt.s32 v18, v11;
	vm8 =	veq.s32 v10, v31;
	vm3 =	vmand vm5, vm9  }
0x8b: {  	vm5 =	vmand vm12, vm4;
	vm9 =	veq.s32 v10, v28;
	vm12 =	vlt.s32 v16, v11  }
0x8c: {  	vm5 =	vmand vm5, vm14;
	vm4 =	vmand vm9, vm4;
	vm3 =	vmand vm2, vm3  }
0x8d: {  	vm5 =	vmand vm1, vm5;
	vm4 =	vmand vm4, vm12;
	v19 =	vsel vm3, $0x1, v7  }
0x8e: {  	vm12 =	veq.s32 v8, v31;
	vm4 =	vmand vm13, vm4;
	vm14 =	vmor vm3, vm5  }
0x8f: {  	v20 =	vsel vm5, $0x1, v7;
	v17 =	vadd.s32 v19, v17;
	vm3 =	veq.s32 v30, v0  }
0x90: {  	vm9 =	vmor vm4, vm14;
	v18 =	vadd.s32 v20, v18;
	v19 =	vsel vm4, $0x1, v7  }
0x91: {  	vm5 =	vlt.s32 v17, v11;
	vm4 =	vmand vm12, vm3;
	vm14 =	veq.s32 v9, v31  }
0x92: {  	[tilespmem:$0x1FF50] =	vst v23;
	v20 =	vbroadcast v15, $0xA;
	v23 =	vsel vm9, $0xFFFFFFFF, v32;
	v16 =	vadd.s32 v19, v16  }
0x93: {  	vm7 =	vlt.s32 v18, v11;
	vm6 =	vmand vm14, vm3;
	vm3 =	vmand vm8, vm3  }
0x94: {  	vm4 =	vmand vm4, vm5;
	vm14 =	veq.s32 v8, v33;
	vm12 =	vlt.s32 v16, v11  }
0x95: {  	vm9 =	vmand vm6, vm7;
	vm4 =	vmand vm2, vm4;
	vm3 =	vmand vm3, vm12  }
0x96: {  	vm5 =	vmand vm1, vm9;
	v19 =	vsel vm4, $0x1, v7;
	vm12 =	veq.s32 v9, v33  }
0x97: {  	vm3 =	vmand vm13, vm3;
	vm4 =	vmor vm4, vm5;
	v17 =	vadd.s32 v19, v17  }
0x98: {  	v19 =	vsel vm5, $0x1, v7;
	vm5 =	veq.s32 v20, v0;
	v20 =	vbroadcast v15, $0xB  }
0x99: {  	v18 =	vadd.s32 v19, v18;
	v19 =	vsel vm3, $0x1, v7;
	vm9 =	vlt.s32 v17, v11  }
0x9a: {  	vm6 =	vmand vm14, vm5;
	vm7 =	vmand vm12, vm5;
	vm12 =	veq.s32 v10, v33  }
0x9b: {  	v16 =	vadd.s32 v19, v16;
	vm6 =	vmand vm6, vm9;
	vm8 =	vlt.s32 v18, v11  }
0x9c: {  	vm5 =	vmand vm12, vm5;
	vm12 =	vmor vm3, vm4;
	vm14 =	vlt.s32 v16, v11  }
0x9d: {  	vm7 =	vmand vm7, vm8;
	vm6 =	vmand vm2, vm6;
	vm5 =	vmand vm5, vm14  }
0x9e: {  	vm7 =	vmand vm1, vm7;
	v19 =	vsel vm6, $0x1, v7;
	vm8 =	vmand vm13, vm5  }
0x9f: {  	vm9 =	vmor vm6, vm7;
	v17 =	vadd.s32 v19, v17;
	v19 =	vsel vm7, $0x1, v7  }
0xa0: {  	vm14 =	veq.s32 v8, v34;
	vm4 =	vmor vm8, vm9;
	v18 =	vadd.s32 v19, v18  }
0xa1: {  	v19 =	vsel vm8, $0x1, v7;
	vm8 =	vlt.s32 v17, v11;
	vm9 =	veq.s32 v9, v34  }
0xa2: {  	[tilespmem:$0x1FF00] =	vst v22;
	v22 =	vsel vm4, $0xFFFFFFFF, v35;
	vm4 =	veq.s32 v20, v0;
	v16 =	vadd.s32 v19, v16  }
0xa3: {  	v20 =	vbroadcast v15, $0xC;
	vm5 =	vmand vm14, vm4;
	vm14 =	vlt.s32 v18, v11  }
0xa4: {  	vm3 =	vmand vm5, vm8;
	vm5 =	vmand vm9, vm4;
	vm9 =	veq.s32 v10, v34  }
0xa5: {  	vm5 =	vmand vm5, vm14;
	vm14 =	vlt.s32 v16, v11;
	vm4 =	vmand vm9, vm4  }
0xa6: {  	vm3 =	vmand vm2, vm3;
	vm9 =	veq.s32 v8, v36;
	vm4 =	vmand vm4, vm14  }
0xa7: {  	vm5 =	vmand vm1, vm5;
	v19 =	vsel vm3, $0x1, v7;
	vm4 =	vmand vm13, vm4  }
0xa8: {  	vm3 =	vmor vm3, vm5;
	v17 =	vadd.s32 v19, v17;
	v19 =	vsel vm5, $0x1, v7  }
0xa9: {  	vm5 =	veq.s32 v20, v0;
	v20 =	vsel vm11, $0x3F800000, v6;
	v18 =	vadd.s32 v19, v18  }
0xaa: {  	vm14 =	vlt.s32 v17, v11;
	vm6 =	vmand vm9, vm5;
	v19 =	vsel vm4, $0x1, v7  }
0xab: {  	vm9 =	veq.s32 v9, v36;
	vm3 =	vmor vm4, vm3;
	vm6 =	vmand vm6, vm14  }
0xac: {  	v16 =	vadd.s32 v19, v16;
	vm7 =	vmand vm9, vm5;
	vm14 =	veq.s32 v10, v36  }
0xad: {  	vm8 =	vlt.s32 v18, v11;
	v19 =	vimm.s32 $0x0;
	vm9 =	veq.s32 v8, v37  }
0xae: {  	vm5 =	vmand vm14, vm5;
	vm14 =	vlt.s32 v16, v11;
	v19 =	vsel vm10, $0xFFFFFFFF, v19  }
0xaf: {  	vm7 =	vmand vm7, vm8;
	vm6 =	vmand vm2, vm6;
	[tilespmem:$0x1FF80] =	vst v19;
	v19 =	vsel vm10, $0x3F800000, v6  }
0xb0: {  	vm5 =	vmand vm5, vm14;
	vm7 =	vmand vm1, vm7;
	(xrf0) =	vmax.scan.msk.f32 $0xffff, v19;
	v19 =	vimm.s32 $0x0  }
0xb1: {  	[tilespmem:$0x1FF90] =	vst v22;
	vm14 =	vmand vm13, vm5;
	vm8 =	vmor vm6, vm7;
	v19 =	vsel vm3, $0xFFFFFFFF, v19  }
0xb2: {  	(xrf0) =	vmax.scan.msk.f32 $0xffff, v20;
	v20 =	vbroadcast v15, $0xD;
	vm4 =	vmor vm14, vm8;
	v39 =	vsel vm14, $0x1, v7  }
0xb3: {  	vm14 =	veq.s32 v9, v37;
	[tilespmem:$0x1FF10] =	vst v19;
	v19 =	vsel vm6, $0x1, v7;
	v22 =	vsel vm4, $0xFFFFFFFF, v38  }
0xb4: {  	v16 =	vadd.s32 v39, v16;
	v17 =	vadd.s32 v19, v17;
	vm3 =	veq.s32 v20, v0  }
0xb5: {  	v19 =	vsel vm7, $0x1, v7;
	vm11 =	vlt.s32 v17, v11;
	vm4 =	vmand vm9, vm3  }
0xb6: {  	vm5 =	vmand vm14, vm3;
	vm9 =	veq.s32 v10, v37;
	v18 =	vadd.s32 v19, v18  }
0xb7: {  	vm14 =	vlt.s32 v16, v11;
	vm4 =	vmand vm4, vm11;
	vm11 =	vlt.s32 v18, v11;
	v20, _, _ =	vpop (xrf0)  }
0xb8: {  	v42 =	vld [tilespmem:$0x1FF40];
	vm3 =	vmand vm9, vm3;
	vm5 =	vmand vm5, vm11;
	(v2sf) =	vpush v20, $0xF;
	v19, _, _ =	vpop (xrf0)  }
0xb9: {  	vm4 =	vmand vm2, vm4;
	(v2sf) =	vpush v19, $0xF;
	v19 =	vsel vm15, $0x3F800000, v6  }
0xba: {  	vm3 =	vmand vm3, vm14;
	vm5 =	vmand vm1, vm5;
	(xrf0) =	vmax.scan.msk.f32 $0xffff, v19;
	v19 =	vsel vm4, $0x1, v7  }
0xbb: {  	vm3 =	vmand vm13, vm3;
	v17 =	vadd.s32 v19, v17;
	v19 =	vsel vm5, $0x1, v7  }
0xbc: {  	v41 =	vbroadcast v14, $0xE;
	v18 =	vadd.s32 v19, v18;
	v19 =	vsel vm3, $0x1, v7  }
0xbd: {  	v40 =	vbroadcast v15, $0xE;
	vm9 =	vnez.u8 v42;
	v16 =	vadd.s32 v19, v16;
	v19 =	vld [tilespmem:$0x1FF50]  }
0xbe: {  	[tilespmem:$0x1FF70] =	vst v23;
	vm11 =	vmmov vm15;
	v23 =	vsel vm9, $0x3F800000, v6;
	v20 =	vsel vm0, $0x3F800000, v6  }
0xbf: {  	vm14 =	veq.s32 v8, v41;
	vm15 =	vmmov vm0;
	vm4 =	vmor vm4, vm5;
	(xrf0) =	vmax.scan.msk.f32 $0xffff, v20  }
0xc0: {  	vm0 =	veq.s32 v9, v41;
	vm9 =	vmor vm3, vm4;
	vm4 =	veq.s32 v40, v0;
	(xrf0) =	vmax.scan.msk.f32 $0xffff, v23  }
0xc1: {  	vm5 =	vmand vm14, vm4;
	vm6 =	vmand vm0, vm4;
	vm14 =	vlt.s32 v18, v11  }
0xc2: {  	vm0 =	vmand vm6, vm14;
	vm14 =	vnez.u8 v19  }
0xc3: {  	v19 =	vsel vm14, $0x3F800000, v6  }
0xc4: {  	v20, _, _ =	vpop (xrf0);
	(xrf0) =	vmax.scan.msk.f32 $0xffff, v19;
	v19 =	vld [tilespmem:$0x1FF60]  }
0xc5: {  	(v2sf) =	vpush v20, $0xF;
	v20, _, _ =	vpop (xrf0)  }
0xc6: {  	vm8 =	veq.s32 v10, v41;
	(v2sf) =	vpush v20, $0xF;
	v20, _, _ =	vpop (xrf0)  }
0xc7: {  	vm7 =	vlt.s32 v17, v11;
	(v2sf) =	vpush v20, $0xF;
	v20 =	vbroadcast v14, $0xF;
	v14 =	vld [tilespmem:$0x1FF00]  }
0xc8: {  	vm4 =	vmand vm8, vm4;
	vm3 =	vmand vm5, vm7  }
0xc9: {  	vm8 =	vlt.s32 v16, v11;
	vm3 =	vmand vm2, vm3;
	vm14 =	vnez.u8 v19  }
0xca: {  	vm4 =	vmand vm4, vm8;
	vm0 =	vmand vm1, vm0;
	v19 =	vsel vm14, $0x3F800000, v6  }
0xcb: {  	vm5 =	vmand vm13, vm4;
	(xrf0) =	vmax.scan.msk.f32 $0xffff, v19;
	v19 =	vsel vm3, $0x1, v7;
	vm3 =	vmor vm3, vm0  }
0xcc: {  	vm14 =	vnez.u8 v14;
	v14 =	vimm.s32 $0x0;
	vm8 =	vmor vm5, vm3  }
0xcd: {  	v14 =	vsel vm8, $0xFFFFFFFF, v14  }
0xce: {  	[tilespmem:$0x1FFB0] =	vst v14;
	v14 =	vadd.s32 v19, v17;
	v19 =	vld [tilespmem:$0x1FF70]  }
0xcf: {  	v15 =	vbroadcast v15, $0xF;
	_ =	sdelay $0x2  }
0xd0: {  	v43 =	vsel vm0, $0x1, v7  }
0xd1: {  	v44 =	vsel vm14, $0x3F800000, v6;
	vm0 =	veq.s32 v15, v0;
	v15, _, _ =	vpop (xrf0);
	vm4 =	vnez.u8 v19  }
0xd2: {  	s31 =	spop (v2sf);
	(xrf0) =	vmax.scan.msk.f32 $0xffff, v44;
	(v2sf) =	vpush v15, $0xF;
	v15, _, _ =	vpop (xrf0);
	v19 =	vsel vm4, $0x3F800000, v6  }
0xd3: {  	(v2sf) =	vpush v15, $0xF;
	v15 =	vld [tilespmem:$0x1FF90];
	(xrf0) =	vmax.scan.msk.f32 $0xffff, v19;
	_ =	sdelay $0x2  }
0xd4: {  	v24 =	vimm.s32 $0x0;
	vm3 =	veq.s32 v8, v20  }
0xd5: {  	vm6 =	veq.s32 v10, v20;
	vm3 =	vmand vm3, vm0;
	v17 =	vsel vm5, $0x1, v7  }
0xd6: {  	p2 =	sgt.f32 s31, $0.0e+00;
	vm5 =	vlt.s32 v14, v11;
	vm4 =	vnez.u8 v15;
	v15 =	vadd.s32 v43, v18;
	v18, _, _ =	vpop (xrf0)  }
0xd7: {  	[tilespmem:$0x1FF20] =	vst v22;
	s19 =	spop (v2sf);
	vm3 =	vmand vm3, vm5;
	vm5 =	veq.s32 v9, v20;
	v20 =	vld [tilespmem:$0x1FF10];
	(v2sf) =	vpush v18, $0xF;
	v18, _, _ =	vpop (xrf0)  }
0xd8: {  	v45 =	vsel vm12, $0x3F800000, v6;
	v22 =	vlaneseq.u32 @p2;
	s20 =	spop (v2sf);
	(v2sf) =	vpush v18, $0xF;
	v18 =	vld [tilespmem:$0x1FF20]  }
0xd9: {  	v58 =	vsel vm12, $0x1, v7;
	v51 =	vsel vm11, $0x1, v7;
	v19 =	vmul.u32 @p2 $0x10, v22  }
0xda: {  	v52 =	vsel vm15, $0x1, v7;
	v16 =	vadd.s32 v17, v16;
	vm5 =	vmand vm5, vm0;
	(xrf0) =	vmax.scan.msk.f32 $0xffff, v45  }
0xdb: {  	vm0 =	vmand vm6, vm0;
	v17 =	vadd.s32 @p2 v19, v13;
	v19 =	vsel vm10, $0x1, v7  }
0xdc: {  	v48 =	vld [tilespmem:$0x1FF30];
	p1 =	sgt.f32 s19, $0.0e+00;
	vm10 =	vnez.u8 v20;
	v46 =	vsel vm4, $0x3F800000, v6;
	vm6 =	vlt.s32 v15, v11  }
0xdd: {  	v32 =	vld [tilespmem:$0x1FF60];
	v20 =	vsel vm10, $0x3F800000, v6;
	(xrf0) =	vmax.scan.msk.f32 $0xffff, v46;
	vm6 =	vmand vm5, vm6;
	vm5 =	vnez.u8 v18  }
0xde: {  	v24 =	vsel vm9, $0xFFFFFFFF, v24;
	v21 =	vlaneseq.u32 @p1;
	(xrf0) =	vmax.scan.msk.f32 $0xffff, v20;
	v18 =	vsel vm5, $0x3F800000, v6  }
0xdf: {  	v23 =	vbroadcast @p1 v12, $0x1;
	v57 =	vsel vm14, $0x1, v7;
	(xrf0) =	vmax.scan.msk.f32 $0xffff, v18;
	v18 =	vsel vm9, $0x3F800000, v6  }
0xe0: {  	vm7 =	vlt.s32 v16, v11;
	p0 =	sgt.f32 s20, $0.0e+00;
	s21 =	spop (v2sf);
	vm1 =	vmand vm1, vm6;
	v47, _, _ =	vpop (xrf0);
	(xrf0) =	vmax.scan.msk.f32 $0xffff, v18;
	v18 =	vimm.s32 $0x0  }
0xe1: {  	vm0 =	vmand vm0, vm7;
	vm7 =	vmand vm2, vm3;
	p3 =	sgt.f32 s21, $0.0e+00;
	v18 =	vsel vm1, $0xFFFFFFFF, v18  }
0xe2: {  	vm3 =	vnez.u8 v48;
	vm2 =	vnez.u8 v32;
	v26 =	vbroadcast @p0 v12, $0x2  }
0xe3: {  	v32 =	vsel vm2, $0x1, v7;
	v25 =	vlaneseq.u32 @p3;
	(v2sf) =	vpush v47, $0xF  }
0xe4: {  	s22 =	spop (v2sf);
	v22 =	vbroadcast @p2 v12, $0x0;
	vm6 =	vmand vm13, vm0;
	vm13 =	vmor vm7, vm1;
	[tilespmem:$0x1FFC0] =	vst v18;
	v18, _, _ =	vpop (xrf0)  }
0xe5: {  	v38 =	vld [tilespmem:$0x1FF80];
	p4 =	sgt.f32 s22, $0.0e+00;
	vm4 =	vmor vm6, vm13;
	(v2sf) =	vpush v18, $0xF;
	v18 =	vsel vm8, $0x3F800000, v6  }
0xe6: {  	v55 =	vld [tilespmem:$0x1FF40];
	v13 =	vadd.s32 v19, v13;
	v19 =	vmul.u32 @p1 $0x10, v21;
	(xrf0) =	vmax.scan.msk.f32 $0xffff, v18;
	v18 =	vsel vm4, $0x3F800000, v6  }
0xe7: {  	v27 =	vbroadcast @p4 v12, $0x4;
	v21 =	vsel vm3, $0x1, v7;
	v60 =	vsel vm10, $0x1, v7  }
0xe8: {  	v20 =	vlaneseq.u32 @p0;
	v19 =	vadd.s32 @p1 v19, v13;
	v13 =	vadd.s32 v21, v13;
	v49, _, _ =	vpop (xrf0);
	(xrf0) =	vmax.scan.msk.f32 $0xffff, v18  }
0xe9: {  	s18 =	simm.s32 @!p3 $0x0;
	v21 =	vbroadcast @p3 v12, $0x3;
	v20 =	vmul.u32 @p0 $0x10, v20;
	s23 =	spop (v2sf);
	(v2sf) =	vpush v49, $0xF;
	v18, _, _ =	vpop (xrf0)  }
0xea: {  	v56 =	vld [tilespmem:$0x1FF50];
	s18 =	simm.s32 @p3 $0x1;
	p5 =	sgt.f32 s23, $0.0e+00;
	vm9 =	vmmov vm12;
	vm12 =	vnez.u8 v38;
	v50, _, _ =	vpop (xrf0);
	(v2sf) =	vpush v18, $0xF  }
0xeb: {  	[smem:$0x7F7] =	sst s18;
	s18 =	simm.s32 @!p4 $0x0;
	vm13 =	vmmov vm15;
	vm15 =	vnez.u8 v55;
	s24 =	spop (v2sf);
	(v2sf) =	vpush v50, $0xF  }
0xec: {  	[tilespmem:$0x1FFA0] =	vst v24;
	s18 =	simm.s32 @p4 $0x1;
	v20 =	vadd.s32 @p0 v20, v13;
	v28 =	vlaneseq.u32 @p5;
	s25 =	spop (v2sf);
	v18 =	vmul.u32 @p3 $0x10, v25  }
0xed: {  	v62 =	vld [tilespmem:$0x1FFA0];
	[smem:$0x7F8] =	sst s18;
	v13 =	vadd.s32 v51, v13;
	s18 =	simm.s32 @!p5 $0x0;
	v28 =	vmul.u32 @p5 $0x10, v28;
	p6 =	sgt.f32 s25, $0.0e+00;
	v25 =	vlaneseq.u32 @p4;
	v53, _, _ =	vpop (xrf0)  }
0xee: {  	s22 =	sld [smem:$0x7F7];
	s18 =	simm.s32 @p5 $0x1;
	v24 =	vmul.u32 @p4 $0x10, v25;
	v18 =	vadd.s32 @p3 v18, v13;
	p3 =	sgt.f32 s24, $0.0e+00;
	(v2sf) =	vpush v53, $0xF;
	v54, _, _ =	vpop (xrf0)  }
0xef: {  	v36 =	vld [tilespmem:$0x1FF70];
	s20 =	simm.s32 @p2 $0x600;
	[smem:$0x7F9] =	sst s18;
	vm1 =	vnez.u8 v56;
	s18 =	simm.s32 @!p6 $0x0;
	v13 =	vadd.s32 v52, v13;
	(v2sf) =	vpush v54, $0xF  }
0xf0: {  	s25 =	sld [smem:$0x7F9];
	[tilespmem:v17+s20+$0x0] =	vst.idx.msk @p2 vm12, v22;
	s20 =	simm.s32 @p1 $0x600;
	s18 =	simm.s32 @p6 $0x1;
	v25 =	vsel vm15, $0x1, v7;
	v24 =	vadd.s32 @p4 v24, v13;
	v29 =	vlaneseq.u32 @p3  }
0xf1: {  	[tilespmem:v19+s20+$0x0] =	vst.idx.msk @p1 vm3, v23;
	s20 =	simm.s32 @p0 $0x600;
	s26 =	spop (v2sf);
	[smem:$0x7FB] =	sst s18;
	v13 =	vadd.s32 v25, v13;
	v25 =	vsel vm1, $0x1, v7;
	v29 =	vmul.u32 @p3 $0x10, v29  }
0xf2: {  	v59 =	vld [tilespmem:$0x1FF90];
	vm0 =	vnez.u8 v62;
	s28 =	spop (v2sf);
	p4 =	sgt.f32 s26, $0.0e+00;
	s19 =	simm.s32 @!p3 $0x0;
	v28 =	vadd.s32 @p5 v28, v13;
	v13 =	vadd.s32 v25, v13  }
0xf3: {  	v30 =	vbroadcast @p5 v12, $0x5;
	s24 =	sld [smem:$0x7F8];
	s19 =	simm.s32 @p3 $0x1;
	v25 =	vadd.s32 @p3 v29, v13;
	v29 =	vbroadcast @p3 v12, $0x6;
	p3 =	sgt.f32 s28, $0.0e+00  }
0xf4: {  	v61 =	vsel vm5, $0x1, v7;
	vm8 =	vnez.u8 v36;
	v31 =	vlaneseq.u32 @p6;
	[tilespmem:v20+s20+$0x0] =	vst.idx.msk @p0 vm11, v26;
	p0 =	seq.s32 s22, $0x1;
	[smem:$0x7FA] =	sst s19;
	s19 =	simm.s32 @!p4 $0x0  }
0xf5: {  	v34 =	vbroadcast @p6 v12, $0x7;
	v31 =	vmul.u32 @p6 $0x10, v31;
	v33 =	vlaneseq.u32 @p4;
	s19 =	simm.s32 @p4 $0x1;
	s28 =	sld [smem:$0x7FA];
	s18 =	simm.s32 @!p3 $0x0  }
0xf6: {  	v36 =	vsel vm8, $0x1, v7;
	v33 =	vmul.u32 @p4 $0x10, v33;
	v13 =	vadd.s32 v32, v13;
	[smem:$0x7FC] =	sst s19;
	s29 =	spop (v2sf);
	s18 =	simm.s32 @p3 $0x1  }
0xf7: {  	vm3 =	vnez.u8 v59;
	v31 =	vadd.s32 @p6 v31, v13;
	v13 =	vadd.s32 v57, v13;
	p6 =	sgt.f32 s29, $0.0e+00;
	[smem:$0x7FD] =	sst s18;
	s18 =	simm.s32 @p0 $0x600  }
0xf8: {  	v63 =	vld [tilespmem:$0x1FFB0];
	v23 =	vsel vm3, $0x1, v7;
	v32 =	vadd.s32 @p4 v33, v13;
	v35 =	vlaneseq.u32 @p3;
	p2 =	seq.s32 s28, $0x1;
	s30 =	spop (v2sf);
	[tilespmem:v18+s18+$0x0] =	vst.idx.msk @p0 vm13, v21;
	p0 =	seq.s32 s24, $0x1  }
0xf9: {  	v33 =	vbroadcast @p4 v12, $0x8;
	v35 =	vmul.u32 @p3 $0x10, v35;
	p5 =	sgt.f32 s30, $0.0e+00;
	v37 =	vlaneseq.u32 @p6;
	s19 =	simm.s32 @p0 $0x600;
	s31 =	spop (v2sf)  }
0xfa: {  	v13 =	vadd.s32 v36, v13;
	v22 =	vbroadcast @p3 v12, $0x9;
	s29 =	sld [smem:$0x7FB];
	v37 =	vmul.u32 @p6 $0x10, v37;
	[tilespmem:v24+s19+$0x0] =	vst.idx.msk @p0 vm15, v27;
	p0 =	seq.s32 s25, $0x1;
	s21 =	spop (v2sf)  }
0xfb: {  	v17 =	vadd.s32 @p3 v35, v13;
	v13 =	vadd.s32 v58, v13;
	v35 =	vlaneseq.u32 @p5;
	s19 =	simm.s32 @p0 $0x600;
	p3 =	sgt.f32 s31, $0.0e+00;
	p4 =	sgt.f32 s21, $0.0e+00  }
0xfc: {  	s18 =	simm.s32 @p2 $0x600;
	s30 =	sld [smem:$0x7FC];
	v20 =	vmul.u32 @p5 $0x10, v35;
	v19 =	vadd.s32 @p6 v37, v13;
	v13 =	vadd.s32 v23, v13;
	[tilespmem:v28+s19+$0x0] =	vst.idx.msk @p0 vm1, v30  }
0xfd: {  	s31 =	sld [smem:$0x7FD];
	vm1 =	vnez.u8 v63;
	[tilespmem:v25+s18+$0x0] =	vst.idx.msk @p2 vm2, v29;
	p2 =	seq.s32 s29, $0x1;
	s23 =	spop (v2sf);
	v21 =	vlaneseq.u32 @p3;
	v23 =	vlaneseq.u32 @p4  }
0xfe: {  	v18 =	vadd.s32 v60, v13;
	s18 =	simm.s32 @p2 $0x600;
	v21 =	vmul.u32 @p3 $0x10, v21;
	s26 =	spop (v2sf);
	p1 =	sgt.f32 s23, $0.0e+00;
	v23 =	vmul.u32 @p4 $0x10, v23  }
0xff: {  	v13 =	vadd.s32 @p5 v20, v13;
	v20 =	vbroadcast @p6 v12, $0xA;
	v24 =	vadd.s32 v61, v18;
	[tilespmem:v31+s18+$0x0] =	vst.idx.msk @p2 vm14, v34;
	p2 =	seq.s32 s30, $0x1;
	p0 =	sgt.f32 s26, $0.0e+00  }
0x100: {  	s18 =	simm.s32 @p2 $0x600;
	v18 =	vadd.s32 @p3 v21, v18;
	v21 =	vadd.s32 @p4 v23, v24;
	v23 =	vlaneseq.u32 @p1  }
0x101: {  	v25 =	vsel vm0, $0x1, v7;
	[tilespmem:v32+s18+$0x0] =	vst.idx.msk @p2 vm8, v33;
	p2 =	seq.s32 s31, $0x1;
	v26 =	vlaneseq.u32 @p0;
	v23 =	vmul.u32 @p1 $0x10, v23  }
0x102: {  	s18 =	simm.s32 @p2 $0x600;
	v24 =	vadd.s32 v25, v24;
	v25 =	vsel vm1, $0x1, v7;
	v26 =	vmul.u32 @p0 $0x10, v26  }
0x103: {  	[tilespmem:v17+s18+$0x0] =	vst.idx.msk @p2 vm9, v22;
	s18 =	simm.s32 @p6 $0x600;
	v22 =	vadd.s32 v25, v24;
	v17 =	vadd.s32 @p1 v23, v24;
	v23 =	vbroadcast @p5 v12, $0xB  }
0x104: {  	[tilespmem:v19+s18+$0x0] =	vst.idx.msk @p6 vm3, v20;
	s18 =	simm.s32 @p5 $0x600;
	v19 =	vbroadcast @p3 v12, $0xC;
	v20 =	vadd.s32 @p0 v26, v22  }
0x105: {  	[tilespmem:v13+s18+$0x0] =	vst.idx.msk @p5 vm10, v23;
	s18 =	simm.s32 @p3 $0x600;
	v13 =	vbroadcast @p4 v12, $0xD  }
0x106: {  	[tilespmem:v18+s18+$0x0] =	vst.idx.msk @p3 vm5, v19;
	s18 =	simm.s32 @p4 $0x600;
	v18 =	vbroadcast @p1 v12, $0xE  }
0x107: {  	v12 =	vbroadcast @p0 v12, $0xF;
	[tilespmem:v21+s18+$0x0] =	vst.idx.msk @p4 vm0, v13;
	s18 =	simm.s32 @p1 $0x600  }
0x108: {  	[tilespmem:v17+s18+$0x0] =	vst.idx.msk @p1 vm1, v18;
	s18 =	simm.s32 @p0 $0x600  }
0x109: {  	[tilespmem:v20+s18+$0x0] =	vst.idx.msk @p0 vm4, v12;
	v12 =	vld [tilespmem:$0x1FFC0]  }
0x10a: {  	s17 =	sadd.s32 $0x40, s17  }
0x10b: {  	p0 =	sne.s32 s17, $0x640  }
.Ltmp1:
0x10c: {  	_ = 	snop;
	(pc) =	sbr.rel @p0 .LBB2_3-.Ltmp1, $4  }
0x10d: {  	v13 =	vsel vm7, $0x1, v7  }
0x10e: {  	v17 =	vadd.s32 v13, v14;
	vm15 =	vnez.u8 v12  }
0x10f: {  	v13 =	vsel vm6, $0x1, v7;
	v14 =	vsel vm4, $0x1, v7;
	v12 =	vsel vm15, $0x1, v7  }
0x110: {  	v16 =	vadd.s32 v13, v16;
	v13 =	vadd.s32 v14, v22;
	v18 =	vadd.s32 v12, v15  }
0x111: {  	v11 =	vor.u32 $0x5, v1  }
0x112: {  	v12 =	vor.u32 $0x6, v1  }
0x113: {  	v14 =	vor.u32 $0x7, v1  }
0x114: {  	v15 =	vor.u32 $0x8, v1  }
0x115: {  	[tilespmem:v5+s15+$0x0] =	vst.idx.msk $0xffff, v13;
	v62 =	vor.u32 $0x9, v1  }
0x116: {  	v63 =	vor.u32 $0xA, v1;
	[tilespmem:v11+s15+$0x0] =	vst.idx.msk $0xffff, v17  }
0x117: {  	[tilespmem:v12+s15+$0x0] =	vst.idx.msk $0xffff, v18  }
0x118: {  	[tilespmem:v14+s15+$0x0] =	vst.idx.msk $0xffff, v16  }
0x119: {  	s16 =	sadd.s32 $0x1, s16;
	[tilespmem:v15+s15+$0x0] =	vst.idx.msk $0xffff, v8  }
0x11a: {  	p0 =	sne.s32 s16, s7;
	[tilespmem:v62+s15+$0x0] =	vst.idx.msk $0xffff, v9  }
.Ltmp2:
0x11b: {  	[tilespmem:v63+s15+$0x0] =	vst.idx.msk $0xffff, v10;
	(pc) =	sbr.rel @p0 .LBB2_2-.Ltmp2, $4  }
0x11c: {  	[hbm4b:s6+s5] =	stream.linear.scatter [tilespmem:s15], [sflag:$0x1], $0x100, $0x38;
	[tilespmem:$0x700] =	vst v63  }
0x11d: {  	_ =	swait.ge [sflag:s11], $0x100  }
0x11e: {  	[sflag:s11] =	ssyncset.done $0x0  }
0x11f: {  	[sflag:s11] =	ssyncadd.s32 $0xFFFFFF00  }
.LBB2_5:
0x120: {  	_ =	sfence.sel $0x180000  }
0x121: {  	[bflag:$0x0] =	sbarrier.arrive $0xFFFF  }
0x122: {  	p0 =	sne.s32 s3, $0x0;
	_ =	strace $0x90000047  }
0x123: {  	s0 =	sadd.s32 @!p0 $0x100000, s1;
	[bflag:$0x2] =	sbarrier.arrive $0xFFFF  }
0x124: {  	[sflag:s0] =	ssyncadd.tile.s32 @!p0 $0x1;
	_ =	shalt  }
.Lfunc_end2:
_tile_overlayer_lowered:
.L_overlay_start_2:
0x125: {  	(tag) =	ssettag $0x2  }
0x126: {  	s0 =	rddreg [dreg:$0x0];
	s2 =	stileid.u32  }
0x127: {  	s1 =	rddreg [dreg:$0x1];
	p0 =	sne.s32 s2, $0x0  }
0x128: {  	s3 =	rddreg [dreg:$0x2];
	[bflag:$0x3] =	sbarrier.arrive $0xFFFF;
	s2 =	simm.s32 @!p0 $0x1C01  }
0x129: {  	[timem:s3], [sflag:s2] =	dma.local @!p0 [hbm:s0], s1  }
0x12a: {  	s0 =	simm.s32 @!p0 $0x1  }
0x12b: {  	_ =	swait.ge @!p0 [sflag:s0], s1  }
0x12c: {  	s1 =	ssub.s32 @!p0 $0x0, s1;
	[sflag:s0] =	ssyncset.done @!p0 $0x0  }
0x12d: {  	[sflag:s0] =	ssyncadd.s32 @!p0 s1  }
0x12e: {  	[bflag:$0x3] =	sbarrier.arrive $0xFFFF  }
0x12f: {  	_ =	shalt  }

</sc_bundles>
